<compile_context>
chip_gen: v7x
topology: tpu7x:2x2x1
jax: 0.10.2.dev20260603
libtpu: 0.0.44.dev20260713+nightly
codegen_flags: <defaults>
</compile_context>

<pallas_src>
import functools

import jax
import jax.numpy as jnp
from jax import lax
from jax.experimental import pallas as pl
from jax.experimental.pallas import tpu as pltpu
from jax.experimental.pallas import tpu_sc as plsc

NTOKEN = 1000000
NINP = 64
B = 16384
L = 50
N = B * L

_info = plsc.get_sparse_core_info()
NC = _info.num_cores
NS = _info.num_subcores
NW = NC * NS
BT = 128
NBT = B // BT
BLK_PER_W = NBT // NW
IDX_PER_BLK = BT * L


def _make_gather():
    mesh = plsc.VectorSubcoreMesh(core_axis_name="c", subcore_axis_name="s")

    @functools.partial(
        pl.kernel,
        mesh=mesh,
        out_type=jax.ShapeDtypeStruct((L, 8, BT, 8, BT), jnp.float32),
        scratch_types=[
            pltpu.VMEM((IDX_PER_BLK,), jnp.int32),
            pltpu.VMEM((L, BT), jnp.int32),
            pltpu.VMEM((BT, NINP), jnp.float32),
            pltpu.VMEM((BT, NINP), jnp.float32),
            pltpu.VMEM((NINP, BT + 1), jnp.float32),
            pltpu.VMEM((NINP, BT + 1), jnp.float32),
            pltpu.SemaphoreType.DMA,
            pltpu.SemaphoreType.DMA,
            pltpu.SemaphoreType.DMA,
            pltpu.SemaphoreType.DMA,
        ],
        compiler_params=pltpu.CompilerParams(use_tc_tiling_on_sc=False,
                                             needs_layout_passes=False),
    )
    def gather_kernel(idx_hbm, table_hbm, out_hbm, idxb, idxT,
                      rows0, rows1, t0, t1, sg0, sg1, sw0, sw1):
        wid = lax.axis_index("s") * NC + lax.axis_index("c")
        rows = (rows0, rows1)
        tbuf = (t0, t1)
        sg = (sg0, sg1)
        sw = (sw0, sw1)
        iota = lax.iota(jnp.int32, 16)
        fvec = tuple(iota + k * 16 for k in range(4))

        def fire_gather(l, par):
            pltpu.async_copy(table_hbm.at[idxT.at[l]], rows[par], sg[par])

        def wait_gather(par):
            pltpu.make_async_copy(table_hbm.at[idxT.at[0]], rows[par],
                                  sg[par]).wait()

        def transpose_group(par):
            r = rows[par]
            t = tbuf[par]

            @plsc.parallel_loop(0, BT, step=1, unroll=8)
            def _(b):
                col = jnp.zeros((16,), jnp.int32) + b
                for k in range(4):
                    v = r[b, pl.ds(k * 16, 16)]
                    plsc.store_scatter(t, [fvec[k], col], v)

        def fire_write(l, bt, par):
            for ft in range(8):
                pltpu.async_copy(
                    tbuf[par].at[pl.ds(ft * 8, 8), pl.ds(0, BT)],
                    out_hbm.at[l, ft, bt], sw[par])

        def drain_write(l, bt, par):
            for ft in range(8):
                pltpu.make_async_copy(
                    tbuf[par].at[pl.ds(ft * 8, 8), pl.ds(0, BT)],
                    out_hbm.at[0, ft, 0], sw[par]).wait()

        def block(k, carry):
            bt = wid * BLK_PER_W + k
            pltpu.sync_copy(idx_hbm.at[pl.ds(bt * IDX_PER_BLK, IDX_PER_BLK)],
                            idxb)
            @plsc.parallel_loop(0, L, step=1, unroll=5)
            def _(l):
                for bg in range(8):
                    v = plsc.load_gather(idxb, [iota * L + (bg * 16 * L + l)])
                    idxT[l, pl.ds(bg * 16, 16)] = v + v

            fire_gather(0, 0)

            def body(i, carry2):
                for par in range(2):
                    l = i * 2 + par
                    nxt = l + 1

                    @pl.when(nxt < L)
                    def _():
                        fire_gather(nxt, 1 - par)

                    wait_gather(par)

                    @pl.when(k * L + l >= 2)
                    def _():
                        drain_write(0, 0, par)

                    transpose_group(par)
                    fire_write(l, bt, par)
                return carry2

            lax.fori_loop(0, L // 2, body, 0)
            return carry

        lax.fori_loop(0, BLK_PER_W, block, 0)

        for par in range(2):
            drain_write(0, 0, par)

    return gather_kernel


_gather = _make_gather()


def kernel(input, weight):
    idx_flat = input.reshape(N)
    wpad = jnp.pad(weight, ((0, 0), (0, NINP))).reshape(2 * NTOKEN, NINP)
    v5 = _gather(idx_flat, wpad)
    return v5.transpose(2, 4, 0, 1, 3).reshape(B, L, NINP)

# --- scband reference (transcript-rebuilt; emitter-appended) ---
"""Pipeline reference for scband-word2-vec-encoder-94489281157 (READ-ONLY COPY).

The authoritative reference and input builder live on the scoring server;
editing this copy changes nothing except your own understanding.
"""

import jax, jax.numpy as jnp
import numpy as np

NTOKEN = 1000000
NINP = 64
B = 16384
L = 50

def setup_inputs(seed: int = 0) -> dict:
    key = jax.random.key(seed)
    k_idx, k_w = jax.random.split(key)
    input = jax.random.randint(k_idx, (B, L), 0, NTOKEN, dtype=jnp.int64 if jax.config.jax_enable_x64 else jnp.int32).astype(jnp.int32)
    weight = jax.random.uniform(k_w, (NTOKEN, NINP), dtype=jnp.float32, minval=-0.1, maxval=0.1)
    return {"input": input, "weight": weight}

def reference(input, weight):
    # Embedding lookup: gather rows of weight table.
    emb = jnp.take(weight, input, axis=0)
    # Dropout is identity in eval/inference mode.
    return emb

if __name__ == "__main__":
    import jax
    _d = setup_inputs()
    print(jax.jit(kernel)(*tuple(_d.values())))

</pallas_src>

<mosaic_0001>
#map = affine_map<(d0, d1) -> (0)>
#map1 = affine_map<(d0, d1) -> (0, 0)>
#map2 = affine_map<(d0, d1) -> (0, 0, 0, 0, 0)>
module attributes {stable_mosaic.version = 14 : i64} {
  func.func @gather_kernel(%arg0: i32, %arg1: i32, %arg2: memref<819200xi32, #tpu.memory_space<hbm>>, %arg3: memref<2000000x64xf32, #tpu.memory_space<hbm>>, %arg4: memref<50x8x128x8x128xf32, #tpu.memory_space<hbm>>, %arg5: memref<6400xi32, #tpu.memory_space<vmem>>, %arg6: memref<50x128xi32, #tpu.memory_space<vmem>>, %arg7: memref<128x64xf32, #tpu.memory_space<vmem>>, %arg8: memref<128x64xf32, #tpu.memory_space<vmem>>, %arg9: memref<64x129xf32, #tpu.memory_space<vmem>>, %arg10: memref<64x129xf32, #tpu.memory_space<vmem>>, %arg11: memref<!tpu.dma_semaphore, #tpu.memory_space<semaphore_mem>>, %arg12: memref<!tpu.dma_semaphore, #tpu.memory_space<semaphore_mem>>, %arg13: memref<!tpu.dma_semaphore, #tpu.memory_space<semaphore_mem>>, %arg14: memref<!tpu.dma_semaphore, #tpu.memory_space<semaphore_mem>>) attributes {dimension_semantics = [#tpu.dimension_semantics<core_parallel>, #tpu.dimension_semantics<subcore_parallel>], iteration_bounds = array<i64: 2, 16>, scalar_prefetch = 0 : i64, scratch_operands = 10 : i64, tpu.core_type = #tpu.core_type<sc_vector_subcore>, window_params = [{transform_indices = #map}, {transform_indices = #map1}, {transform_indices = #map2}]} {
    %mul3A = arith.constant 2 : i32
    %mul3A_0 = arith.muli %arg1, %mul3A : i32
    %add3A = arith.addi %mul3A_0, %arg0 : i32
    %iota3A = tpu.iota {dimensions = array<i32: 0>} : vector<16xi32>
    %add3A_1 = arith.constant 0 : i32
    %add3A_2 = vector.broadcast %add3A_1 : i32 to vector<16xi32>
    %add3A_3 = arith.addi %iota3A, %add3A_2 : vector<16xi32>
    %add3A_4 = arith.constant 16 : i32
    %add3A_5 = vector.broadcast %add3A_4 : i32 to vector<16xi32>
    %add3A_6 = arith.addi %iota3A, %add3A_5 : vector<16xi32>
    %add3A_7 = arith.constant 32 : i32
    %add3A_8 = vector.broadcast %add3A_7 : i32 to vector<16xi32>
    %add3A_9 = arith.addi %iota3A, %add3A_8 : vector<16xi32>
    %add3A_10 = arith.constant 48 : i32
    %add3A_11 = vector.broadcast %add3A_10 : i32 to vector<16xi32>
    %add3A_12 = arith.addi %iota3A, %add3A_11 : vector<16xi32>
    %scan3A = arith.constant 0 : i32
    %scan3A_13 = arith.constant 0 : i32
    %scan3A_14 = arith.constant 4 : i32
    %scan3A_15 = arith.addi %scan3A_13, %scan3A_14 : i32
    %scan3A_16 = arith.constant 1 : i32
    scf.for %scan3A_289 = %scan3A_13 to %scan3A_15 step %scan3A_16  : i32 {
      %mul3A_290 = arith.constant 4 : i32
      %mul3A_291 = arith.muli %add3A, %mul3A_290 : i32
      %add3A_292 = arith.addi %mul3A_291, %scan3A_289 : i32
      %mul3A_293 = arith.constant 6400 : i32
      %mul3A_294 = arith.muli %add3A_292, %mul3A_293 : i32
      "tpu.region"() ({
        %run_scoped3A = tpu.sem_alloc : memref<!tpu.dma_semaphore, #tpu.memory_space<semaphore_mem>>
        %dma_start3A_309 = tpu.memref_slice %arg2[%mul3A_294] : memref<819200xi32, #tpu.memory_space<hbm>> -> memref<6400xi32, #tpu.memory_space<hbm>>
        %dma_start3A_310 = tpu.memref_slice %arg2[%mul3A_294] : memref<819200xi32, #tpu.memory_space<hbm>> -> memref<6400xi32, #tpu.memory_space<hbm>>
        tpu.enqueue_dma source(%dma_start3A_310 : memref<6400xi32, #tpu.memory_space<hbm>>) target(%arg5 : memref<6400xi32, #tpu.memory_space<vmem>>) target_semaphore(%run_scoped3A : memref<!tpu.dma_semaphore, #tpu.memory_space<semaphore_mem>>)
        %dma_wait3A_311 = tpu.memref_slice %arg2[%mul3A_294] : memref<819200xi32, #tpu.memory_space<hbm>> -> memref<6400xi32, #tpu.memory_space<hbm>>
        %dma_wait3A_312 = tpu.memref_slice %arg2[%mul3A_294] : memref<819200xi32, #tpu.memory_space<hbm>> -> memref<6400xi32, #tpu.memory_space<hbm>>
        tpu.wait_dma2 semaphore(%run_scoped3A : memref<!tpu.dma_semaphore, #tpu.memory_space<semaphore_mem>>) src(%dma_wait3A_312 : memref<6400xi32, #tpu.memory_space<hbm>>) dst(%arg5 : memref<6400xi32, #tpu.memory_space<vmem>>)
        tpu.yield
      }) : () -> ()
      %parallel_loop3A = arith.constant 0 : i32
      %parallel_loop3A_295 = arith.constant 50 : i32
      %parallel_loop3A_296 = arith.constant 1 : i32
      scf.for %parallel_loop3A_309 = %parallel_loop3A to %parallel_loop3A_295 step %parallel_loop3A_296  : i32 {
        %parallel_loop3A_310 = arith.constant 50 : i32
        %parallel_loop3A_311 = vector.broadcast %parallel_loop3A_310 : i32 to vector<16xi32>
        %parallel_loop3A_312 = arith.muli %iota3A, %parallel_loop3A_311 : vector<16xi32>
        %parallel_loop3A_313 = arith.constant 0 : i32
        %parallel_loop3A_314 = arith.addi %parallel_loop3A_313, %parallel_loop3A_309 : i32
        %parallel_loop3A_315 = vector.broadcast %parallel_loop3A_314 : i32 to vector<16xi32>
        %parallel_loop3A_316 = arith.addi %parallel_loop3A_312, %parallel_loop3A_315 : vector<16xi32>
        %parallel_loop3A_317 = tpu.vector_load_idx %arg5[%parallel_loop3A_316] : memref<6400xi32, #tpu.memory_space<vmem>>[vector<16xi32>], vector<16xi32>,
        %parallel_loop3A_318 = arith.addi %parallel_loop3A_317, %parallel_loop3A_317 : vector<16xi32>
        %parallel_loop3A_319 = arith.index_cast %parallel_loop3A_309 : i32 to index
        %parallel_loop3A_320 = arith.constant 0 : index
        %parallel_loop3A_321 = tpu.vector_load %arg6[%parallel_loop3A_319, %parallel_loop3A_320] {strides = array<i32>} : memref<50x128xi32, #tpu.memory_space<vmem>>, vector<16xi32>,
        tpu.vector_store %arg6[%parallel_loop3A_319, %parallel_loop3A_320], %parallel_loop3A_318 {strides = array<i32>} : memref<50x128xi32, #tpu.memory_space<vmem>>, vector<16xi32>,
        %parallel_loop3A_322 = arith.constant 50 : i32
        %parallel_loop3A_323 = vector.broadcast %parallel_loop3A_322 : i32 to vector<16xi32>
        %parallel_loop3A_324 = arith.muli %iota3A, %parallel_loop3A_323 : vector<16xi32>
        %parallel_loop3A_325 = arith.constant 800 : i32
        %parallel_loop3A_326 = arith.addi %parallel_loop3A_325, %parallel_loop3A_309 : i32
        %parallel_loop3A_327 = vector.broadcast %parallel_loop3A_326 : i32 to vector<16xi32>
        %parallel_loop3A_328 = arith.addi %parallel_loop3A_324, %parallel_loop3A_327 : vector<16xi32>
        %parallel_loop3A_329 = tpu.vector_load_idx %arg5[%parallel_loop3A_328] : memref<6400xi32, #tpu.memory_space<vmem>>[vector<16xi32>], vector<16xi32>,
        %parallel_loop3A_330 = arith.addi %parallel_loop3A_329, %parallel_loop3A_329 : vector<16xi32>
        %parallel_loop3A_331 = arith.index_cast %parallel_loop3A_309 : i32 to index
        %parallel_loop3A_332 = arith.constant 16 : index
        %parallel_loop3A_333 = tpu.vector_load %arg6[%parallel_loop3A_331, %parallel_loop3A_332] {strides = array<i32>} : memref<50x128xi32, #tpu.memory_space<vmem>>, vector<16xi32>,
        tpu.vector_store %arg6[%parallel_loop3A_331, %parallel_loop3A_332], %parallel_loop3A_330 {strides = array<i32>} : memref<50x128xi32, #tpu.memory_space<vmem>>, vector<16xi32>,
        %parallel_loop3A_334 = arith.constant 50 : i32
        %parallel_loop3A_335 = vector.broadcast %parallel_loop3A_334 : i32 to vector<16xi32>
        %parallel_loop3A_336 = arith.muli %iota3A, %parallel_loop3A_335 : vector<16xi32>
        %parallel_loop3A_337 = arith.constant 1600 : i32
        %parallel_loop3A_338 = arith.addi %parallel_loop3A_337, %parallel_loop3A_309 : i32
        %parallel_loop3A_339 = vector.broadcast %parallel_loop3A_338 : i32 to vector<16xi32>
        %parallel_loop3A_340 = arith.addi %parallel_loop3A_336, %parallel_loop3A_339 : vector<16xi32>
        %parallel_loop3A_341 = tpu.vector_load_idx %arg5[%parallel_loop3A_340] : memref<6400xi32, #tpu.memory_space<vmem>>[vector<16xi32>], vector<16xi32>,
        %parallel_loop3A_342 = arith.addi %parallel_loop3A_341, %parallel_loop3A_341 : vector<16xi32>
        %parallel_loop3A_343 = arith.index_cast %parallel_loop3A_309 : i32 to index
        %parallel_loop3A_344 = arith.constant 32 : index
        %parallel_loop3A_345 = tpu.vector_load %arg6[%parallel_loop3A_343, %parallel_loop3A_344] {strides = array<i32>} : memref<50x128xi32, #tpu.memory_space<vmem>>, vector<16xi32>,
        tpu.vector_store %arg6[%parallel_loop3A_343, %parallel_loop3A_344], %parallel_loop3A_342 {strides = array<i32>} : memref<50x128xi32, #tpu.memory_space<vmem>>, vector<16xi32>,
        %parallel_loop3A_346 = arith.constant 50 : i32
        %parallel_loop3A_347 = vector.broadcast %parallel_loop3A_346 : i32 to vector<16xi32>
        %parallel_loop3A_348 = arith.muli %iota3A, %parallel_loop3A_347 : vector<16xi32>
        %parallel_loop3A_349 = arith.constant 2400 : i32
        %parallel_loop3A_350 = arith.addi %parallel_loop3A_349, %parallel_loop3A_309 : i32
        %parallel_loop3A_351 = vector.broadcast %parallel_loop3A_350 : i32 to vector<16xi32>
        %parallel_loop3A_352 = arith.addi %parallel_loop3A_348, %parallel_loop3A_351 : vector<16xi32>
        %parallel_loop3A_353 = tpu.vector_load_idx %arg5[%parallel_loop3A_352] : memref<6400xi32, #tpu.memory_space<vmem>>[vector<16xi32>], vector<16xi32>,
        %parallel_loop3A_354 = arith.addi %parallel_loop3A_353, %parallel_loop3A_353 : vector<16xi32>
        %parallel_loop3A_355 = arith.index_cast %parallel_loop3A_309 : i32 to index
        %parallel_loop3A_356 = arith.constant 48 : index
        %parallel_loop3A_357 = tpu.vector_load %arg6[%parallel_loop3A_355, %parallel_loop3A_356] {strides = array<i32>} : memref<50x128xi32, #tpu.memory_space<vmem>>, vector<16xi32>,
        tpu.vector_store %arg6[%parallel_loop3A_355, %parallel_loop3A_356], %parallel_loop3A_354 {strides = array<i32>} : memref<50x128xi32, #tpu.memory_space<vmem>>, vector<16xi32>,
        %parallel_loop3A_358 = arith.constant 50 : i32
        %parallel_loop3A_359 = vector.broadcast %parallel_loop3A_358 : i32 to vector<16xi32>
        %parallel_loop3A_360 = arith.muli %iota3A, %parallel_loop3A_359 : vector<16xi32>
        %parallel_loop3A_361 = arith.constant 3200 : i32
        %parallel_loop3A_362 = arith.addi %parallel_loop3A_361, %parallel_loop3A_309 : i32
        %parallel_loop3A_363 = vector.broadcast %parallel_loop3A_362 : i32 to vector<16xi32>
        %parallel_loop3A_364 = arith.addi %parallel_loop3A_360, %parallel_loop3A_363 : vector<16xi32>
        %parallel_loop3A_365 = tpu.vector_load_idx %arg5[%parallel_loop3A_364] : memref<6400xi32, #tpu.memory_space<vmem>>[vector<16xi32>], vector<16xi32>,
        %parallel_loop3A_366 = arith.addi %parallel_loop3A_365, %parallel_loop3A_365 : vector<16xi32>
        %parallel_loop3A_367 = arith.index_cast %parallel_loop3A_309 : i32 to index
        %parallel_loop3A_368 = arith.constant 64 : index
        %parallel_loop3A_369 = tpu.vector_load %arg6[%parallel_loop3A_367, %parallel_loop3A_368] {strides = array<i32>} : memref<50x128xi32, #tpu.memory_space<vmem>>, vector<16xi32>,
        tpu.vector_store %arg6[%parallel_loop3A_367, %parallel_loop3A_368], %parallel_loop3A_366 {strides = array<i32>} : memref<50x128xi32, #tpu.memory_space<vmem>>, vector<16xi32>,
        %parallel_loop3A_370 = arith.constant 50 : i32
        %parallel_loop3A_371 = vector.broadcast %parallel_loop3A_370 : i32 to vector<16xi32>
        %parallel_loop3A_372 = arith.muli %iota3A, %parallel_loop3A_371 : vector<16xi32>
        %parallel_loop3A_373 = arith.constant 4000 : i32
        %parallel_loop3A_374 = arith.addi %parallel_loop3A_373, %parallel_loop3A_309 : i32
        %parallel_loop3A_375 = vector.broadcast %parallel_loop3A_374 : i32 to vector<16xi32>
        %parallel_loop3A_376 = arith.addi %parallel_loop3A_372, %parallel_loop3A_375 : vector<16xi32>
        %parallel_loop3A_377 = tpu.vector_load_idx %arg5[%parallel_loop3A_376] : memref<6400xi32, #tpu.memory_space<vmem>>[vector<16xi32>], vector<16xi32>,
        %parallel_loop3A_378 = arith.addi %parallel_loop3A_377, %parallel_loop3A_377 : vector<16xi32>
        %parallel_loop3A_379 = arith.index_cast %parallel_loop3A_309 : i32 to index
        %parallel_loop3A_380 = arith.constant 80 : index
        %parallel_loop3A_381 = tpu.vector_load %arg6[%parallel_loop3A_379, %parallel_loop3A_380] {strides = array<i32>} : memref<50x128xi32, #tpu.memory_space<vmem>>, vector<16xi32>,
        tpu.vector_store %arg6[%parallel_loop3A_379, %parallel_loop3A_380], %parallel_loop3A_378 {strides = array<i32>} : memref<50x128xi32, #tpu.memory_space<vmem>>, vector<16xi32>,
        %parallel_loop3A_382 = arith.constant 50 : i32
        %parallel_loop3A_383 = vector.broadcast %parallel_loop3A_382 : i32 to vector<16xi32>
        %parallel_loop3A_384 = arith.muli %iota3A, %parallel_loop3A_383 : vector<16xi32>
        %parallel_loop3A_385 = arith.constant 4800 : i32
        %parallel_loop3A_386 = arith.addi %parallel_loop3A_385, %parallel_loop3A_309 : i32
        %parallel_loop3A_387 = vector.broadcast %parallel_loop3A_386 : i32 to vector<16xi32>
        %parallel_loop3A_388 = arith.addi %parallel_loop3A_384, %parallel_loop3A_387 : vector<16xi32>
        %parallel_loop3A_389 = tpu.vector_load_idx %arg5[%parallel_loop3A_388] : memref<6400xi32, #tpu.memory_space<vmem>>[vector<16xi32>], vector<16xi32>,
        %parallel_loop3A_390 = arith.addi %parallel_loop3A_389, %parallel_loop3A_389 : vector<16xi32>
        %parallel_loop3A_391 = arith.index_cast %parallel_loop3A_309 : i32 to index
        %parallel_loop3A_392 = arith.constant 96 : index
        %parallel_loop3A_393 = tpu.vector_load %arg6[%parallel_loop3A_391, %parallel_loop3A_392] {strides = array<i32>} : memref<50x128xi32, #tpu.memory_space<vmem>>, vector<16xi32>,
        tpu.vector_store %arg6[%parallel_loop3A_391, %parallel_loop3A_392], %parallel_loop3A_390 {strides = array<i32>} : memref<50x128xi32, #tpu.memory_space<vmem>>, vector<16xi32>,
        %parallel_loop3A_394 = arith.constant 50 : i32
        %parallel_loop3A_395 = vector.broadcast %parallel_loop3A_394 : i32 to vector<16xi32>
        %parallel_loop3A_396 = arith.muli %iota3A, %parallel_loop3A_395 : vector<16xi32>
        %parallel_loop3A_397 = arith.constant 5600 : i32
        %parallel_loop3A_398 = arith.addi %parallel_loop3A_397, %parallel_loop3A_309 : i32
        %parallel_loop3A_399 = vector.broadcast %parallel_loop3A_398 : i32 to vector<16xi32>
        %parallel_loop3A_400 = arith.addi %parallel_loop3A_396, %parallel_loop3A_399 : vector<16xi32>
        %parallel_loop3A_401 = tpu.vector_load_idx %arg5[%parallel_loop3A_400] : memref<6400xi32, #tpu.memory_space<vmem>>[vector<16xi32>], vector<16xi32>,
        %parallel_loop3A_402 = arith.addi %parallel_loop3A_401, %parallel_loop3A_401 : vector<16xi32>
        %parallel_loop3A_403 = arith.index_cast %parallel_loop3A_309 : i32 to index
        %parallel_loop3A_404 = arith.constant 112 : index
        %parallel_loop3A_405 = tpu.vector_load %arg6[%parallel_loop3A_403, %parallel_loop3A_404] {strides = array<i32>} : memref<50x128xi32, #tpu.memory_space<vmem>>, vector<16xi32>,
        tpu.vector_store %arg6[%parallel_loop3A_403, %parallel_loop3A_404], %parallel_loop3A_402 {strides = array<i32>} : memref<50x128xi32, #tpu.memory_space<vmem>>, vector<16xi32>,
      } {sc.loop_unroll_factor = 5 : i64, sc.parallel_access}
      %dma_start3A = arith.constant 0 : i32
      %dma_start3A_297 = arith.constant 0 : i32
      %dma_start3A_298 = tpu.memref_slice %arg6[%dma_start3A, %dma_start3A_297] : memref<50x128xi32, #tpu.memory_space<vmem>> -> memref<1x128xi32, #tpu.memory_space<vmem>>
      %dma_start3A_299 = tpu.memref_squeeze %dma_start3A_298 : memref<1x128xi32, #tpu.memory_space<vmem>> -> memref<128xi32, #tpu.memory_space<vmem>>
      %dma_start3A_300 = arith.constant 0 : i32
      %dma_start3A_301 = arith.constant 0 : i32
      %dma_start3A_302 = tpu.memref_slice %arg3[%dma_start3A_300, %dma_start3A_301] : memref<2000000x64xf32, #tpu.memory_space<hbm>> -> memref<2000000x64xf32, #tpu.memory_space<hbm>>
      tpu.enqueue_indirect_dma source(%dma_start3A_302 : memref<2000000x64xf32, #tpu.memory_space<hbm>>) target(%arg7 : memref<128x64xf32, #tpu.memory_space<vmem>>) offsets(%dma_start3A_299 : memref<128xi32, #tpu.memory_space<vmem>>) semaphore(%arg11 : memref<!tpu.dma_semaphore, #tpu.memory_space<semaphore_mem>>)
      %scan3A_303 = arith.constant 0 : i32
      %scan3A_304 = arith.constant 0 : i32
      %scan3A_305 = arith.constant 25 : i32
      %scan3A_306 = arith.addi %scan3A_304, %scan3A_305 : i32
      %scan3A_307 = arith.constant 1 : i32
      scf.for %scan3A_309 = %scan3A_304 to %scan3A_306 step %scan3A_307  : i32 {
        %mul3A_310 = arith.constant 2 : i32
        %mul3A_311 = arith.muli %scan3A_309, %mul3A_310 : i32
        %add3A_312 = arith.constant 0 : i32
        %add3A_313 = arith.addi %mul3A_311, %add3A_312 : i32
        %add3A_314 = arith.constant 1 : i32
        %add3A_315 = arith.addi %add3A_313, %add3A_314 : i32
        %lt3A = arith.constant 50 : i32
        %lt3A_316 = arith.cmpi slt, %add3A_315, %lt3A : i32
        %convert_element_type3A = arith.extui %lt3A_316 : i1 to i32
        %cond3A = arith.constant 0 : i32
        %cond3A_317 = arith.cmpi ne, %convert_element_type3A, %cond3A : i32
        scf.if %cond3A_317 {
          %dma_start3A_604 = arith.constant 0 : i32
          %dma_start3A_605 = tpu.memref_slice %arg6[%add3A_315, %dma_start3A_604] : memref<50x128xi32, #tpu.memory_space<vmem>> -> memref<1x128xi32, #tpu.memory_space<vmem>>
          %dma_start3A_606 = tpu.memref_squeeze %dma_start3A_605 : memref<1x128xi32, #tpu.memory_space<vmem>> -> memref<128xi32, #tpu.memory_space<vmem>>
          %dma_start3A_607 = arith.constant 0 : i32
          %dma_start3A_608 = arith.constant 0 : i32
          %dma_start3A_609 = tpu.memref_slice %arg3[%dma_start3A_607, %dma_start3A_608] : memref<2000000x64xf32, #tpu.memory_space<hbm>> -> memref<2000000x64xf32, #tpu.memory_space<hbm>>
          tpu.enqueue_indirect_dma source(%dma_start3A_609 : memref<2000000x64xf32, #tpu.memory_space<hbm>>) target(%arg8 : memref<128x64xf32, #tpu.memory_space<vmem>>) offsets(%dma_start3A_606 : memref<128xi32, #tpu.memory_space<vmem>>) semaphore(%arg12 : memref<!tpu.dma_semaphore, #tpu.memory_space<semaphore_mem>>)
        } else {
        }
        %dma_wait3A_318 = arith.constant 0 : i32
        %dma_wait3A_319 = arith.constant 0 : i32
        %dma_wait3A_320 = tpu.memref_slice %arg6[%dma_wait3A_318, %dma_wait3A_319] : memref<50x128xi32, #tpu.memory_space<vmem>> -> memref<1x128xi32, #tpu.memory_space<vmem>>
        %dma_wait3A_321 = tpu.memref_squeeze %dma_wait3A_320 : memref<1x128xi32, #tpu.memory_space<vmem>> -> memref<128xi32, #tpu.memory_space<vmem>>
        %dma_wait3A_322 = arith.constant 0 : i32
        %dma_wait3A_323 = arith.constant 0 : i32
        %dma_wait3A_324 = tpu.memref_slice %arg3[%dma_wait3A_322, %dma_wait3A_323] : memref<2000000x64xf32, #tpu.memory_space<hbm>> -> memref<2000000x64xf32, #tpu.memory_space<hbm>>
        tpu.wait_indirect_dma semaphore(%arg11 : memref<!tpu.dma_semaphore, #tpu.memory_space<semaphore_mem>>) src(%dma_wait3A_324 : memref<2000000x64xf32, #tpu.memory_space<hbm>>) dst(%arg7 : memref<128x64xf32, #tpu.memory_space<vmem>>)
        %mul3A_325 = arith.constant 50 : i32
        %mul3A_326 = arith.muli %scan3A_289, %mul3A_325 : i32
        %add3A_327 = arith.addi %mul3A_326, %add3A_313 : i32
        %ge3A = arith.constant 2 : i32
        %ge3A_328 = arith.cmpi sge, %add3A_327, %ge3A : i32
        %convert_element_type3A_329 = arith.extui %ge3A_328 : i1 to i32
        %cond3A_330 = arith.constant 0 : i32
        %cond3A_331 = arith.cmpi ne, %convert_element_type3A_329, %cond3A_330 : i32
        scf.if %cond3A_331 {
          %dma_wait3A_604 = arith.constant 0 : i32
          %dma_wait3A_605 = arith.constant 0 : i32
          %dma_wait3A_606 = arith.constant 0 : i32
          %dma_wait3A_607 = arith.constant 0 : i32
          %dma_wait3A_608 = arith.constant 0 : i32
          %dma_wait3A_609 = tpu.memref_slice %arg9[%dma_wait3A_607, %dma_wait3A_608] : memref<64x129xf32, #tpu.memory_space<vmem>> -> memref<8x128xf32, #tpu.memory_space<vmem>>
          %dma_wait3A_610 = arith.constant 0 : i32
          %dma_wait3A_611 = arith.constant 0 : i32
          %dma_wait3A_612 = tpu.memref_slice %arg4[%dma_wait3A_604, %dma_wait3A_605, %dma_wait3A_606, %dma_wait3A_610, %dma_wait3A_611] : memref<50x8x128x8x128xf32, #tpu.memory_space<hbm>> -> memref<1x1x1x8x128xf32, #tpu.memory_space<hbm>>
          %dma_wait3A_613 = tpu.memref_squeeze %dma_wait3A_612 : memref<1x1x1x8x128xf32, #tpu.memory_space<hbm>> -> memref<8x128xf32, #tpu.memory_space<hbm>>
          %dma_wait3A_614 = arith.constant 0 : i32
          %dma_wait3A_615 = arith.constant 0 : i32
          %dma_wait3A_616 = tpu.memref_slice %arg4[%dma_wait3A_604, %dma_wait3A_605, %dma_wait3A_606, %dma_wait3A_614, %dma_wait3A_615] : memref<50x8x128x8x128xf32, #tpu.memory_space<hbm>> -> memref<1x1x1x8x128xf32, #tpu.memory_space<hbm>>
          %dma_wait3A_617 = tpu.memref_squeeze %dma_wait3A_616 : memref<1x1x1x8x128xf32, #tpu.memory_space<hbm>> -> memref<8x128xf32, #tpu.memory_space<hbm>>
          %dma_wait3A_618 = arith.constant 0 : i32
          %dma_wait3A_619 = arith.constant 0 : i32
          %dma_wait3A_620 = tpu.memref_slice %arg9[%dma_wait3A_618, %dma_wait3A_619] : memref<64x129xf32, #tpu.memory_space<vmem>> -> memref<8x128xf32, #tpu.memory_space<vmem>>
          tpu.wait_dma2 semaphore(%arg13 : memref<!tpu.dma_semaphore, #tpu.memory_space<semaphore_mem>>) src(%dma_wait3A_620 : memref<8x128xf32, #tpu.memory_space<vmem>>) dst(%dma_wait3A_617 : memref<8x128xf32, #tpu.memory_space<hbm>>)
          %dma_wait3A_621 = arith.constant 0 : i32
          %dma_wait3A_622 = arith.constant 1 : i32
          %dma_wait3A_623 = arith.constant 0 : i32
          %dma_wait3A_624 = arith.constant 8 : i32
          %dma_wait3A_625 = arith.constant 0 : i32
          %dma_wait3A_626 = tpu.memref_slice %arg9[%dma_wait3A_624, %dma_wait3A_625] : memref<64x129xf32, #tpu.memory_space<vmem>> -> memref<8x128xf32, #tpu.memory_space<vmem>>
          %dma_wait3A_627 = arith.constant 0 : i32
          %dma_wait3A_628 = arith.constant 0 : i32
          %dma_wait3A_629 = tpu.memref_slice %arg4[%dma_wait3A_621, %dma_wait3A_622, %dma_wait3A_623, %dma_wait3A_627, %dma_wait3A_628] : memref<50x8x128x8x128xf32, #tpu.memory_space<hbm>> -> memref<1x1x1x8x128xf32, #tpu.memory_space<hbm>>
          %dma_wait3A_630 = tpu.memref_squeeze %dma_wait3A_629 : memref<1x1x1x8x128xf32, #tpu.memory_space<hbm>> -> memref<8x128xf32, #tpu.memory_space<hbm>>
          %dma_wait3A_631 = arith.constant 0 : i32
          %dma_wait3A_632 = arith.constant 0 : i32
          %dma_wait3A_633 = tpu.memref_slice %arg4[%dma_wait3A_621, %dma_wait3A_622, %dma_wait3A_623, %dma_wait3A_631, %dma_wait3A_632] : memref<50x8x128x8x128xf32, #tpu.memory_space<hbm>> -> memref<1x1x1x8x128xf32, #tpu.memory_space<hbm>>
          %dma_wait3A_634 = tpu.memref_squeeze %dma_wait3A_633 : memref<1x1x1x8x128xf32, #tpu.memory_space<hbm>> -> memref<8x128xf32, #tpu.memory_space<hbm>>
          %dma_wait3A_635 = arith.constant 8 : i32
          %dma_wait3A_636 = arith.constant 0 : i32
          %dma_wait3A_637 = tpu.memref_slice %arg9[%dma_wait3A_635, %dma_wait3A_636] : memref<64x129xf32, #tpu.memory_space<vmem>> -> memref<8x128xf32, #tpu.memory_space<vmem>>
          tpu.wait_dma2 semaphore(%arg13 : memref<!tpu.dma_semaphore, #tpu.memory_space<semaphore_mem>>) src(%dma_wait3A_637 : memref<8x128xf32, #tpu.memory_space<vmem>>) dst(%dma_wait3A_634 : memref<8x128xf32, #tpu.memory_space<hbm>>)
          %dma_wait3A_638 = arith.constant 0 : i32
          %dma_wait3A_639 = arith.constant 2 : i32
          %dma_wait3A_640 = arith.constant 0 : i32
          %dma_wait3A_641 = arith.constant 16 : i32
          %dma_wait3A_642 = arith.constant 0 : i32
          %dma_wait3A_643 = tpu.memref_slice %arg9[%dma_wait3A_641, %dma_wait3A_642] : memref<64x129xf32, #tpu.memory_space<vmem>> -> memref<8x128xf32, #tpu.memory_space<vmem>>
          %dma_wait3A_644 = arith.constant 0 : i32
          %dma_wait3A_645 = arith.constant 0 : i32
          %dma_wait3A_646 = tpu.memref_slice %arg4[%dma_wait3A_638, %dma_wait3A_639, %dma_wait3A_640, %dma_wait3A_644, %dma_wait3A_645] : memref<50x8x128x8x128xf32, #tpu.memory_space<hbm>> -> memref<1x1x1x8x128xf32, #tpu.memory_space<hbm>>
          %dma_wait3A_647 = tpu.memref_squeeze %dma_wait3A_646 : memref<1x1x1x8x128xf32, #tpu.memory_space<hbm>> -> memref<8x128xf32, #tpu.memory_space<hbm>>
          %dma_wait3A_648 = arith.constant 0 : i32
          %dma_wait3A_649 = arith.constant 0 : i32
          %dma_wait3A_650 = tpu.memref_slice %arg4[%dma_wait3A_638, %dma_wait3A_639, %dma_wait3A_640, %dma_wait3A_648, %dma_wait3A_649] : memref<50x8x128x8x128xf32, #tpu.memory_space<hbm>> -> memref<1x1x1x8x128xf32, #tpu.memory_space<hbm>>
          %dma_wait3A_651 = tpu.memref_squeeze %dma_wait3A_650 : memref<1x1x1x8x128xf32, #tpu.memory_space<hbm>> -> memref<8x128xf32, #tpu.memory_space<hbm>>
          %dma_wait3A_652 = arith.constant 16 : i32
          %dma_wait3A_653 = arith.constant 0 : i32
          %dma_wait3A_654 = tpu.memref_slice %arg9[%dma_wait3A_652, %dma_wait3A_653] : memref<64x129xf32, #tpu.memory_space<vmem>> -> memref<8x128xf32, #tpu.memory_space<vmem>>
          tpu.wait_dma2 semaphore(%arg13 : memref<!tpu.dma_semaphore, #tpu.memory_space<semaphore_mem>>) src(%dma_wait3A_654 : memref<8x128xf32, #tpu.memory_space<vmem>>) dst(%dma_wait3A_651 : memref<8x128xf32, #tpu.memory_space<hbm>>)
          %dma_wait3A_655 = arith.constant 0 : i32
          %dma_wait3A_656 = arith.constant 3 : i32
          %dma_wait3A_657 = arith.constant 0 : i32
          %dma_wait3A_658 = arith.constant 24 : i32
          %dma_wait3A_659 = arith.constant 0 : i32
          %dma_wait3A_660 = tpu.memref_slice %arg9[%dma_wait3A_658, %dma_wait3A_659] : memref<64x129xf32, #tpu.memory_space<vmem>> -> memref<8x128xf32, #tpu.memory_space<vmem>>
          %dma_wait3A_661 = arith.constant 0 : i32
          %dma_wait3A_662 = arith.constant 0 : i32
          %dma_wait3A_663 = tpu.memref_slice %arg4[%dma_wait3A_655, %dma_wait3A_656, %dma_wait3A_657, %dma_wait3A_661, %dma_wait3A_662] : memref<50x8x128x8x128xf32, #tpu.memory_space<hbm>> -> memref<1x1x1x8x128xf32, #tpu.memory_space<hbm>>
          %dma_wait3A_664 = tpu.memref_squeeze %dma_wait3A_663 : memref<1x1x1x8x128xf32, #tpu.memory_space<hbm>> -> memref<8x128xf32, #tpu.memory_space<hbm>>
          %dma_wait3A_665 = arith.constant 0 : i32
          %dma_wait3A_666 = arith.constant 0 : i32
          %dma_wait3A_667 = tpu.memref_slice %arg4[%dma_wait3A_655, %dma_wait3A_656, %dma_wait3A_657, %dma_wait3A_665, %dma_wait3A_666] : memref<50x8x128x8x128xf32, #tpu.memory_space<hbm>> -> memref<1x1x1x8x128xf32, #tpu.memory_space<hbm>>
          %dma_wait3A_668 = tpu.memref_squeeze %dma_wait3A_667 : memref<1x1x1x8x128xf32, #tpu.memory_space<hbm>> -> memref<8x128xf32, #tpu.memory_space<hbm>>
          %dma_wait3A_669 = arith.constant 24 : i32
          %dma_wait3A_670 = arith.constant 0 : i32
          %dma_wait3A_671 = tpu.memref_slice %arg9[%dma_wait3A_669, %dma_wait3A_670] : memref<64x129xf32, #tpu.memory_space<vmem>> -> memref<8x128xf32, #tpu.memory_space<vmem>>
          tpu.wait_dma2 semaphore(%arg13 : memref<!tpu.dma_semaphore, #tpu.memory_space<semaphore_mem>>) src(%dma_wait3A_671 : memref<8x128xf32, #tpu.memory_space<vmem>>) dst(%dma_wait3A_668 : memref<8x128xf32, #tpu.memory_space<hbm>>)
          %dma_wait3A_672 = arith.constant 0 : i32
          %dma_wait3A_673 = arith.constant 4 : i32
          %dma_wait3A_674 = arith.constant 0 : i32
          %dma_wait3A_675 = arith.constant 32 : i32
          %dma_wait3A_676 = arith.constant 0 : i32
          %dma_wait3A_677 = tpu.memref_slice %arg9[%dma_wait3A_675, %dma_wait3A_676] : memref<64x129xf32, #tpu.memory_space<vmem>> -> memref<8x128xf32, #tpu.memory_space<vmem>>
          %dma_wait3A_678 = arith.constant 0 : i32
          %dma_wait3A_679 = arith.constant 0 : i32
          %dma_wait3A_680 = tpu.memref_slice %arg4[%dma_wait3A_672, %dma_wait3A_673, %dma_wait3A_674, %dma_wait3A_678, %dma_wait3A_679] : memref<50x8x128x8x128xf32, #tpu.memory_space<hbm>> -> memref<1x1x1x8x128xf32, #tpu.memory_space<hbm>>
          %dma_wait3A_681 = tpu.memref_squeeze %dma_wait3A_680 : memref<1x1x1x8x128xf32, #tpu.memory_space<hbm>> -> memref<8x128xf32, #tpu.memory_space<hbm>>
          %dma_wait3A_682 = arith.constant 0 : i32
          %dma_wait3A_683 = arith.constant 0 : i32
          %dma_wait3A_684 = tpu.memref_slice %arg4[%dma_wait3A_672, %dma_wait3A_673, %dma_wait3A_674, %dma_wait3A_682, %dma_wait3A_683] : memref<50x8x128x8x128xf32, #tpu.memory_space<hbm>> -> memref<1x1x1x8x128xf32, #tpu.memory_space<hbm>>
          %dma_wait3A_685 = tpu.memref_squeeze %dma_wait3A_684 : memref<1x1x1x8x128xf32, #tpu.memory_space<hbm>> -> memref<8x128xf32, #tpu.memory_space<hbm>>
          %dma_wait3A_686 = arith.constant 32 : i32
          %dma_wait3A_687 = arith.constant 0 : i32
          %dma_wait3A_688 = tpu.memref_slice %arg9[%dma_wait3A_686, %dma_wait3A_687] : memref<64x129xf32, #tpu.memory_space<vmem>> -> memref<8x128xf32, #tpu.memory_space<vmem>>
          tpu.wait_dma2 semaphore(%arg13 : memref<!tpu.dma_semaphore, #tpu.memory_space<semaphore_mem>>) src(%dma_wait3A_688 : memref<8x128xf32, #tpu.memory_space<vmem>>) dst(%dma_wait3A_685 : memref<8x128xf32, #tpu.memory_space<hbm>>)
          %dma_wait3A_689 = arith.constant 0 : i32
          %dma_wait3A_690 = arith.constant 5 : i32
          %dma_wait3A_691 = arith.constant 0 : i32
          %dma_wait3A_692 = arith.constant 40 : i32
          %dma_wait3A_693 = arith.constant 0 : i32
          %dma_wait3A_694 = tpu.memref_slice %arg9[%dma_wait3A_692, %dma_wait3A_693] : memref<64x129xf32, #tpu.memory_space<vmem>> -> memref<8x128xf32, #tpu.memory_space<vmem>>
          %dma_wait3A_695 = arith.constant 0 : i32
          %dma_wait3A_696 = arith.constant 0 : i32
          %dma_wait3A_697 = tpu.memref_slice %arg4[%dma_wait3A_689, %dma_wait3A_690, %dma_wait3A_691, %dma_wait3A_695, %dma_wait3A_696] : memref<50x8x128x8x128xf32, #tpu.memory_space<hbm>> -> memref<1x1x1x8x128xf32, #tpu.memory_space<hbm>>
          %dma_wait3A_698 = tpu.memref_squeeze %dma_wait3A_697 : memref<1x1x1x8x128xf32, #tpu.memory_space<hbm>> -> memref<8x128xf32, #tpu.memory_space<hbm>>
          %dma_wait3A_699 = arith.constant 0 : i32
          %dma_wait3A_700 = arith.constant 0 : i32
          %dma_wait3A_701 = tpu.memref_slice %arg4[%dma_wait3A_689, %dma_wait3A_690, %dma_wait3A_691, %dma_wait3A_699, %dma_wait3A_700] : memref<50x8x128x8x128xf32, #tpu.memory_space<hbm>> -> memref<1x1x1x8x128xf32, #tpu.memory_space<hbm>>
          %dma_wait3A_702 = tpu.memref_squeeze %dma_wait3A_701 : memref<1x1x1x8x128xf32, #tpu.memory_space<hbm>> -> memref<8x128xf32, #tpu.memory_space<hbm>>
          %dma_wait3A_703 = arith.constant 40 : i32
          %dma_wait3A_704 = arith.constant 0 : i32
          %dma_wait3A_705 = tpu.memref_slice %arg9[%dma_wait3A_703, %dma_wait3A_704] : memref<64x129xf32, #tpu.memory_space<vmem>> -> memref<8x128xf32, #tpu.memory_space<vmem>>
          tpu.wait_dma2 semaphore(%arg13 : memref<!tpu.dma_semaphore, #tpu.memory_space<semaphore_mem>>) src(%dma_wait3A_705 : memref<8x128xf32, #tpu.memory_space<vmem>>) dst(%dma_wait3A_702 : memref<8x128xf32, #tpu.memory_space<hbm>>)
          %dma_wait3A_706 = arith.constant 0 : i32
          %dma_wait3A_707 = arith.constant 6 : i32
          %dma_wait3A_708 = arith.constant 0 : i32
          %dma_wait3A_709 = arith.constant 48 : i32
          %dma_wait3A_710 = arith.constant 0 : i32
          %dma_wait3A_711 = tpu.memref_slice %arg9[%dma_wait3A_709, %dma_wait3A_710] : memref<64x129xf32, #tpu.memory_space<vmem>> -> memref<8x128xf32, #tpu.memory_space<vmem>>
          %dma_wait3A_712 = arith.constant 0 : i32
          %dma_wait3A_713 = arith.constant 0 : i32
          %dma_wait3A_714 = tpu.memref_slice %arg4[%dma_wait3A_706, %dma_wait3A_707, %dma_wait3A_708, %dma_wait3A_712, %dma_wait3A_713] : memref<50x8x128x8x128xf32, #tpu.memory_space<hbm>> -> memref<1x1x1x8x128xf32, #tpu.memory_space<hbm>>
          %dma_wait3A_715 = tpu.memref_squeeze %dma_wait3A_714 : memref<1x1x1x8x128xf32, #tpu.memory_space<hbm>> -> memref<8x128xf32, #tpu.memory_space<hbm>>
          %dma_wait3A_716 = arith.constant 0 : i32
          %dma_wait3A_717 = arith.constant 0 : i32
          %dma_wait3A_718 = tpu.memref_slice %arg4[%dma_wait3A_706, %dma_wait3A_707, %dma_wait3A_708, %dma_wait3A_716, %dma_wait3A_717] : memref<50x8x128x8x128xf32, #tpu.memory_space<hbm>> -> memref<1x1x1x8x128xf32, #tpu.memory_space<hbm>>
          %dma_wait3A_719 = tpu.memref_squeeze %dma_wait3A_718 : memref<1x1x1x8x128xf32, #tpu.memory_space<hbm>> -> memref<8x128xf32, #tpu.memory_space<hbm>>
          %dma_wait3A_720 = arith.constant 48 : i32
          %dma_wait3A_721 = arith.constant 0 : i32
          %dma_wait3A_722 = tpu.memref_slice %arg9[%dma_wait3A_720, %dma_wait3A_721] : memref<64x129xf32, #tpu.memory_space<vmem>> -> memref<8x128xf32, #tpu.memory_space<vmem>>
          tpu.wait_dma2 semaphore(%arg13 : memref<!tpu.dma_semaphore, #tpu.memory_space<semaphore_mem>>) src(%dma_wait3A_722 : memref<8x128xf32, #tpu.memory_space<vmem>>) dst(%dma_wait3A_719 : memref<8x128xf32, #tpu.memory_space<hbm>>)
          %dma_wait3A_723 = arith.constant 0 : i32
          %dma_wait3A_724 = arith.constant 7 : i32
          %dma_wait3A_725 = arith.constant 0 : i32
          %dma_wait3A_726 = arith.constant 56 : i32
          %dma_wait3A_727 = arith.constant 0 : i32
          %dma_wait3A_728 = tpu.memref_slice %arg9[%dma_wait3A_726, %dma_wait3A_727] : memref<64x129xf32, #tpu.memory_space<vmem>> -> memref<8x128xf32, #tpu.memory_space<vmem>>
          %dma_wait3A_729 = arith.constant 0 : i32
          %dma_wait3A_730 = arith.constant 0 : i32
          %dma_wait3A_731 = tpu.memref_slice %arg4[%dma_wait3A_723, %dma_wait3A_724, %dma_wait3A_725, %dma_wait3A_729, %dma_wait3A_730] : memref<50x8x128x8x128xf32, #tpu.memory_space<hbm>> -> memref<1x1x1x8x128xf32, #tpu.memory_space<hbm>>
          %dma_wait3A_732 = tpu.memref_squeeze %dma_wait3A_731 : memref<1x1x1x8x128xf32, #tpu.memory_space<hbm>> -> memref<8x128xf32, #tpu.memory_space<hbm>>
          %dma_wait3A_733 = arith.constant 0 : i32
          %dma_wait3A_734 = arith.constant 0 : i32
          %dma_wait3A_735 = tpu.memref_slice %arg4[%dma_wait3A_723, %dma_wait3A_724, %dma_wait3A_725, %dma_wait3A_733, %dma_wait3A_734] : memref<50x8x128x8x128xf32, #tpu.memory_space<hbm>> -> memref<1x1x1x8x128xf32, #tpu.memory_space<hbm>>
          %dma_wait3A_736 = tpu.memref_squeeze %dma_wait3A_735 : memref<1x1x1x8x128xf32, #tpu.memory_space<hbm>> -> memref<8x128xf32, #tpu.memory_space<hbm>>
          %dma_wait3A_737 = arith.constant 56 : i32
          %dma_wait3A_738 = arith.constant 0 : i32
          %dma_wait3A_739 = tpu.memref_slice %arg9[%dma_wait3A_737, %dma_wait3A_738] : memref<64x129xf32, #tpu.memory_space<vmem>> -> memref<8x128xf32, #tpu.memory_space<vmem>>
          tpu.wait_dma2 semaphore(%arg13 : memref<!tpu.dma_semaphore, #tpu.memory_space<semaphore_mem>>) src(%dma_wait3A_739 : memref<8x128xf32, #tpu.memory_space<vmem>>) dst(%dma_wait3A_736 : memref<8x128xf32, #tpu.memory_space<hbm>>)
        } else {
        }
        %parallel_loop3A_332 = arith.constant 0 : i32
        %parallel_loop3A_333 = arith.constant 128 : i32
        %parallel_loop3A_334 = arith.constant 1 : i32
        scf.for %parallel_loop3A_604 = %parallel_loop3A_332 to %parallel_loop3A_333 step %parallel_loop3A_334  : i32 {
          %parallel_loop3A_605 = arith.constant 0 : i32
          %parallel_loop3A_606 = vector.broadcast %parallel_loop3A_605 : i32 to vector<16xi32>
          %parallel_loop3A_607 = vector.broadcast %parallel_loop3A_604 : i32 to vector<16xi32>
          %parallel_loop3A_608 = arith.addi %parallel_loop3A_606, %parallel_loop3A_607 : vector<16xi32>
          %parallel_loop3A_609 = arith.index_cast %parallel_loop3A_604 : i32 to index
          %parallel_loop3A_610 = arith.constant 0 : index
          %parallel_loop3A_611 = tpu.vector_load %arg7[%parallel_loop3A_609, %parallel_loop3A_610] {strides = array<i32>} : memref<128x64xf32, #tpu.memory_space<vmem>>, vector<16xf32>,
          tpu.vector_store_idx %arg9[%add3A_3, %parallel_loop3A_608], %parallel_loop3A_611 : memref<64x129xf32, #tpu.memory_space<vmem>>[vector<16xi32>, vector<16xi32>], vector<16xf32>,
          %parallel_loop3A_612 = arith.index_cast %parallel_loop3A_604 : i32 to index
          %parallel_loop3A_613 = arith.constant 16 : index
          %parallel_loop3A_614 = tpu.vector_load %arg7[%parallel_loop3A_612, %parallel_loop3A_613] {strides = array<i32>} : memref<128x64xf32, #tpu.memory_space<vmem>>, vector<16xf32>,
          tpu.vector_store_idx %arg9[%add3A_6, %parallel_loop3A_608], %parallel_loop3A_614 : memref<64x129xf32, #tpu.memory_space<vmem>>[vector<16xi32>, vector<16xi32>], vector<16xf32>,
          %parallel_loop3A_615 = arith.index_cast %parallel_loop3A_604 : i32 to index
          %parallel_loop3A_616 = arith.constant 32 : index
          %parallel_loop3A_617 = tpu.vector_load %arg7[%parallel_loop3A_615, %parallel_loop3A_616] {strides = array<i32>} : memref<128x64xf32, #tpu.memory_space<vmem>>, vector<16xf32>,
          tpu.vector_store_idx %arg9[%add3A_9, %parallel_loop3A_608], %parallel_loop3A_617 : memref<64x129xf32, #tpu.memory_space<vmem>>[vector<16xi32>, vector<16xi32>], vector<16xf32>,
          %parallel_loop3A_618 = arith.index_cast %parallel_loop3A_604 : i32 to index
          %parallel_loop3A_619 = arith.constant 48 : index
          %parallel_loop3A_620 = tpu.vector_load %arg7[%parallel_loop3A_618, %parallel_loop3A_619] {strides = array<i32>} : memref<128x64xf32, #tpu.memory_space<vmem>>, vector<16xf32>,
          tpu.vector_store_idx %arg9[%add3A_12, %parallel_loop3A_608], %parallel_loop3A_620 : memref<64x129xf32, #tpu.memory_space<vmem>>[vector<16xi32>, vector<16xi32>], vector<16xf32>,
        } {sc.loop_unroll_factor = 8 : i64, sc.parallel_access}
        %dma_start3A_335 = arith.constant 0 : i32
        %dma_start3A_336 = arith.constant 0 : i32
        %dma_start3A_337 = arith.constant 0 : i32
        %dma_start3A_338 = tpu.memref_slice %arg9[%dma_start3A_336, %dma_start3A_337] : memref<64x129xf32, #tpu.memory_space<vmem>> -> memref<8x128xf32, #tpu.memory_space<vmem>>
        %dma_start3A_339 = arith.constant 0 : i32
        %dma_start3A_340 = arith.constant 0 : i32
        %dma_start3A_341 = tpu.memref_slice %arg4[%add3A_313, %dma_start3A_335, %add3A_292, %dma_start3A_339, %dma_start3A_340] : memref<50x8x128x8x128xf32, #tpu.memory_space<hbm>> -> memref<1x1x1x8x128xf32, #tpu.memory_space<hbm>>
        %dma_start3A_342 = tpu.memref_squeeze %dma_start3A_341 : memref<1x1x1x8x128xf32, #tpu.memory_space<hbm>> -> memref<8x128xf32, #tpu.memory_space<hbm>>
        %dma_start3A_343 = arith.constant 0 : i32
        %dma_start3A_344 = arith.constant 0 : i32
        %dma_start3A_345 = tpu.memref_slice %arg4[%add3A_313, %dma_start3A_335, %add3A_292, %dma_start3A_343, %dma_start3A_344] : memref<50x8x128x8x128xf32, #tpu.memory_space<hbm>> -> memref<1x1x1x8x128xf32, #tpu.memory_space<hbm>>
        %dma_start3A_346 = tpu.memref_squeeze %dma_start3A_345 : memref<1x1x1x8x128xf32, #tpu.memory_space<hbm>> -> memref<8x128xf32, #tpu.memory_space<hbm>>
        %dma_start3A_347 = arith.constant 0 : i32
        %dma_start3A_348 = arith.constant 0 : i32
        %dma_start3A_349 = tpu.memref_slice %arg9[%dma_start3A_347, %dma_start3A_348] : memref<64x129xf32, #tpu.memory_space<vmem>> -> memref<8x128xf32, #tpu.memory_space<vmem>>
        tpu.enqueue_dma source(%dma_start3A_349 : memref<8x128xf32, #tpu.memory_space<vmem>>) target(%dma_start3A_346 : memref<8x128xf32, #tpu.memory_space<hbm>>) target_semaphore(%arg13 : memref<!tpu.dma_semaphore, #tpu.memory_space<semaphore_mem>>)
        %dma_start3A_350 = arith.constant 1 : i32
        %dma_start3A_351 = arith.constant 8 : i32
        %dma_start3A_352 = arith.constant 0 : i32
        %dma_start3A_353 = tpu.memref_slice %arg9[%dma_start3A_351, %dma_start3A_352] : memref<64x129xf32, #tpu.memory_space<vmem>> -> memref<8x128xf32, #tpu.memory_space<vmem>>
        %dma_start3A_354 = arith.constant 0 : i32
        %dma_start3A_355 = arith.constant 0 : i32
        %dma_start3A_356 = tpu.memref_slice %arg4[%add3A_313, %dma_start3A_350, %add3A_292, %dma_start3A_354, %dma_start3A_355] : memref<50x8x128x8x128xf32, #tpu.memory_space<hbm>> -> memref<1x1x1x8x128xf32, #tpu.memory_space<hbm>>
        %dma_start3A_357 = tpu.memref_squeeze %dma_start3A_356 : memref<1x1x1x8x128xf32, #tpu.memory_space<hbm>> -> memref<8x128xf32, #tpu.memory_space<hbm>>
        %dma_start3A_358 = arith.constant 0 : i32
        %dma_start3A_359 = arith.constant 0 : i32
        %dma_start3A_360 = tpu.memref_slice %arg4[%add3A_313, %dma_start3A_350, %add3A_292, %dma_start3A_358, %dma_start3A_359] : memref<50x8x128x8x128xf32, #tpu.memory_space<hbm>> -> memref<1x1x1x8x128xf32, #tpu.memory_space<hbm>>
        %dma_start3A_361 = tpu.memref_squeeze %dma_start3A_360 : memref<1x1x1x8x128xf32, #tpu.memory_space<hbm>> -> memref<8x128xf32, #tpu.memory_space<hbm>>
        %dma_start3A_362 = arith.constant 8 : i32
        %dma_start3A_363 = arith.constant 0 : i32
        %dma_start3A_364 = tpu.memref_slice %arg9[%dma_start3A_362, %dma_start3A_363] : memref<64x129xf32, #tpu.memory_space<vmem>> -> memref<8x128xf32, #tpu.memory_space<vmem>>
        tpu.enqueue_dma source(%dma_start3A_364 : memref<8x128xf32, #tpu.memory_space<vmem>>) target(%dma_start3A_361 : memref<8x128xf32, #tpu.memory_space<hbm>>) target_semaphore(%arg13 : memref<!tpu.dma_semaphore, #tpu.memory_space<semaphore_mem>>)
        %dma_start3A_365 = arith.constant 2 : i32
        %dma_start3A_366 = arith.constant 16 : i32
        %dma_start3A_367 = arith.constant 0 : i32
        %dma_start3A_368 = tpu.memref_slice %arg9[%dma_start3A_366, %dma_start3A_367] : memref<64x129xf32, #tpu.memory_space<vmem>> -> memref<8x128xf32, #tpu.memory_space<vmem>>
        %dma_start3A_369 = arith.constant 0 : i32
        %dma_start3A_370 = arith.constant 0 : i32
        %dma_start3A_371 = tpu.memref_slice %arg4[%add3A_313, %dma_start3A_365, %add3A_292, %dma_start3A_369, %dma_start3A_370] : memref<50x8x128x8x128xf32, #tpu.memory_space<hbm>> -> memref<1x1x1x8x128xf32, #tpu.memory_space<hbm>>
        %dma_start3A_372 = tpu.memref_squeeze %dma_start3A_371 : memref<1x1x1x8x128xf32, #tpu.memory_space<hbm>> -> memref<8x128xf32, #tpu.memory_space<hbm>>
        %dma_start3A_373 = arith.constant 0 : i32
        %dma_start3A_374 = arith.constant 0 : i32
        %dma_start3A_375 = tpu.memref_slice %arg4[%add3A_313, %dma_start3A_365, %add3A_292, %dma_start3A_373, %dma_start3A_374] : memref<50x8x128x8x128xf32, #tpu.memory_space<hbm>> -> memref<1x1x1x8x128xf32, #tpu.memory_space<hbm>>
        %dma_start3A_376 = tpu.memref_squeeze %dma_start3A_375 : memref<1x1x1x8x128xf32, #tpu.memory_space<hbm>> -> memref<8x128xf32, #tpu.memory_space<hbm>>
        %dma_start3A_377 = arith.constant 16 : i32
        %dma_start3A_378 = arith.constant 0 : i32
        %dma_start3A_379 = tpu.memref_slice %arg9[%dma_start3A_377, %dma_start3A_378] : memref<64x129xf32, #tpu.memory_space<vmem>> -> memref<8x128xf32, #tpu.memory_space<vmem>>
        tpu.enqueue_dma source(%dma_start3A_379 : memref<8x128xf32, #tpu.memory_space<vmem>>) target(%dma_start3A_376 : memref<8x128xf32, #tpu.memory_space<hbm>>) target_semaphore(%arg13 : memref<!tpu.dma_semaphore, #tpu.memory_space<semaphore_mem>>)
        %dma_start3A_380 = arith.constant 3 : i32
        %dma_start3A_381 = arith.constant 24 : i32
        %dma_start3A_382 = arith.constant 0 : i32
        %dma_start3A_383 = tpu.memref_slice %arg9[%dma_start3A_381, %dma_start3A_382] : memref<64x129xf32, #tpu.memory_space<vmem>> -> memref<8x128xf32, #tpu.memory_space<vmem>>
        %dma_start3A_384 = arith.constant 0 : i32
        %dma_start3A_385 = arith.constant 0 : i32
        %dma_start3A_386 = tpu.memref_slice %arg4[%add3A_313, %dma_start3A_380, %add3A_292, %dma_start3A_384, %dma_start3A_385] : memref<50x8x128x8x128xf32, #tpu.memory_space<hbm>> -> memref<1x1x1x8x128xf32, #tpu.memory_space<hbm>>
        %dma_start3A_387 = tpu.memref_squeeze %dma_start3A_386 : memref<1x1x1x8x128xf32, #tpu.memory_space<hbm>> -> memref<8x128xf32, #tpu.memory_space<hbm>>
        %dma_start3A_388 = arith.constant 0 : i32
        %dma_start3A_389 = arith.constant 0 : i32
        %dma_start3A_390 = tpu.memref_slice %arg4[%add3A_313, %dma_start3A_380, %add3A_292, %dma_start3A_388, %dma_start3A_389] : memref<50x8x128x8x128xf32, #tpu.memory_space<hbm>> -> memref<1x1x1x8x128xf32, #tpu.memory_space<hbm>>
        %dma_start3A_391 = tpu.memref_squeeze %dma_start3A_390 : memref<1x1x1x8x128xf32, #tpu.memory_space<hbm>> -> memref<8x128xf32, #tpu.memory_space<hbm>>
        %dma_start3A_392 = arith.constant 24 : i32
        %dma_start3A_393 = arith.constant 0 : i32
        %dma_start3A_394 = tpu.memref_slice %arg9[%dma_start3A_392, %dma_start3A_393] : memref<64x129xf32, #tpu.memory_space<vmem>> -> memref<8x128xf32, #tpu.memory_space<vmem>>
        tpu.enqueue_dma source(%dma_start3A_394 : memref<8x128xf32, #tpu.memory_space<vmem>>) target(%dma_start3A_391 : memref<8x128xf32, #tpu.memory_space<hbm>>) target_semaphore(%arg13 : memref<!tpu.dma_semaphore, #tpu.memory_space<semaphore_mem>>)
        %dma_start3A_395 = arith.constant 4 : i32
        %dma_start3A_396 = arith.constant 32 : i32
        %dma_start3A_397 = arith.constant 0 : i32
        %dma_start3A_398 = tpu.memref_slice %arg9[%dma_start3A_396, %dma_start3A_397] : memref<64x129xf32, #tpu.memory_space<vmem>> -> memref<8x128xf32, #tpu.memory_space<vmem>>
        %dma_start3A_399 = arith.constant 0 : i32
        %dma_start3A_400 = arith.constant 0 : i32
        %dma_start3A_401 = tpu.memref_slice %arg4[%add3A_313, %dma_start3A_395, %add3A_292, %dma_start3A_399, %dma_start3A_400] : memref<50x8x128x8x128xf32, #tpu.memory_space<hbm>> -> memref<1x1x1x8x128xf32, #tpu.memory_space<hbm>>
        %dma_start3A_402 = tpu.memref_squeeze %dma_start3A_401 : memref<1x1x1x8x128xf32, #tpu.memory_space<hbm>> -> memref<8x128xf32, #tpu.memory_space<hbm>>
        %dma_start3A_403 = arith.constant 0 : i32
        %dma_start3A_404 = arith.constant 0 : i32
        %dma_start3A_405 = tpu.memref_slice %arg4[%add3A_313, %dma_start3A_395, %add3A_292, %dma_start3A_403, %dma_start3A_404] : memref<50x8x128x8x128xf32, #tpu.memory_space<hbm>> -> memref<1x1x1x8x128xf32, #tpu.memory_space<hbm>>
        %dma_start3A_406 = tpu.memref_squeeze %dma_start3A_405 : memref<1x1x1x8x128xf32, #tpu.memory_space<hbm>> -> memref<8x128xf32, #tpu.memory_space<hbm>>
        %dma_start3A_407 = arith.constant 32 : i32
        %dma_start3A_408 = arith.constant 0 : i32
        %dma_start3A_409 = tpu.memref_slice %arg9[%dma_start3A_407, %dma_start3A_408] : memref<64x129xf32, #tpu.memory_space<vmem>> -> memref<8x128xf32, #tpu.memory_space<vmem>>
        tpu.enqueue_dma source(%dma_start3A_409 : memref<8x128xf32, #tpu.memory_space<vmem>>) target(%dma_start3A_406 : memref<8x128xf32, #tpu.memory_space<hbm>>) target_semaphore(%arg13 : memref<!tpu.dma_semaphore, #tpu.memory_space<semaphore_mem>>)
        %dma_start3A_410 = arith.constant 5 : i32
        %dma_start3A_411 = arith.constant 40 : i32
        %dma_start3A_412 = arith.constant 0 : i32
        %dma_start3A_413 = tpu.memref_slice %arg9[%dma_start3A_411, %dma_start3A_412] : memref<64x129xf32, #tpu.memory_space<vmem>> -> memref<8x128xf32, #tpu.memory_space<vmem>>
        %dma_start3A_414 = arith.constant 0 : i32
        %dma_start3A_415 = arith.constant 0 : i32
        %dma_start3A_416 = tpu.memref_slice %arg4[%add3A_313, %dma_start3A_410, %add3A_292, %dma_start3A_414, %dma_start3A_415] : memref<50x8x128x8x128xf32, #tpu.memory_space<hbm>> -> memref<1x1x1x8x128xf32, #tpu.memory_space<hbm>>
        %dma_start3A_417 = tpu.memref_squeeze %dma_start3A_416 : memref<1x1x1x8x128xf32, #tpu.memory_space<hbm>> -> memref<8x128xf32, #tpu.memory_space<hbm>>
        %dma_start3A_418 = arith.constant 0 : i32
        %dma_start3A_419 = arith.constant 0 : i32
        %dma_start3A_420 = tpu.memref_slice %arg4[%add3A_313, %dma_start3A_410, %add3A_292, %dma_start3A_418, %dma_start3A_419] : memref<50x8x128x8x128xf32, #tpu.memory_space<hbm>> -> memref<1x1x1x8x128xf32, #tpu.memory_space<hbm>>
        %dma_start3A_421 = tpu.memref_squeeze %dma_start3A_420 : memref<1x1x1x8x128xf32, #tpu.memory_space<hbm>> -> memref<8x128xf32, #tpu.memory_space<hbm>>
        %dma_start3A_422 = arith.constant 40 : i32
        %dma_start3A_423 = arith.constant 0 : i32
        %dma_start3A_424 = tpu.memref_slice %arg9[%dma_start3A_422, %dma_start3A_423] : memref<64x129xf32, #tpu.memory_space<vmem>> -> memref<8x128xf32, #tpu.memory_space<vmem>>
        tpu.enqueue_dma source(%dma_start3A_424 : memref<8x128xf32, #tpu.memory_space<vmem>>) target(%dma_start3A_421 : memref<8x128xf32, #tpu.memory_space<hbm>>) target_semaphore(%arg13 : memref<!tpu.dma_semaphore, #tpu.memory_space<semaphore_mem>>)
        %dma_start3A_425 = arith.constant 6 : i32
        %dma_start3A_426 = arith.constant 48 : i32
        %dma_start3A_427 = arith.constant 0 : i32
        %dma_start3A_428 = tpu.memref_slice %arg9[%dma_start3A_426, %dma_start3A_427] : memref<64x129xf32, #tpu.memory_space<vmem>> -> memref<8x128xf32, #tpu.memory_space<vmem>>
        %dma_start3A_429 = arith.constant 0 : i32
        %dma_start3A_430 = arith.constant 0 : i32
        %dma_start3A_431 = tpu.memref_slice %arg4[%add3A_313, %dma_start3A_425, %add3A_292, %dma_start3A_429, %dma_start3A_430] : memref<50x8x128x8x128xf32, #tpu.memory_space<hbm>> -> memref<1x1x1x8x128xf32, #tpu.memory_space<hbm>>
        %dma_start3A_432 = tpu.memref_squeeze %dma_start3A_431 : memref<1x1x1x8x128xf32, #tpu.memory_space<hbm>> -> memref<8x128xf32, #tpu.memory_space<hbm>>
        %dma_start3A_433 = arith.constant 0 : i32
        %dma_start3A_434 = arith.constant 0 : i32
        %dma_start3A_435 = tpu.memref_slice %arg4[%add3A_313, %dma_start3A_425, %add3A_292, %dma_start3A_433, %dma_start3A_434] : memref<50x8x128x8x128xf32, #tpu.memory_space<hbm>> -> memref<1x1x1x8x128xf32, #tpu.memory_space<hbm>>
        %dma_start3A_436 = tpu.memref_squeeze %dma_start3A_435 : memref<1x1x1x8x128xf32, #tpu.memory_space<hbm>> -> memref<8x128xf32, #tpu.memory_space<hbm>>
        %dma_start3A_437 = arith.constant 48 : i32
        %dma_start3A_438 = arith.constant 0 : i32
        %dma_start3A_439 = tpu.memref_slice %arg9[%dma_start3A_437, %dma_start3A_438] : memref<64x129xf32, #tpu.memory_space<vmem>> -> memref<8x128xf32, #tpu.memory_space<vmem>>
        tpu.enqueue_dma source(%dma_start3A_439 : memref<8x128xf32, #tpu.memory_space<vmem>>) target(%dma_start3A_436 : memref<8x128xf32, #tpu.memory_space<hbm>>) target_semaphore(%arg13 : memref<!tpu.dma_semaphore, #tpu.memory_space<semaphore_mem>>)
        %dma_start3A_440 = arith.constant 7 : i32
        %dma_start3A_441 = arith.constant 56 : i32
        %dma_start3A_442 = arith.constant 0 : i32
        %dma_start3A_443 = tpu.memref_slice %arg9[%dma_start3A_441, %dma_start3A_442] : memref<64x129xf32, #tpu.memory_space<vmem>> -> memref<8x128xf32, #tpu.memory_space<vmem>>
        %dma_start3A_444 = arith.constant 0 : i32
        %dma_start3A_445 = arith.constant 0 : i32
        %dma_start3A_446 = tpu.memref_slice %arg4[%add3A_313, %dma_start3A_440, %add3A_292, %dma_start3A_444, %dma_start3A_445] : memref<50x8x128x8x128xf32, #tpu.memory_space<hbm>> -> memref<1x1x1x8x128xf32, #tpu.memory_space<hbm>>
        %dma_start3A_447 = tpu.memref_squeeze %dma_start3A_446 : memref<1x1x1x8x128xf32, #tpu.memory_space<hbm>> -> memref<8x128xf32, #tpu.memory_space<hbm>>
        %dma_start3A_448 = arith.constant 0 : i32
        %dma_start3A_449 = arith.constant 0 : i32
        %dma_start3A_450 = tpu.memref_slice %arg4[%add3A_313, %dma_start3A_440, %add3A_292, %dma_start3A_448, %dma_start3A_449] : memref<50x8x128x8x128xf32, #tpu.memory_space<hbm>> -> memref<1x1x1x8x128xf32, #tpu.memory_space<hbm>>
        %dma_start3A_451 = tpu.memref_squeeze %dma_start3A_450 : memref<1x1x1x8x128xf32, #tpu.memory_space<hbm>> -> memref<8x128xf32, #tpu.memory_space<hbm>>
        %dma_start3A_452 = arith.constant 56 : i32
        %dma_start3A_453 = arith.constant 0 : i32
        %dma_start3A_454 = tpu.memref_slice %arg9[%dma_start3A_452, %dma_start3A_453] : memref<64x129xf32, #tpu.memory_space<vmem>> -> memref<8x128xf32, #tpu.memory_space<vmem>>
        tpu.enqueue_dma source(%dma_start3A_454 : memref<8x128xf32, #tpu.memory_space<vmem>>) target(%dma_start3A_451 : memref<8x128xf32, #tpu.memory_space<hbm>>) target_semaphore(%arg13 : memref<!tpu.dma_semaphore, #tpu.memory_space<semaphore_mem>>)
        %mul3A_455 = arith.constant 2 : i32
        %mul3A_456 = arith.muli %scan3A_309, %mul3A_455 : i32
        %add3A_457 = arith.constant 1 : i32
        %add3A_458 = arith.addi %mul3A_456, %add3A_457 : i32
        %add3A_459 = arith.constant 1 : i32
        %add3A_460 = arith.addi %add3A_458, %add3A_459 : i32
        %lt3A_461 = arith.constant 50 : i32
        %lt3A_462 = arith.cmpi slt, %add3A_460, %lt3A_461 : i32
        %convert_element_type3A_463 = arith.extui %lt3A_462 : i1 to i32
        %cond3A_464 = arith.constant 0 : i32
        %cond3A_465 = arith.cmpi ne, %convert_element_type3A_463, %cond3A_464 : i32
        scf.if %cond3A_465 {
          %dma_start3A_604 = arith.constant 0 : i32
          %dma_start3A_605 = tpu.memref_slice %arg6[%add3A_460, %dma_start3A_604] : memref<50x128xi32, #tpu.memory_space<vmem>> -> memref<1x128xi32, #tpu.memory_space<vmem>>
          %dma_start3A_606 = tpu.memref_squeeze %dma_start3A_605 : memref<1x128xi32, #tpu.memory_space<vmem>> -> memref<128xi32, #tpu.memory_space<vmem>>
          %dma_start3A_607 = arith.constant 0 : i32
          %dma_start3A_608 = arith.constant 0 : i32
          %dma_start3A_609 = tpu.memref_slice %arg3[%dma_start3A_607, %dma_start3A_608] : memref<2000000x64xf32, #tpu.memory_space<hbm>> -> memref<2000000x64xf32, #tpu.memory_space<hbm>>
          tpu.enqueue_indirect_dma source(%dma_start3A_609 : memref<2000000x64xf32, #tpu.memory_space<hbm>>) target(%arg7 : memref<128x64xf32, #tpu.memory_space<vmem>>) offsets(%dma_start3A_606 : memref<128xi32, #tpu.memory_space<vmem>>) semaphore(%arg11 : memref<!tpu.dma_semaphore, #tpu.memory_space<semaphore_mem>>)
        } else {
        }
        %dma_wait3A_466 = arith.constant 0 : i32
        %dma_wait3A_467 = arith.constant 0 : i32
        %dma_wait3A_468 = tpu.memref_slice %arg6[%dma_wait3A_466, %dma_wait3A_467] : memref<50x128xi32, #tpu.memory_space<vmem>> -> memref<1x128xi32, #tpu.memory_space<vmem>>
        %dma_wait3A_469 = tpu.memref_squeeze %dma_wait3A_468 : memref<1x128xi32, #tpu.memory_space<vmem>> -> memref<128xi32, #tpu.memory_space<vmem>>
        %dma_wait3A_470 = arith.constant 0 : i32
        %dma_wait3A_471 = arith.constant 0 : i32
        %dma_wait3A_472 = tpu.memref_slice %arg3[%dma_wait3A_470, %dma_wait3A_471] : memref<2000000x64xf32, #tpu.memory_space<hbm>> -> memref<2000000x64xf32, #tpu.memory_space<hbm>>
        tpu.wait_indirect_dma semaphore(%arg12 : memref<!tpu.dma_semaphore, #tpu.memory_space<semaphore_mem>>) src(%dma_wait3A_472 : memref<2000000x64xf32, #tpu.memory_space<hbm>>) dst(%arg8 : memref<128x64xf32, #tpu.memory_space<vmem>>)
        %mul3A_473 = arith.constant 50 : i32
        %mul3A_474 = arith.muli %scan3A_289, %mul3A_473 : i32
        %add3A_475 = arith.addi %mul3A_474, %add3A_458 : i32
        %ge3A_476 = arith.constant 2 : i32
        %ge3A_477 = arith.cmpi sge, %add3A_475, %ge3A_476 : i32
        %convert_element_type3A_478 = arith.extui %ge3A_477 : i1 to i32
        %cond3A_479 = arith.constant 0 : i32
        %cond3A_480 = arith.cmpi ne, %convert_element_type3A_478, %cond3A_479 : i32
        scf.if %cond3A_480 {
          %dma_wait3A_604 = arith.constant 0 : i32
          %dma_wait3A_605 = arith.constant 0 : i32
          %dma_wait3A_606 = arith.constant 0 : i32
          %dma_wait3A_607 = arith.constant 0 : i32
          %dma_wait3A_608 = arith.constant 0 : i32
          %dma_wait3A_609 = tpu.memref_slice %arg10[%dma_wait3A_607, %dma_wait3A_608] : memref<64x129xf32, #tpu.memory_space<vmem>> -> memref<8x128xf32, #tpu.memory_space<vmem>>
          %dma_wait3A_610 = arith.constant 0 : i32
          %dma_wait3A_611 = arith.constant 0 : i32
          %dma_wait3A_612 = tpu.memref_slice %arg4[%dma_wait3A_604, %dma_wait3A_605, %dma_wait3A_606, %dma_wait3A_610, %dma_wait3A_611] : memref<50x8x128x8x128xf32, #tpu.memory_space<hbm>> -> memref<1x1x1x8x128xf32, #tpu.memory_space<hbm>>
          %dma_wait3A_613 = tpu.memref_squeeze %dma_wait3A_612 : memref<1x1x1x8x128xf32, #tpu.memory_space<hbm>> -> memref<8x128xf32, #tpu.memory_space<hbm>>
          %dma_wait3A_614 = arith.constant 0 : i32
          %dma_wait3A_615 = arith.constant 0 : i32
          %dma_wait3A_616 = tpu.memref_slice %arg4[%dma_wait3A_604, %dma_wait3A_605, %dma_wait3A_606, %dma_wait3A_614, %dma_wait3A_615] : memref<50x8x128x8x128xf32, #tpu.memory_space<hbm>> -> memref<1x1x1x8x128xf32, #tpu.memory_space<hbm>>
          %dma_wait3A_617 = tpu.memref_squeeze %dma_wait3A_616 : memref<1x1x1x8x128xf32, #tpu.memory_space<hbm>> -> memref<8x128xf32, #tpu.memory_space<hbm>>
          %dma_wait3A_618 = arith.constant 0 : i32
          %dma_wait3A_619 = arith.constant 0 : i32
          %dma_wait3A_620 = tpu.memref_slice %arg10[%dma_wait3A_618, %dma_wait3A_619] : memref<64x129xf32, #tpu.memory_space<vmem>> -> memref<8x128xf32, #tpu.memory_space<vmem>>
          tpu.wait_dma2 semaphore(%arg14 : memref<!tpu.dma_semaphore, #tpu.memory_space<semaphore_mem>>) src(%dma_wait3A_620 : memref<8x128xf32, #tpu.memory_space<vmem>>) dst(%dma_wait3A_617 : memref<8x128xf32, #tpu.memory_space<hbm>>)
          %dma_wait3A_621 = arith.constant 0 : i32
          %dma_wait3A_622 = arith.constant 1 : i32
          %dma_wait3A_623 = arith.constant 0 : i32
          %dma_wait3A_624 = arith.constant 8 : i32
          %dma_wait3A_625 = arith.constant 0 : i32
          %dma_wait3A_626 = tpu.memref_slice %arg10[%dma_wait3A_624, %dma_wait3A_625] : memref<64x129xf32, #tpu.memory_space<vmem>> -> memref<8x128xf32, #tpu.memory_space<vmem>>
          %dma_wait3A_627 = arith.constant 0 : i32
          %dma_wait3A_628 = arith.constant 0 : i32
          %dma_wait3A_629 = tpu.memref_slice %arg4[%dma_wait3A_621, %dma_wait3A_622, %dma_wait3A_623, %dma_wait3A_627, %dma_wait3A_628] : memref<50x8x128x8x128xf32, #tpu.memory_space<hbm>> -> memref<1x1x1x8x128xf32, #tpu.memory_space<hbm>>
          %dma_wait3A_630 = tpu.memref_squeeze %dma_wait3A_629 : memref<1x1x1x8x128xf32, #tpu.memory_space<hbm>> -> memref<8x128xf32, #tpu.memory_space<hbm>>
          %dma_wait3A_631 = arith.constant 0 : i32
          %dma_wait3A_632 = arith.constant 0 : i32
          %dma_wait3A_633 = tpu.memref_slice %arg4[%dma_wait3A_621, %dma_wait3A_622, %dma_wait3A_623, %dma_wait3A_631, %dma_wait3A_632] : memref<50x8x128x8x128xf32, #tpu.memory_space<hbm>> -> memref<1x1x1x8x128xf32, #tpu.memory_space<hbm>>
          %dma_wait3A_634 = tpu.memref_squeeze %dma_wait3A_633 : memref<1x1x1x8x128xf32, #tpu.memory_space<hbm>> -> memref<8x128xf32, #tpu.memory_space<hbm>>
          %dma_wait3A_635 = arith.constant 8 : i32
          %dma_wait3A_636 = arith.constant 0 : i32
          %dma_wait3A_637 = tpu.memref_slice %arg10[%dma_wait3A_635, %dma_wait3A_636] : memref<64x129xf32, #tpu.memory_space<vmem>> -> memref<8x128xf32, #tpu.memory_space<vmem>>
          tpu.wait_dma2 semaphore(%arg14 : memref<!tpu.dma_semaphore, #tpu.memory_space<semaphore_mem>>) src(%dma_wait3A_637 : memref<8x128xf32, #tpu.memory_space<vmem>>) dst(%dma_wait3A_634 : memref<8x128xf32, #tpu.memory_space<hbm>>)
          %dma_wait3A_638 = arith.constant 0 : i32
          %dma_wait3A_639 = arith.constant 2 : i32
          %dma_wait3A_640 = arith.constant 0 : i32
          %dma_wait3A_641 = arith.constant 16 : i32
          %dma_wait3A_642 = arith.constant 0 : i32
          %dma_wait3A_643 = tpu.memref_slice %arg10[%dma_wait3A_641, %dma_wait3A_642] : memref<64x129xf32, #tpu.memory_space<vmem>> -> memref<8x128xf32, #tpu.memory_space<vmem>>
          %dma_wait3A_644 = arith.constant 0 : i32
          %dma_wait3A_645 = arith.constant 0 : i32
          %dma_wait3A_646 = tpu.memref_slice %arg4[%dma_wait3A_638, %dma_wait3A_639, %dma_wait3A_640, %dma_wait3A_644, %dma_wait3A_645] : memref<50x8x128x8x128xf32, #tpu.memory_space<hbm>> -> memref<1x1x1x8x128xf32, #tpu.memory_space<hbm>>
          %dma_wait3A_647 = tpu.memref_squeeze %dma_wait3A_646 : memref<1x1x1x8x128xf32, #tpu.memory_space<hbm>> -> memref<8x128xf32, #tpu.memory_space<hbm>>
          %dma_wait3A_648 = arith.constant 0 : i32
          %dma_wait3A_649 = arith.constant 0 : i32
          %dma_wait3A_650 = tpu.memref_slice %arg4[%dma_wait3A_638, %dma_wait3A_639, %dma_wait3A_640, %dma_wait3A_648, %dma_wait3A_649] : memref<50x8x128x8x128xf32, #tpu.memory_space<hbm>> -> memref<1x1x1x8x128xf32, #tpu.memory_space<hbm>>
          %dma_wait3A_651 = tpu.memref_squeeze %dma_wait3A_650 : memref<1x1x1x8x128xf32, #tpu.memory_space<hbm>> -> memref<8x128xf32, #tpu.memory_space<hbm>>
          %dma_wait3A_652 = arith.constant 16 : i32
          %dma_wait3A_653 = arith.constant 0 : i32
          %dma_wait3A_654 = tpu.memref_slice %arg10[%dma_wait3A_652, %dma_wait3A_653] : memref<64x129xf32, #tpu.memory_space<vmem>> -> memref<8x128xf32, #tpu.memory_space<vmem>>
          tpu.wait_dma2 semaphore(%arg14 : memref<!tpu.dma_semaphore, #tpu.memory_space<semaphore_mem>>) src(%dma_wait3A_654 : memref<8x128xf32, #tpu.memory_space<vmem>>) dst(%dma_wait3A_651 : memref<8x128xf32, #tpu.memory_space<hbm>>)
          %dma_wait3A_655 = arith.constant 0 : i32
          %dma_wait3A_656 = arith.constant 3 : i32
          %dma_wait3A_657 = arith.constant 0 : i32
          %dma_wait3A_658 = arith.constant 24 : i32
          %dma_wait3A_659 = arith.constant 0 : i32
          %dma_wait3A_660 = tpu.memref_slice %arg10[%dma_wait3A_658, %dma_wait3A_659] : memref<64x129xf32, #tpu.memory_space<vmem>> -> memref<8x128xf32, #tpu.memory_space<vmem>>
          %dma_wait3A_661 = arith.constant 0 : i32
          %dma_wait3A_662 = arith.constant 0 : i32
          %dma_wait3A_663 = tpu.memref_slice %arg4[%dma_wait3A_655, %dma_wait3A_656, %dma_wait3A_657, %dma_wait3A_661, %dma_wait3A_662] : memref<50x8x128x8x128xf32, #tpu.memory_space<hbm>> -> memref<1x1x1x8x128xf32, #tpu.memory_space<hbm>>
          %dma_wait3A_664 = tpu.memref_squeeze %dma_wait3A_663 : memref<1x1x1x8x128xf32, #tpu.memory_space<hbm>> -> memref<8x128xf32, #tpu.memory_space<hbm>>
          %dma_wait3A_665 = arith.constant 0 : i32
          %dma_wait3A_666 = arith.constant 0 : i32
          %dma_wait3A_667 = tpu.memref_slice %arg4[%dma_wait3A_655, %dma_wait3A_656, %dma_wait3A_657, %dma_wait3A_665, %dma_wait3A_666] : memref<50x8x128x8x128xf32, #tpu.memory_space<hbm>> -> memref<1x1x1x8x128xf32, #tpu.memory_space<hbm>>
          %dma_wait3A_668 = tpu.memref_squeeze %dma_wait3A_667 : memref<1x1x1x8x128xf32, #tpu.memory_space<hbm>> -> memref<8x128xf32, #tpu.memory_space<hbm>>
          %dma_wait3A_669 = arith.constant 24 : i32
          %dma_wait3A_670 = arith.constant 0 : i32
          %dma_wait3A_671 = tpu.memref_slice %arg10[%dma_wait3A_669, %dma_wait3A_670] : memref<64x129xf32, #tpu.memory_space<vmem>> -> memref<8x128xf32, #tpu.memory_space<vmem>>
          tpu.wait_dma2 semaphore(%arg14 : memref<!tpu.dma_semaphore, #tpu.memory_space<semaphore_mem>>) src(%dma_wait3A_671 : memref<8x128xf32, #tpu.memory_space<vmem>>) dst(%dma_wait3A_668 : memref<8x128xf32, #tpu.memory_space<hbm>>)
          %dma_wait3A_672 = arith.constant 0 : i32
          %dma_wait3A_673 = arith.constant 4 : i32
          %dma_wait3A_674 = arith.constant 0 : i32
          %dma_wait3A_675 = arith.constant 32 : i32
          %dma_wait3A_676 = arith.constant 0 : i32
          %dma_wait3A_677 = tpu.memref_slice %arg10[%dma_wait3A_675, %dma_wait3A_676] : memref<64x129xf32, #tpu.memory_space<vmem>> -> memref<8x128xf32, #tpu.memory_space<vmem>>
          %dma_wait3A_678 = arith.constant 0 : i32
          %dma_wait3A_679 = arith.constant 0 : i32
          %dma_wait3A_680 = tpu.memref_slice %arg4[%dma_wait3A_672, %dma_wait3A_673, %dma_wait3A_674, %dma_wait3A_678, %dma_wait3A_679] : memref<50x8x128x8x128xf32, #tpu.memory_space<hbm>> -> memref<1x1x1x8x128xf32, #tpu.memory_space<hbm>>
          %dma_wait3A_681 = tpu.memref_squeeze %dma_wait3A_680 : memref<1x1x1x8x128xf32, #tpu.memory_space<hbm>> -> memref<8x128xf32, #tpu.memory_space<hbm>>
          %dma_wait3A_682 = arith.constant 0 : i32
          %dma_wait3A_683 = arith.constant 0 : i32
          %dma_wait3A_684 = tpu.memref_slice %arg4[%dma_wait3A_672, %dma_wait3A_673, %dma_wait3A_674, %dma_wait3A_682, %dma_wait3A_683] : memref<50x8x128x8x128xf32, #tpu.memory_space<hbm>> -> memref<1x1x1x8x128xf32, #tpu.memory_space<hbm>>
          %dma_wait3A_685 = tpu.memref_squeeze %dma_wait3A_684 : memref<1x1x1x8x128xf32, #tpu.memory_space<hbm>> -> memref<8x128xf32, #tpu.memory_space<hbm>>
          %dma_wait3A_686 = arith.constant 32 : i32
          %dma_wait3A_687 = arith.constant 0 : i32
          %dma_wait3A_688 = tpu.memref_slice %arg10[%dma_wait3A_686, %dma_wait3A_687] : memref<64x129xf32, #tpu.memory_space<vmem>> -> memref<8x128xf32, #tpu.memory_space<vmem>>
          tpu.wait_dma2 semaphore(%arg14 : memref<!tpu.dma_semaphore, #tpu.memory_space<semaphore_mem>>) src(%dma_wait3A_688 : memref<8x128xf32, #tpu.memory_space<vmem>>) dst(%dma_wait3A_685 : memref<8x128xf32, #tpu.memory_space<hbm>>)
          %dma_wait3A_689 = arith.constant 0 : i32
          %dma_wait3A_690 = arith.constant 5 : i32
          %dma_wait3A_691 = arith.constant 0 : i32
          %dma_wait3A_692 = arith.constant 40 : i32
          %dma_wait3A_693 = arith.constant 0 : i32
          %dma_wait3A_694 = tpu.memref_slice %arg10[%dma_wait3A_692, %dma_wait3A_693] : memref<64x129xf32, #tpu.memory_space<vmem>> -> memref<8x128xf32, #tpu.memory_space<vmem>>
          %dma_wait3A_695 = arith.constant 0 : i32
          %dma_wait3A_696 = arith.constant 0 : i32
          %dma_wait3A_697 = tpu.memref_slice %arg4[%dma_wait3A_689, %dma_wait3A_690, %dma_wait3A_691, %dma_wait3A_695, %dma_wait3A_696] : memref<50x8x128x8x128xf32, #tpu.memory_space<hbm>> -> memref<1x1x1x8x128xf32, #tpu.memory_space<hbm>>
          %dma_wait3A_698 = tpu.memref_squeeze %dma_wait3A_697 : memref<1x1x1x8x128xf32, #tpu.memory_space<hbm>> -> memref<8x128xf32, #tpu.memory_space<hbm>>
          %dma_wait3A_699 = arith.constant 0 : i32
          %dma_wait3A_700 = arith.constant 0 : i32
          %dma_wait3A_701 = tpu.memref_slice %arg4[%dma_wait3A_689, %dma_wait3A_690, %dma_wait3A_691, %dma_wait3A_699, %dma_wait3A_700] : memref<50x8x128x8x128xf32, #tpu.memory_space<hbm>> -> memref<1x1x1x8x128xf32, #tpu.memory_space<hbm>>
          %dma_wait3A_702 = tpu.memref_squeeze %dma_wait3A_701 : memref<1x1x1x8x128xf32, #tpu.memory_space<hbm>> -> memref<8x128xf32, #tpu.memory_space<hbm>>
          %dma_wait3A_703 = arith.constant 40 : i32
          %dma_wait3A_704 = arith.constant 0 : i32
          %dma_wait3A_705 = tpu.memref_slice %arg10[%dma_wait3A_703, %dma_wait3A_704] : memref<64x129xf32, #tpu.memory_space<vmem>> -> memref<8x128xf32, #tpu.memory_space<vmem>>
          tpu.wait_dma2 semaphore(%arg14 : memref<!tpu.dma_semaphore, #tpu.memory_space<semaphore_mem>>) src(%dma_wait3A_705 : memref<8x128xf32, #tpu.memory_space<vmem>>) dst(%dma_wait3A_702 : memref<8x128xf32, #tpu.memory_space<hbm>>)
          %dma_wait3A_706 = arith.constant 0 : i32
          %dma_wait3A_707 = arith.constant 6 : i32
          %dma_wait3A_708 = arith.constant 0 : i32
          %dma_wait3A_709 = arith.constant 48 : i32
          %dma_wait3A_710 = arith.constant 0 : i32
          %dma_wait3A_711 = tpu.memref_slice %arg10[%dma_wait3A_709, %dma_wait3A_710] : memref<64x129xf32, #tpu.memory_space<vmem>> -> memref<8x128xf32, #tpu.memory_space<vmem>>
          %dma_wait3A_712 = arith.constant 0 : i32
          %dma_wait3A_713 = arith.constant 0 : i32
          %dma_wait3A_714 = tpu.memref_slice %arg4[%dma_wait3A_706, %dma_wait3A_707, %dma_wait3A_708, %dma_wait3A_712, %dma_wait3A_713] : memref<50x8x128x8x128xf32, #tpu.memory_space<hbm>> -> memref<1x1x1x8x128xf32, #tpu.memory_space<hbm>>
          %dma_wait3A_715 = tpu.memref_squeeze %dma_wait3A_714 : memref<1x1x1x8x128xf32, #tpu.memory_space<hbm>> -> memref<8x128xf32, #tpu.memory_space<hbm>>
          %dma_wait3A_716 = arith.constant 0 : i32
          %dma_wait3A_717 = arith.constant 0 : i32
          %dma_wait3A_718 = tpu.memref_slice %arg4[%dma_wait3A_706, %dma_wait3A_707, %dma_wait3A_708, %dma_wait3A_716, %dma_wait3A_717] : memref<50x8x128x8x128xf32, #tpu.memory_space<hbm>> -> memref<1x1x1x8x128xf32, #tpu.memory_space<hbm>>
          %dma_wait3A_719 = tpu.memref_squeeze %dma_wait3A_718 : memref<1x1x1x8x128xf32, #tpu.memory_space<hbm>> -> memref<8x128xf32, #tpu.memory_space<hbm>>
          %dma_wait3A_720 = arith.constant 48 : i32
          %dma_wait3A_721 = arith.constant 0 : i32
          %dma_wait3A_722 = tpu.memref_slice %arg10[%dma_wait3A_720, %dma_wait3A_721] : memref<64x129xf32, #tpu.memory_space<vmem>> -> memref<8x128xf32, #tpu.memory_space<vmem>>
          tpu.wait_dma2 semaphore(%arg14 : memref<!tpu.dma_semaphore, #tpu.memory_space<semaphore_mem>>) src(%dma_wait3A_722 : memref<8x128xf32, #tpu.memory_space<vmem>>) dst(%dma_wait3A_719 : memref<8x128xf32, #tpu.memory_space<hbm>>)
          %dma_wait3A_723 = arith.constant 0 : i32
          %dma_wait3A_724 = arith.constant 7 : i32
          %dma_wait3A_725 = arith.constant 0 : i32
          %dma_wait3A_726 = arith.constant 56 : i32
          %dma_wait3A_727 = arith.constant 0 : i32
          %dma_wait3A_728 = tpu.memref_slice %arg10[%dma_wait3A_726, %dma_wait3A_727] : memref<64x129xf32, #tpu.memory_space<vmem>> -> memref<8x128xf32, #tpu.memory_space<vmem>>
          %dma_wait3A_729 = arith.constant 0 : i32
          %dma_wait3A_730 = arith.constant 0 : i32
          %dma_wait3A_731 = tpu.memref_slice %arg4[%dma_wait3A_723, %dma_wait3A_724, %dma_wait3A_725, %dma_wait3A_729, %dma_wait3A_730] : memref<50x8x128x8x128xf32, #tpu.memory_space<hbm>> -> memref<1x1x1x8x128xf32, #tpu.memory_space<hbm>>
          %dma_wait3A_732 = tpu.memref_squeeze %dma_wait3A_731 : memref<1x1x1x8x128xf32, #tpu.memory_space<hbm>> -> memref<8x128xf32, #tpu.memory_space<hbm>>
          %dma_wait3A_733 = arith.constant 0 : i32
          %dma_wait3A_734 = arith.constant 0 : i32
          %dma_wait3A_735 = tpu.memref_slice %arg4[%dma_wait3A_723, %dma_wait3A_724, %dma_wait3A_725, %dma_wait3A_733, %dma_wait3A_734] : memref<50x8x128x8x128xf32, #tpu.memory_space<hbm>> -> memref<1x1x1x8x128xf32, #tpu.memory_space<hbm>>
          %dma_wait3A_736 = tpu.memref_squeeze %dma_wait3A_735 : memref<1x1x1x8x128xf32, #tpu.memory_space<hbm>> -> memref<8x128xf32, #tpu.memory_space<hbm>>
          %dma_wait3A_737 = arith.constant 56 : i32
          %dma_wait3A_738 = arith.constant 0 : i32
          %dma_wait3A_739 = tpu.memref_slice %arg10[%dma_wait3A_737, %dma_wait3A_738] : memref<64x129xf32, #tpu.memory_space<vmem>> -> memref<8x128xf32, #tpu.memory_space<vmem>>
          tpu.wait_dma2 semaphore(%arg14 : memref<!tpu.dma_semaphore, #tpu.memory_space<semaphore_mem>>) src(%dma_wait3A_739 : memref<8x128xf32, #tpu.memory_space<vmem>>) dst(%dma_wait3A_736 : memref<8x128xf32, #tpu.memory_space<hbm>>)
        } else {
        }
        %parallel_loop3A_481 = arith.constant 0 : i32
        %parallel_loop3A_482 = arith.constant 128 : i32
        %parallel_loop3A_483 = arith.constant 1 : i32
        scf.for %parallel_loop3A_604 = %parallel_loop3A_481 to %parallel_loop3A_482 step %parallel_loop3A_483  : i32 {
          %parallel_loop3A_605 = arith.constant 0 : i32
          %parallel_loop3A_606 = vector.broadcast %parallel_loop3A_605 : i32 to vector<16xi32>
          %parallel_loop3A_607 = vector.broadcast %parallel_loop3A_604 : i32 to vector<16xi32>
          %parallel_loop3A_608 = arith.addi %parallel_loop3A_606, %parallel_loop3A_607 : vector<16xi32>
          %parallel_loop3A_609 = arith.index_cast %parallel_loop3A_604 : i32 to index
          %parallel_loop3A_610 = arith.constant 0 : index
          %parallel_loop3A_611 = tpu.vector_load %arg8[%parallel_loop3A_609, %parallel_loop3A_610] {strides = array<i32>} : memref<128x64xf32, #tpu.memory_space<vmem>>, vector<16xf32>,
          tpu.vector_store_idx %arg10[%add3A_3, %parallel_loop3A_608], %parallel_loop3A_611 : memref<64x129xf32, #tpu.memory_space<vmem>>[vector<16xi32>, vector<16xi32>], vector<16xf32>,
          %parallel_loop3A_612 = arith.index_cast %parallel_loop3A_604 : i32 to index
          %parallel_loop3A_613 = arith.constant 16 : index
          %parallel_loop3A_614 = tpu.vector_load %arg8[%parallel_loop3A_612, %parallel_loop3A_613] {strides = array<i32>} : memref<128x64xf32, #tpu.memory_space<vmem>>, vector<16xf32>,
          tpu.vector_store_idx %arg10[%add3A_6, %parallel_loop3A_608], %parallel_loop3A_614 : memref<64x129xf32, #tpu.memory_space<vmem>>[vector<16xi32>, vector<16xi32>], vector<16xf32>,
          %parallel_loop3A_615 = arith.index_cast %parallel_loop3A_604 : i32 to index
          %parallel_loop3A_616 = arith.constant 32 : index
          %parallel_loop3A_617 = tpu.vector_load %arg8[%parallel_loop3A_615, %parallel_loop3A_616] {strides = array<i32>} : memref<128x64xf32, #tpu.memory_space<vmem>>, vector<16xf32>,
          tpu.vector_store_idx %arg10[%add3A_9, %parallel_loop3A_608], %parallel_loop3A_617 : memref<64x129xf32, #tpu.memory_space<vmem>>[vector<16xi32>, vector<16xi32>], vector<16xf32>,
          %parallel_loop3A_618 = arith.index_cast %parallel_loop3A_604 : i32 to index
          %parallel_loop3A_619 = arith.constant 48 : index
          %parallel_loop3A_620 = tpu.vector_load %arg8[%parallel_loop3A_618, %parallel_loop3A_619] {strides = array<i32>} : memref<128x64xf32, #tpu.memory_space<vmem>>, vector<16xf32>,
          tpu.vector_store_idx %arg10[%add3A_12, %parallel_loop3A_608], %parallel_loop3A_620 : memref<64x129xf32, #tpu.memory_space<vmem>>[vector<16xi32>, vector<16xi32>], vector<16xf32>,
        } {sc.loop_unroll_factor = 8 : i64, sc.parallel_access}
        %dma_start3A_484 = arith.constant 0 : i32
        %dma_start3A_485 = arith.constant 0 : i32
        %dma_start3A_486 = arith.constant 0 : i32
        %dma_start3A_487 = tpu.memref_slice %arg10[%dma_start3A_485, %dma_start3A_486] : memref<64x129xf32, #tpu.memory_space<vmem>> -> memref<8x128xf32, #tpu.memory_space<vmem>>
        %dma_start3A_488 = arith.constant 0 : i32
        %dma_start3A_489 = arith.constant 0 : i32
        %dma_start3A_490 = tpu.memref_slice %arg4[%add3A_458, %dma_start3A_484, %add3A_292, %dma_start3A_488, %dma_start3A_489] : memref<50x8x128x8x128xf32, #tpu.memory_space<hbm>> -> memref<1x1x1x8x128xf32, #tpu.memory_space<hbm>>
        %dma_start3A_491 = tpu.memref_squeeze %dma_start3A_490 : memref<1x1x1x8x128xf32, #tpu.memory_space<hbm>> -> memref<8x128xf32, #tpu.memory_space<hbm>>
        %dma_start3A_492 = arith.constant 0 : i32
        %dma_start3A_493 = arith.constant 0 : i32
        %dma_start3A_494 = tpu.memref_slice %arg4[%add3A_458, %dma_start3A_484, %add3A_292, %dma_start3A_492, %dma_start3A_493] : memref<50x8x128x8x128xf32, #tpu.memory_space<hbm>> -> memref<1x1x1x8x128xf32, #tpu.memory_space<hbm>>
        %dma_start3A_495 = tpu.memref_squeeze %dma_start3A_494 : memref<1x1x1x8x128xf32, #tpu.memory_space<hbm>> -> memref<8x128xf32, #tpu.memory_space<hbm>>
        %dma_start3A_496 = arith.constant 0 : i32
        %dma_start3A_497 = arith.constant 0 : i32
        %dma_start3A_498 = tpu.memref_slice %arg10[%dma_start3A_496, %dma_start3A_497] : memref<64x129xf32, #tpu.memory_space<vmem>> -> memref<8x128xf32, #tpu.memory_space<vmem>>
        tpu.enqueue_dma source(%dma_start3A_498 : memref<8x128xf32, #tpu.memory_space<vmem>>) target(%dma_start3A_495 : memref<8x128xf32, #tpu.memory_space<hbm>>) target_semaphore(%arg14 : memref<!tpu.dma_semaphore, #tpu.memory_space<semaphore_mem>>)
        %dma_start3A_499 = arith.constant 1 : i32
        %dma_start3A_500 = arith.constant 8 : i32
        %dma_start3A_501 = arith.constant 0 : i32
        %dma_start3A_502 = tpu.memref_slice %arg10[%dma_start3A_500, %dma_start3A_501] : memref<64x129xf32, #tpu.memory_space<vmem>> -> memref<8x128xf32, #tpu.memory_space<vmem>>
        %dma_start3A_503 = arith.constant 0 : i32
        %dma_start3A_504 = arith.constant 0 : i32
        %dma_start3A_505 = tpu.memref_slice %arg4[%add3A_458, %dma_start3A_499, %add3A_292, %dma_start3A_503, %dma_start3A_504] : memref<50x8x128x8x128xf32, #tpu.memory_space<hbm>> -> memref<1x1x1x8x128xf32, #tpu.memory_space<hbm>>
        %dma_start3A_506 = tpu.memref_squeeze %dma_start3A_505 : memref<1x1x1x8x128xf32, #tpu.memory_space<hbm>> -> memref<8x128xf32, #tpu.memory_space<hbm>>
        %dma_start3A_507 = arith.constant 0 : i32
        %dma_start3A_508 = arith.constant 0 : i32
        %dma_start3A_509 = tpu.memref_slice %arg4[%add3A_458, %dma_start3A_499, %add3A_292, %dma_start3A_507, %dma_start3A_508] : memref<50x8x128x8x128xf32, #tpu.memory_space<hbm>> -> memref<1x1x1x8x128xf32, #tpu.memory_space<hbm>>
        %dma_start3A_510 = tpu.memref_squeeze %dma_start3A_509 : memref<1x1x1x8x128xf32, #tpu.memory_space<hbm>> -> memref<8x128xf32, #tpu.memory_space<hbm>>
        %dma_start3A_511 = arith.constant 8 : i32
        %dma_start3A_512 = arith.constant 0 : i32
        %dma_start3A_513 = tpu.memref_slice %arg10[%dma_start3A_511, %dma_start3A_512] : memref<64x129xf32, #tpu.memory_space<vmem>> -> memref<8x128xf32, #tpu.memory_space<vmem>>
        tpu.enqueue_dma source(%dma_start3A_513 : memref<8x128xf32, #tpu.memory_space<vmem>>) target(%dma_start3A_510 : memref<8x128xf32, #tpu.memory_space<hbm>>) target_semaphore(%arg14 : memref<!tpu.dma_semaphore, #tpu.memory_space<semaphore_mem>>)
        %dma_start3A_514 = arith.constant 2 : i32
        %dma_start3A_515 = arith.constant 16 : i32
        %dma_start3A_516 = arith.constant 0 : i32
        %dma_start3A_517 = tpu.memref_slice %arg10[%dma_start3A_515, %dma_start3A_516] : memref<64x129xf32, #tpu.memory_space<vmem>> -> memref<8x128xf32, #tpu.memory_space<vmem>>
        %dma_start3A_518 = arith.constant 0 : i32
        %dma_start3A_519 = arith.constant 0 : i32
        %dma_start3A_520 = tpu.memref_slice %arg4[%add3A_458, %dma_start3A_514, %add3A_292, %dma_start3A_518, %dma_start3A_519] : memref<50x8x128x8x128xf32, #tpu.memory_space<hbm>> -> memref<1x1x1x8x128xf32, #tpu.memory_space<hbm>>
        %dma_start3A_521 = tpu.memref_squeeze %dma_start3A_520 : memref<1x1x1x8x128xf32, #tpu.memory_space<hbm>> -> memref<8x128xf32, #tpu.memory_space<hbm>>
        %dma_start3A_522 = arith.constant 0 : i32
        %dma_start3A_523 = arith.constant 0 : i32
        %dma_start3A_524 = tpu.memref_slice %arg4[%add3A_458, %dma_start3A_514, %add3A_292, %dma_start3A_522, %dma_start3A_523] : memref<50x8x128x8x128xf32, #tpu.memory_space<hbm>> -> memref<1x1x1x8x128xf32, #tpu.memory_space<hbm>>
        %dma_start3A_525 = tpu.memref_squeeze %dma_start3A_524 : memref<1x1x1x8x128xf32, #tpu.memory_space<hbm>> -> memref<8x128xf32, #tpu.memory_space<hbm>>
        %dma_start3A_526 = arith.constant 16 : i32
        %dma_start3A_527 = arith.constant 0 : i32
        %dma_start3A_528 = tpu.memref_slice %arg10[%dma_start3A_526, %dma_start3A_527] : memref<64x129xf32, #tpu.memory_space<vmem>> -> memref<8x128xf32, #tpu.memory_space<vmem>>
        tpu.enqueue_dma source(%dma_start3A_528 : memref<8x128xf32, #tpu.memory_space<vmem>>) target(%dma_start3A_525 : memref<8x128xf32, #tpu.memory_space<hbm>>) target_semaphore(%arg14 : memref<!tpu.dma_semaphore, #tpu.memory_space<semaphore_mem>>)
        %dma_start3A_529 = arith.constant 3 : i32
        %dma_start3A_530 = arith.constant 24 : i32
        %dma_start3A_531 = arith.constant 0 : i32
        %dma_start3A_532 = tpu.memref_slice %arg10[%dma_start3A_530, %dma_start3A_531] : memref<64x129xf32, #tpu.memory_space<vmem>> -> memref<8x128xf32, #tpu.memory_space<vmem>>
        %dma_start3A_533 = arith.constant 0 : i32
        %dma_start3A_534 = arith.constant 0 : i32
        %dma_start3A_535 = tpu.memref_slice %arg4[%add3A_458, %dma_start3A_529, %add3A_292, %dma_start3A_533, %dma_start3A_534] : memref<50x8x128x8x128xf32, #tpu.memory_space<hbm>> -> memref<1x1x1x8x128xf32, #tpu.memory_space<hbm>>
        %dma_start3A_536 = tpu.memref_squeeze %dma_start3A_535 : memref<1x1x1x8x128xf32, #tpu.memory_space<hbm>> -> memref<8x128xf32, #tpu.memory_space<hbm>>
        %dma_start3A_537 = arith.constant 0 : i32
        %dma_start3A_538 = arith.constant 0 : i32
        %dma_start3A_539 = tpu.memref_slice %arg4[%add3A_458, %dma_start3A_529, %add3A_292, %dma_start3A_537, %dma_start3A_538] : memref<50x8x128x8x128xf32, #tpu.memory_space<hbm>> -> memref<1x1x1x8x128xf32, #tpu.memory_space<hbm>>
        %dma_start3A_540 = tpu.memref_squeeze %dma_start3A_539 : memref<1x1x1x8x128xf32, #tpu.memory_space<hbm>> -> memref<8x128xf32, #tpu.memory_space<hbm>>
        %dma_start3A_541 = arith.constant 24 : i32
        %dma_start3A_542 = arith.constant 0 : i32
        %dma_start3A_543 = tpu.memref_slice %arg10[%dma_start3A_541, %dma_start3A_542] : memref<64x129xf32, #tpu.memory_space<vmem>> -> memref<8x128xf32, #tpu.memory_space<vmem>>
        tpu.enqueue_dma source(%dma_start3A_543 : memref<8x128xf32, #tpu.memory_space<vmem>>) target(%dma_start3A_540 : memref<8x128xf32, #tpu.memory_space<hbm>>) target_semaphore(%arg14 : memref<!tpu.dma_semaphore, #tpu.memory_space<semaphore_mem>>)
        %dma_start3A_544 = arith.constant 4 : i32
        %dma_start3A_545 = arith.constant 32 : i32
        %dma_start3A_546 = arith.constant 0 : i32
        %dma_start3A_547 = tpu.memref_slice %arg10[%dma_start3A_545, %dma_start3A_546] : memref<64x129xf32, #tpu.memory_space<vmem>> -> memref<8x128xf32, #tpu.memory_space<vmem>>
        %dma_start3A_548 = arith.constant 0 : i32
        %dma_start3A_549 = arith.constant 0 : i32
        %dma_start3A_550 = tpu.memref_slice %arg4[%add3A_458, %dma_start3A_544, %add3A_292, %dma_start3A_548, %dma_start3A_549] : memref<50x8x128x8x128xf32, #tpu.memory_space<hbm>> -> memref<1x1x1x8x128xf32, #tpu.memory_space<hbm>>
        %dma_start3A_551 = tpu.memref_squeeze %dma_start3A_550 : memref<1x1x1x8x128xf32, #tpu.memory_space<hbm>> -> memref<8x128xf32, #tpu.memory_space<hbm>>
        %dma_start3A_552 = arith.constant 0 : i32
        %dma_start3A_553 = arith.constant 0 : i32
        %dma_start3A_554 = tpu.memref_slice %arg4[%add3A_458, %dma_start3A_544, %add3A_292, %dma_start3A_552, %dma_start3A_553] : memref<50x8x128x8x128xf32, #tpu.memory_space<hbm>> -> memref<1x1x1x8x128xf32, #tpu.memory_space<hbm>>
        %dma_start3A_555 = tpu.memref_squeeze %dma_start3A_554 : memref<1x1x1x8x128xf32, #tpu.memory_space<hbm>> -> memref<8x128xf32, #tpu.memory_space<hbm>>
        %dma_start3A_556 = arith.constant 32 : i32
        %dma_start3A_557 = arith.constant 0 : i32
        %dma_start3A_558 = tpu.memref_slice %arg10[%dma_start3A_556, %dma_start3A_557] : memref<64x129xf32, #tpu.memory_space<vmem>> -> memref<8x128xf32, #tpu.memory_space<vmem>>
        tpu.enqueue_dma source(%dma_start3A_558 : memref<8x128xf32, #tpu.memory_space<vmem>>) target(%dma_start3A_555 : memref<8x128xf32, #tpu.memory_space<hbm>>) target_semaphore(%arg14 : memref<!tpu.dma_semaphore, #tpu.memory_space<semaphore_mem>>)
        %dma_start3A_559 = arith.constant 5 : i32
        %dma_start3A_560 = arith.constant 40 : i32
        %dma_start3A_561 = arith.constant 0 : i32
        %dma_start3A_562 = tpu.memref_slice %arg10[%dma_start3A_560, %dma_start3A_561] : memref<64x129xf32, #tpu.memory_space<vmem>> -> memref<8x128xf32, #tpu.memory_space<vmem>>
        %dma_start3A_563 = arith.constant 0 : i32
        %dma_start3A_564 = arith.constant 0 : i32
        %dma_start3A_565 = tpu.memref_slice %arg4[%add3A_458, %dma_start3A_559, %add3A_292, %dma_start3A_563, %dma_start3A_564] : memref<50x8x128x8x128xf32, #tpu.memory_space<hbm>> -> memref<1x1x1x8x128xf32, #tpu.memory_space<hbm>>
        %dma_start3A_566 = tpu.memref_squeeze %dma_start3A_565 : memref<1x1x1x8x128xf32, #tpu.memory_space<hbm>> -> memref<8x128xf32, #tpu.memory_space<hbm>>
        %dma_start3A_567 = arith.constant 0 : i32
        %dma_start3A_568 = arith.constant 0 : i32
        %dma_start3A_569 = tpu.memref_slice %arg4[%add3A_458, %dma_start3A_559, %add3A_292, %dma_start3A_567, %dma_start3A_568] : memref<50x8x128x8x128xf32, #tpu.memory_space<hbm>> -> memref<1x1x1x8x128xf32, #tpu.memory_space<hbm>>
        %dma_start3A_570 = tpu.memref_squeeze %dma_start3A_569 : memref<1x1x1x8x128xf32, #tpu.memory_space<hbm>> -> memref<8x128xf32, #tpu.memory_space<hbm>>
        %dma_start3A_571 = arith.constant 40 : i32
        %dma_start3A_572 = arith.constant 0 : i32
        %dma_start3A_573 = tpu.memref_slice %arg10[%dma_start3A_571, %dma_start3A_572] : memref<64x129xf32, #tpu.memory_space<vmem>> -> memref<8x128xf32, #tpu.memory_space<vmem>>
        tpu.enqueue_dma source(%dma_start3A_573 : memref<8x128xf32, #tpu.memory_space<vmem>>) target(%dma_start3A_570 : memref<8x128xf32, #tpu.memory_space<hbm>>) target_semaphore(%arg14 : memref<!tpu.dma_semaphore, #tpu.memory_space<semaphore_mem>>)
        %dma_start3A_574 = arith.constant 6 : i32
        %dma_start3A_575 = arith.constant 48 : i32
        %dma_start3A_576 = arith.constant 0 : i32
        %dma_start3A_577 = tpu.memref_slice %arg10[%dma_start3A_575, %dma_start3A_576] : memref<64x129xf32, #tpu.memory_space<vmem>> -> memref<8x128xf32, #tpu.memory_space<vmem>>
        %dma_start3A_578 = arith.constant 0 : i32
        %dma_start3A_579 = arith.constant 0 : i32
        %dma_start3A_580 = tpu.memref_slice %arg4[%add3A_458, %dma_start3A_574, %add3A_292, %dma_start3A_578, %dma_start3A_579] : memref<50x8x128x8x128xf32, #tpu.memory_space<hbm>> -> memref<1x1x1x8x128xf32, #tpu.memory_space<hbm>>
        %dma_start3A_581 = tpu.memref_squeeze %dma_start3A_580 : memref<1x1x1x8x128xf32, #tpu.memory_space<hbm>> -> memref<8x128xf32, #tpu.memory_space<hbm>>
        %dma_start3A_582 = arith.constant 0 : i32
        %dma_start3A_583 = arith.constant 0 : i32
        %dma_start3A_584 = tpu.memref_slice %arg4[%add3A_458, %dma_start3A_574, %add3A_292, %dma_start3A_582, %dma_start3A_583] : memref<50x8x128x8x128xf32, #tpu.memory_space<hbm>> -> memref<1x1x1x8x128xf32, #tpu.memory_space<hbm>>
        %dma_start3A_585 = tpu.memref_squeeze %dma_start3A_584 : memref<1x1x1x8x128xf32, #tpu.memory_space<hbm>> -> memref<8x128xf32, #tpu.memory_space<hbm>>
        %dma_start3A_586 = arith.constant 48 : i32
        %dma_start3A_587 = arith.constant 0 : i32
        %dma_start3A_588 = tpu.memref_slice %arg10[%dma_start3A_586, %dma_start3A_587] : memref<64x129xf32, #tpu.memory_space<vmem>> -> memref<8x128xf32, #tpu.memory_space<vmem>>
        tpu.enqueue_dma source(%dma_start3A_588 : memref<8x128xf32, #tpu.memory_space<vmem>>) target(%dma_start3A_585 : memref<8x128xf32, #tpu.memory_space<hbm>>) target_semaphore(%arg14 : memref<!tpu.dma_semaphore, #tpu.memory_space<semaphore_mem>>)
        %dma_start3A_589 = arith.constant 7 : i32
        %dma_start3A_590 = arith.constant 56 : i32
        %dma_start3A_591 = arith.constant 0 : i32
        %dma_start3A_592 = tpu.memref_slice %arg10[%dma_start3A_590, %dma_start3A_591] : memref<64x129xf32, #tpu.memory_space<vmem>> -> memref<8x128xf32, #tpu.memory_space<vmem>>
        %dma_start3A_593 = arith.constant 0 : i32
        %dma_start3A_594 = arith.constant 0 : i32
        %dma_start3A_595 = tpu.memref_slice %arg4[%add3A_458, %dma_start3A_589, %add3A_292, %dma_start3A_593, %dma_start3A_594] : memref<50x8x128x8x128xf32, #tpu.memory_space<hbm>> -> memref<1x1x1x8x128xf32, #tpu.memory_space<hbm>>
        %dma_start3A_596 = tpu.memref_squeeze %dma_start3A_595 : memref<1x1x1x8x128xf32, #tpu.memory_space<hbm>> -> memref<8x128xf32, #tpu.memory_space<hbm>>
        %dma_start3A_597 = arith.constant 0 : i32
        %dma_start3A_598 = arith.constant 0 : i32
        %dma_start3A_599 = tpu.memref_slice %arg4[%add3A_458, %dma_start3A_589, %add3A_292, %dma_start3A_597, %dma_start3A_598] : memref<50x8x128x8x128xf32, #tpu.memory_space<hbm>> -> memref<1x1x1x8x128xf32, #tpu.memory_space<hbm>>
        %dma_start3A_600 = tpu.memref_squeeze %dma_start3A_599 : memref<1x1x1x8x128xf32, #tpu.memory_space<hbm>> -> memref<8x128xf32, #tpu.memory_space<hbm>>
        %dma_start3A_601 = arith.constant 56 : i32
        %dma_start3A_602 = arith.constant 0 : i32
        %dma_start3A_603 = tpu.memref_slice %arg10[%dma_start3A_601, %dma_start3A_602] : memref<64x129xf32, #tpu.memory_space<vmem>> -> memref<8x128xf32, #tpu.memory_space<vmem>>
        tpu.enqueue_dma source(%dma_start3A_603 : memref<8x128xf32, #tpu.memory_space<vmem>>) target(%dma_start3A_600 : memref<8x128xf32, #tpu.memory_space<hbm>>) target_semaphore(%arg14 : memref<!tpu.dma_semaphore, #tpu.memory_space<semaphore_mem>>)
      }
      %scan3A_308 = arith.constant 25 : i32
    }
    %scan3A_17 = arith.constant 4 : i32
    %dma_wait3A = arith.constant 0 : i32
    %dma_wait3A_18 = arith.constant 0 : i32
    %dma_wait3A_19 = arith.constant 0 : i32
    %dma_wait3A_20 = arith.constant 0 : i32
    %dma_wait3A_21 = arith.constant 0 : i32
    %dma_wait3A_22 = tpu.memref_slice %arg9[%dma_wait3A_20, %dma_wait3A_21] : memref<64x129xf32, #tpu.memory_space<vmem>> -> memref<8x128xf32, #tpu.memory_space<vmem>>
    %dma_wait3A_23 = arith.constant 0 : i32
    %dma_wait3A_24 = arith.constant 0 : i32
    %dma_wait3A_25 = tpu.memref_slice %arg4[%dma_wait3A, %dma_wait3A_18, %dma_wait3A_19, %dma_wait3A_23, %dma_wait3A_24] : memref<50x8x128x8x128xf32, #tpu.memory_space<hbm>> -> memref<1x1x1x8x128xf32, #tpu.memory_space<hbm>>
    %dma_wait3A_26 = tpu.memref_squeeze %dma_wait3A_25 : memref<1x1x1x8x128xf32, #tpu.memory_space<hbm>> -> memref<8x128xf32, #tpu.memory_space<hbm>>
    %dma_wait3A_27 = arith.constant 0 : i32
    %dma_wait3A_28 = arith.constant 0 : i32
    %dma_wait3A_29 = tpu.memref_slice %arg4[%dma_wait3A, %dma_wait3A_18, %dma_wait3A_19, %dma_wait3A_27, %dma_wait3A_28] : memref<50x8x128x8x128xf32, #tpu.memory_space<hbm>> -> memref<1x1x1x8x128xf32, #tpu.memory_space<hbm>>
    %dma_wait3A_30 = tpu.memref_squeeze %dma_wait3A_29 : memref<1x1x1x8x128xf32, #tpu.memory_space<hbm>> -> memref<8x128xf32, #tpu.memory_space<hbm>>
    %dma_wait3A_31 = arith.constant 0 : i32
    %dma_wait3A_32 = arith.constant 0 : i32
    %dma_wait3A_33 = tpu.memref_slice %arg9[%dma_wait3A_31, %dma_wait3A_32] : memref<64x129xf32, #tpu.memory_space<vmem>> -> memref<8x128xf32, #tpu.memory_space<vmem>>
    tpu.wait_dma2 semaphore(%arg13 : memref<!tpu.dma_semaphore, #tpu.memory_space<semaphore_mem>>) src(%dma_wait3A_33 : memref<8x128xf32, #tpu.memory_space<vmem>>) dst(%dma_wait3A_30 : memref<8x128xf32, #tpu.memory_space<hbm>>)
    %dma_wait3A_34 = arith.constant 0 : i32
    %dma_wait3A_35 = arith.constant 1 : i32
    %dma_wait3A_36 = arith.constant 0 : i32
    %dma_wait3A_37 = arith.constant 8 : i32
    %dma_wait3A_38 = arith.constant 0 : i32
    %dma_wait3A_39 = tpu.memref_slice %arg9[%dma_wait3A_37, %dma_wait3A_38] : memref<64x129xf32, #tpu.memory_space<vmem>> -> memref<8x128xf32, #tpu.memory_space<vmem>>
    %dma_wait3A_40 = arith.constant 0 : i32
    %dma_wait3A_41 = arith.constant 0 : i32
    %dma_wait3A_42 = tpu.memref_slice %arg4[%dma_wait3A_34, %dma_wait3A_35, %dma_wait3A_36, %dma_wait3A_40, %dma_wait3A_41] : memref<50x8x128x8x128xf32, #tpu.memory_space<hbm>> -> memref<1x1x1x8x128xf32, #tpu.memory_space<hbm>>
    %dma_wait3A_43 = tpu.memref_squeeze %dma_wait3A_42 : memref<1x1x1x8x128xf32, #tpu.memory_space<hbm>> -> memref<8x128xf32, #tpu.memory_space<hbm>>
    %dma_wait3A_44 = arith.constant 0 : i32
    %dma_wait3A_45 = arith.constant 0 : i32
    %dma_wait3A_46 = tpu.memref_slice %arg4[%dma_wait3A_34, %dma_wait3A_35, %dma_wait3A_36, %dma_wait3A_44, %dma_wait3A_45] : memref<50x8x128x8x128xf32, #tpu.memory_space<hbm>> -> memref<1x1x1x8x128xf32, #tpu.memory_space<hbm>>
    %dma_wait3A_47 = tpu.memref_squeeze %dma_wait3A_46 : memref<1x1x1x8x128xf32, #tpu.memory_space<hbm>> -> memref<8x128xf32, #tpu.memory_space<hbm>>
    %dma_wait3A_48 = arith.constant 8 : i32
    %dma_wait3A_49 = arith.constant 0 : i32
    %dma_wait3A_50 = tpu.memref_slice %arg9[%dma_wait3A_48, %dma_wait3A_49] : memref<64x129xf32, #tpu.memory_space<vmem>> -> memref<8x128xf32, #tpu.memory_space<vmem>>
    tpu.wait_dma2 semaphore(%arg13 : memref<!tpu.dma_semaphore, #tpu.memory_space<semaphore_mem>>) src(%dma_wait3A_50 : memref<8x128xf32, #tpu.memory_space<vmem>>) dst(%dma_wait3A_47 : memref<8x128xf32, #tpu.memory_space<hbm>>)
    %dma_wait3A_51 = arith.constant 0 : i32
    %dma_wait3A_52 = arith.constant 2 : i32
    %dma_wait3A_53 = arith.constant 0 : i32
    %dma_wait3A_54 = arith.constant 16 : i32
    %dma_wait3A_55 = arith.constant 0 : i32
    %dma_wait3A_56 = tpu.memref_slice %arg9[%dma_wait3A_54, %dma_wait3A_55] : memref<64x129xf32, #tpu.memory_space<vmem>> -> memref<8x128xf32, #tpu.memory_space<vmem>>
    %dma_wait3A_57 = arith.constant 0 : i32
    %dma_wait3A_58 = arith.constant 0 : i32
    %dma_wait3A_59 = tpu.memref_slice %arg4[%dma_wait3A_51, %dma_wait3A_52, %dma_wait3A_53, %dma_wait3A_57, %dma_wait3A_58] : memref<50x8x128x8x128xf32, #tpu.memory_space<hbm>> -> memref<1x1x1x8x128xf32, #tpu.memory_space<hbm>>
    %dma_wait3A_60 = tpu.memref_squeeze %dma_wait3A_59 : memref<1x1x1x8x128xf32, #tpu.memory_space<hbm>> -> memref<8x128xf32, #tpu.memory_space<hbm>>
    %dma_wait3A_61 = arith.constant 0 : i32
    %dma_wait3A_62 = arith.constant 0 : i32
    %dma_wait3A_63 = tpu.memref_slice %arg4[%dma_wait3A_51, %dma_wait3A_52, %dma_wait3A_53, %dma_wait3A_61, %dma_wait3A_62] : memref<50x8x128x8x128xf32, #tpu.memory_space<hbm>> -> memref<1x1x1x8x128xf32, #tpu.memory_space<hbm>>
    %dma_wait3A_64 = tpu.memref_squeeze %dma_wait3A_63 : memref<1x1x1x8x128xf32, #tpu.memory_space<hbm>> -> memref<8x128xf32, #tpu.memory_space<hbm>>
    %dma_wait3A_65 = arith.constant 16 : i32
    %dma_wait3A_66 = arith.constant 0 : i32
    %dma_wait3A_67 = tpu.memref_slice %arg9[%dma_wait3A_65, %dma_wait3A_66] : memref<64x129xf32, #tpu.memory_space<vmem>> -> memref<8x128xf32, #tpu.memory_space<vmem>>
    tpu.wait_dma2 semaphore(%arg13 : memref<!tpu.dma_semaphore, #tpu.memory_space<semaphore_mem>>) src(%dma_wait3A_67 : memref<8x128xf32, #tpu.memory_space<vmem>>) dst(%dma_wait3A_64 : memref<8x128xf32, #tpu.memory_space<hbm>>)
    %dma_wait3A_68 = arith.constant 0 : i32
    %dma_wait3A_69 = arith.constant 3 : i32
    %dma_wait3A_70 = arith.constant 0 : i32
    %dma_wait3A_71 = arith.constant 24 : i32
    %dma_wait3A_72 = arith.constant 0 : i32
    %dma_wait3A_73 = tpu.memref_slice %arg9[%dma_wait3A_71, %dma_wait3A_72] : memref<64x129xf32, #tpu.memory_space<vmem>> -> memref<8x128xf32, #tpu.memory_space<vmem>>
    %dma_wait3A_74 = arith.constant 0 : i32
    %dma_wait3A_75 = arith.constant 0 : i32
    %dma_wait3A_76 = tpu.memref_slice %arg4[%dma_wait3A_68, %dma_wait3A_69, %dma_wait3A_70, %dma_wait3A_74, %dma_wait3A_75] : memref<50x8x128x8x128xf32, #tpu.memory_space<hbm>> -> memref<1x1x1x8x128xf32, #tpu.memory_space<hbm>>
    %dma_wait3A_77 = tpu.memref_squeeze %dma_wait3A_76 : memref<1x1x1x8x128xf32, #tpu.memory_space<hbm>> -> memref<8x128xf32, #tpu.memory_space<hbm>>
    %dma_wait3A_78 = arith.constant 0 : i32
    %dma_wait3A_79 = arith.constant 0 : i32
    %dma_wait3A_80 = tpu.memref_slice %arg4[%dma_wait3A_68, %dma_wait3A_69, %dma_wait3A_70, %dma_wait3A_78, %dma_wait3A_79] : memref<50x8x128x8x128xf32, #tpu.memory_space<hbm>> -> memref<1x1x1x8x128xf32, #tpu.memory_space<hbm>>
    %dma_wait3A_81 = tpu.memref_squeeze %dma_wait3A_80 : memref<1x1x1x8x128xf32, #tpu.memory_space<hbm>> -> memref<8x128xf32, #tpu.memory_space<hbm>>
    %dma_wait3A_82 = arith.constant 24 : i32
    %dma_wait3A_83 = arith.constant 0 : i32
    %dma_wait3A_84 = tpu.memref_slice %arg9[%dma_wait3A_82, %dma_wait3A_83] : memref<64x129xf32, #tpu.memory_space<vmem>> -> memref<8x128xf32, #tpu.memory_space<vmem>>
    tpu.wait_dma2 semaphore(%arg13 : memref<!tpu.dma_semaphore, #tpu.memory_space<semaphore_mem>>) src(%dma_wait3A_84 : memref<8x128xf32, #tpu.memory_space<vmem>>) dst(%dma_wait3A_81 : memref<8x128xf32, #tpu.memory_space<hbm>>)
    %dma_wait3A_85 = arith.constant 0 : i32
    %dma_wait3A_86 = arith.constant 4 : i32
    %dma_wait3A_87 = arith.constant 0 : i32
    %dma_wait3A_88 = arith.constant 32 : i32
    %dma_wait3A_89 = arith.constant 0 : i32
    %dma_wait3A_90 = tpu.memref_slice %arg9[%dma_wait3A_88, %dma_wait3A_89] : memref<64x129xf32, #tpu.memory_space<vmem>> -> memref<8x128xf32, #tpu.memory_space<vmem>>
    %dma_wait3A_91 = arith.constant 0 : i32
    %dma_wait3A_92 = arith.constant 0 : i32
    %dma_wait3A_93 = tpu.memref_slice %arg4[%dma_wait3A_85, %dma_wait3A_86, %dma_wait3A_87, %dma_wait3A_91, %dma_wait3A_92] : memref<50x8x128x8x128xf32, #tpu.memory_space<hbm>> -> memref<1x1x1x8x128xf32, #tpu.memory_space<hbm>>
    %dma_wait3A_94 = tpu.memref_squeeze %dma_wait3A_93 : memref<1x1x1x8x128xf32, #tpu.memory_space<hbm>> -> memref<8x128xf32, #tpu.memory_space<hbm>>
    %dma_wait3A_95 = arith.constant 0 : i32
    %dma_wait3A_96 = arith.constant 0 : i32
    %dma_wait3A_97 = tpu.memref_slice %arg4[%dma_wait3A_85, %dma_wait3A_86, %dma_wait3A_87, %dma_wait3A_95, %dma_wait3A_96] : memref<50x8x128x8x128xf32, #tpu.memory_space<hbm>> -> memref<1x1x1x8x128xf32, #tpu.memory_space<hbm>>
    %dma_wait3A_98 = tpu.memref_squeeze %dma_wait3A_97 : memref<1x1x1x8x128xf32, #tpu.memory_space<hbm>> -> memref<8x128xf32, #tpu.memory_space<hbm>>
    %dma_wait3A_99 = arith.constant 32 : i32
    %dma_wait3A_100 = arith.constant 0 : i32
    %dma_wait3A_101 = tpu.memref_slice %arg9[%dma_wait3A_99, %dma_wait3A_100] : memref<64x129xf32, #tpu.memory_space<vmem>> -> memref<8x128xf32, #tpu.memory_space<vmem>>
    tpu.wait_dma2 semaphore(%arg13 : memref<!tpu.dma_semaphore, #tpu.memory_space<semaphore_mem>>) src(%dma_wait3A_101 : memref<8x128xf32, #tpu.memory_space<vmem>>) dst(%dma_wait3A_98 : memref<8x128xf32, #tpu.memory_space<hbm>>)
    %dma_wait3A_102 = arith.constant 0 : i32
    %dma_wait3A_103 = arith.constant 5 : i32
    %dma_wait3A_104 = arith.constant 0 : i32
    %dma_wait3A_105 = arith.constant 40 : i32
    %dma_wait3A_106 = arith.constant 0 : i32
    %dma_wait3A_107 = tpu.memref_slice %arg9[%dma_wait3A_105, %dma_wait3A_106] : memref<64x129xf32, #tpu.memory_space<vmem>> -> memref<8x128xf32, #tpu.memory_space<vmem>>
    %dma_wait3A_108 = arith.constant 0 : i32
    %dma_wait3A_109 = arith.constant 0 : i32
    %dma_wait3A_110 = tpu.memref_slice %arg4[%dma_wait3A_102, %dma_wait3A_103, %dma_wait3A_104, %dma_wait3A_108, %dma_wait3A_109] : memref<50x8x128x8x128xf32, #tpu.memory_space<hbm>> -> memref<1x1x1x8x128xf32, #tpu.memory_space<hbm>>
    %dma_wait3A_111 = tpu.memref_squeeze %dma_wait3A_110 : memref<1x1x1x8x128xf32, #tpu.memory_space<hbm>> -> memref<8x128xf32, #tpu.memory_space<hbm>>
    %dma_wait3A_112 = arith.constant 0 : i32
    %dma_wait3A_113 = arith.constant 0 : i32
    %dma_wait3A_114 = tpu.memref_slice %arg4[%dma_wait3A_102, %dma_wait3A_103, %dma_wait3A_104, %dma_wait3A_112, %dma_wait3A_113] : memref<50x8x128x8x128xf32, #tpu.memory_space<hbm>> -> memref<1x1x1x8x128xf32, #tpu.memory_space<hbm>>
    %dma_wait3A_115 = tpu.memref_squeeze %dma_wait3A_114 : memref<1x1x1x8x128xf32, #tpu.memory_space<hbm>> -> memref<8x128xf32, #tpu.memory_space<hbm>>
    %dma_wait3A_116 = arith.constant 40 : i32
    %dma_wait3A_117 = arith.constant 0 : i32
    %dma_wait3A_118 = tpu.memref_slice %arg9[%dma_wait3A_116, %dma_wait3A_117] : memref<64x129xf32, #tpu.memory_space<vmem>> -> memref<8x128xf32, #tpu.memory_space<vmem>>
    tpu.wait_dma2 semaphore(%arg13 : memref<!tpu.dma_semaphore, #tpu.memory_space<semaphore_mem>>) src(%dma_wait3A_118 : memref<8x128xf32, #tpu.memory_space<vmem>>) dst(%dma_wait3A_115 : memref<8x128xf32, #tpu.memory_space<hbm>>)
    %dma_wait3A_119 = arith.constant 0 : i32
    %dma_wait3A_120 = arith.constant 6 : i32
    %dma_wait3A_121 = arith.constant 0 : i32
    %dma_wait3A_122 = arith.constant 48 : i32
    %dma_wait3A_123 = arith.constant 0 : i32
    %dma_wait3A_124 = tpu.memref_slice %arg9[%dma_wait3A_122, %dma_wait3A_123] : memref<64x129xf32, #tpu.memory_space<vmem>> -> memref<8x128xf32, #tpu.memory_space<vmem>>
    %dma_wait3A_125 = arith.constant 0 : i32
    %dma_wait3A_126 = arith.constant 0 : i32
    %dma_wait3A_127 = tpu.memref_slice %arg4[%dma_wait3A_119, %dma_wait3A_120, %dma_wait3A_121, %dma_wait3A_125, %dma_wait3A_126] : memref<50x8x128x8x128xf32, #tpu.memory_space<hbm>> -> memref<1x1x1x8x128xf32, #tpu.memory_space<hbm>>
    %dma_wait3A_128 = tpu.memref_squeeze %dma_wait3A_127 : memref<1x1x1x8x128xf32, #tpu.memory_space<hbm>> -> memref<8x128xf32, #tpu.memory_space<hbm>>
    %dma_wait3A_129 = arith.constant 0 : i32
    %dma_wait3A_130 = arith.constant 0 : i32
    %dma_wait3A_131 = tpu.memref_slice %arg4[%dma_wait3A_119, %dma_wait3A_120, %dma_wait3A_121, %dma_wait3A_129, %dma_wait3A_130] : memref<50x8x128x8x128xf32, #tpu.memory_space<hbm>> -> memref<1x1x1x8x128xf32, #tpu.memory_space<hbm>>
    %dma_wait3A_132 = tpu.memref_squeeze %dma_wait3A_131 : memref<1x1x1x8x128xf32, #tpu.memory_space<hbm>> -> memref<8x128xf32, #tpu.memory_space<hbm>>
    %dma_wait3A_133 = arith.constant 48 : i32
    %dma_wait3A_134 = arith.constant 0 : i32
    %dma_wait3A_135 = tpu.memref_slice %arg9[%dma_wait3A_133, %dma_wait3A_134] : memref<64x129xf32, #tpu.memory_space<vmem>> -> memref<8x128xf32, #tpu.memory_space<vmem>>
    tpu.wait_dma2 semaphore(%arg13 : memref<!tpu.dma_semaphore, #tpu.memory_space<semaphore_mem>>) src(%dma_wait3A_135 : memref<8x128xf32, #tpu.memory_space<vmem>>) dst(%dma_wait3A_132 : memref<8x128xf32, #tpu.memory_space<hbm>>)
    %dma_wait3A_136 = arith.constant 0 : i32
    %dma_wait3A_137 = arith.constant 7 : i32
    %dma_wait3A_138 = arith.constant 0 : i32
    %dma_wait3A_139 = arith.constant 56 : i32
    %dma_wait3A_140 = arith.constant 0 : i32
    %dma_wait3A_141 = tpu.memref_slice %arg9[%dma_wait3A_139, %dma_wait3A_140] : memref<64x129xf32, #tpu.memory_space<vmem>> -> memref<8x128xf32, #tpu.memory_space<vmem>>
    %dma_wait3A_142 = arith.constant 0 : i32
    %dma_wait3A_143 = arith.constant 0 : i32
    %dma_wait3A_144 = tpu.memref_slice %arg4[%dma_wait3A_136, %dma_wait3A_137, %dma_wait3A_138, %dma_wait3A_142, %dma_wait3A_143] : memref<50x8x128x8x128xf32, #tpu.memory_space<hbm>> -> memref<1x1x1x8x128xf32, #tpu.memory_space<hbm>>
    %dma_wait3A_145 = tpu.memref_squeeze %dma_wait3A_144 : memref<1x1x1x8x128xf32, #tpu.memory_space<hbm>> -> memref<8x128xf32, #tpu.memory_space<hbm>>
    %dma_wait3A_146 = arith.constant 0 : i32
    %dma_wait3A_147 = arith.constant 0 : i32
    %dma_wait3A_148 = tpu.memref_slice %arg4[%dma_wait3A_136, %dma_wait3A_137, %dma_wait3A_138, %dma_wait3A_146, %dma_wait3A_147] : memref<50x8x128x8x128xf32, #tpu.memory_space<hbm>> -> memref<1x1x1x8x128xf32, #tpu.memory_space<hbm>>
    %dma_wait3A_149 = tpu.memref_squeeze %dma_wait3A_148 : memref<1x1x1x8x128xf32, #tpu.memory_space<hbm>> -> memref<8x128xf32, #tpu.memory_space<hbm>>
    %dma_wait3A_150 = arith.constant 56 : i32
    %dma_wait3A_151 = arith.constant 0 : i32
    %dma_wait3A_152 = tpu.memref_slice %arg9[%dma_wait3A_150, %dma_wait3A_151] : memref<64x129xf32, #tpu.memory_space<vmem>> -> memref<8x128xf32, #tpu.memory_space<vmem>>
    tpu.wait_dma2 semaphore(%arg13 : memref<!tpu.dma_semaphore, #tpu.memory_space<semaphore_mem>>) src(%dma_wait3A_152 : memref<8x128xf32, #tpu.memory_space<vmem>>) dst(%dma_wait3A_149 : memref<8x128xf32, #tpu.memory_space<hbm>>)
    %dma_wait3A_153 = arith.constant 0 : i32
    %dma_wait3A_154 = arith.constant 0 : i32
    %dma_wait3A_155 = arith.constant 0 : i32
    %dma_wait3A_156 = arith.constant 0 : i32
    %dma_wait3A_157 = arith.constant 0 : i32
    %dma_wait3A_158 = tpu.memref_slice %arg10[%dma_wait3A_156, %dma_wait3A_157] : memref<64x129xf32, #tpu.memory_space<vmem>> -> memref<8x128xf32, #tpu.memory_space<vmem>>
    %dma_wait3A_159 = arith.constant 0 : i32
    %dma_wait3A_160 = arith.constant 0 : i32
    %dma_wait3A_161 = tpu.memref_slice %arg4[%dma_wait3A_153, %dma_wait3A_154, %dma_wait3A_155, %dma_wait3A_159, %dma_wait3A_160] : memref<50x8x128x8x128xf32, #tpu.memory_space<hbm>> -> memref<1x1x1x8x128xf32, #tpu.memory_space<hbm>>
    %dma_wait3A_162 = tpu.memref_squeeze %dma_wait3A_161 : memref<1x1x1x8x128xf32, #tpu.memory_space<hbm>> -> memref<8x128xf32, #tpu.memory_space<hbm>>
    %dma_wait3A_163 = arith.constant 0 : i32
    %dma_wait3A_164 = arith.constant 0 : i32
    %dma_wait3A_165 = tpu.memref_slice %arg4[%dma_wait3A_153, %dma_wait3A_154, %dma_wait3A_155, %dma_wait3A_163, %dma_wait3A_164] : memref<50x8x128x8x128xf32, #tpu.memory_space<hbm>> -> memref<1x1x1x8x128xf32, #tpu.memory_space<hbm>>
    %dma_wait3A_166 = tpu.memref_squeeze %dma_wait3A_165 : memref<1x1x1x8x128xf32, #tpu.memory_space<hbm>> -> memref<8x128xf32, #tpu.memory_space<hbm>>
    %dma_wait3A_167 = arith.constant 0 : i32
    %dma_wait3A_168 = arith.constant 0 : i32
    %dma_wait3A_169 = tpu.memref_slice %arg10[%dma_wait3A_167, %dma_wait3A_168] : memref<64x129xf32, #tpu.memory_space<vmem>> -> memref<8x128xf32, #tpu.memory_space<vmem>>
    tpu.wait_dma2 semaphore(%arg14 : memref<!tpu.dma_semaphore, #tpu.memory_space<semaphore_mem>>) src(%dma_wait3A_169 : memref<8x128xf32, #tpu.memory_space<vmem>>) dst(%dma_wait3A_166 : memref<8x128xf32, #tpu.memory_space<hbm>>)
    %dma_wait3A_170 = arith.constant 0 : i32
    %dma_wait3A_171 = arith.constant 1 : i32
    %dma_wait3A_172 = arith.constant 0 : i32
    %dma_wait3A_173 = arith.constant 8 : i32
    %dma_wait3A_174 = arith.constant 0 : i32
    %dma_wait3A_175 = tpu.memref_slice %arg10[%dma_wait3A_173, %dma_wait3A_174] : memref<64x129xf32, #tpu.memory_space<vmem>> -> memref<8x128xf32, #tpu.memory_space<vmem>>
    %dma_wait3A_176 = arith.constant 0 : i32
    %dma_wait3A_177 = arith.constant 0 : i32
    %dma_wait3A_178 = tpu.memref_slice %arg4[%dma_wait3A_170, %dma_wait3A_171, %dma_wait3A_172, %dma_wait3A_176, %dma_wait3A_177] : memref<50x8x128x8x128xf32, #tpu.memory_space<hbm>> -> memref<1x1x1x8x128xf32, #tpu.memory_space<hbm>>
    %dma_wait3A_179 = tpu.memref_squeeze %dma_wait3A_178 : memref<1x1x1x8x128xf32, #tpu.memory_space<hbm>> -> memref<8x128xf32, #tpu.memory_space<hbm>>
    %dma_wait3A_180 = arith.constant 0 : i32
    %dma_wait3A_181 = arith.constant 0 : i32
    %dma_wait3A_182 = tpu.memref_slice %arg4[%dma_wait3A_170, %dma_wait3A_171, %dma_wait3A_172, %dma_wait3A_180, %dma_wait3A_181] : memref<50x8x128x8x128xf32, #tpu.memory_space<hbm>> -> memref<1x1x1x8x128xf32, #tpu.memory_space<hbm>>
    %dma_wait3A_183 = tpu.memref_squeeze %dma_wait3A_182 : memref<1x1x1x8x128xf32, #tpu.memory_space<hbm>> -> memref<8x128xf32, #tpu.memory_space<hbm>>
    %dma_wait3A_184 = arith.constant 8 : i32
    %dma_wait3A_185 = arith.constant 0 : i32
    %dma_wait3A_186 = tpu.memref_slice %arg10[%dma_wait3A_184, %dma_wait3A_185] : memref<64x129xf32, #tpu.memory_space<vmem>> -> memref<8x128xf32, #tpu.memory_space<vmem>>
    tpu.wait_dma2 semaphore(%arg14 : memref<!tpu.dma_semaphore, #tpu.memory_space<semaphore_mem>>) src(%dma_wait3A_186 : memref<8x128xf32, #tpu.memory_space<vmem>>) dst(%dma_wait3A_183 : memref<8x128xf32, #tpu.memory_space<hbm>>)
    %dma_wait3A_187 = arith.constant 0 : i32
    %dma_wait3A_188 = arith.constant 2 : i32
    %dma_wait3A_189 = arith.constant 0 : i32
    %dma_wait3A_190 = arith.constant 16 : i32
    %dma_wait3A_191 = arith.constant 0 : i32
    %dma_wait3A_192 = tpu.memref_slice %arg10[%dma_wait3A_190, %dma_wait3A_191] : memref<64x129xf32, #tpu.memory_space<vmem>> -> memref<8x128xf32, #tpu.memory_space<vmem>>
    %dma_wait3A_193 = arith.constant 0 : i32
    %dma_wait3A_194 = arith.constant 0 : i32
    %dma_wait3A_195 = tpu.memref_slice %arg4[%dma_wait3A_187, %dma_wait3A_188, %dma_wait3A_189, %dma_wait3A_193, %dma_wait3A_194] : memref<50x8x128x8x128xf32, #tpu.memory_space<hbm>> -> memref<1x1x1x8x128xf32, #tpu.memory_space<hbm>>
    %dma_wait3A_196 = tpu.memref_squeeze %dma_wait3A_195 : memref<1x1x1x8x128xf32, #tpu.memory_space<hbm>> -> memref<8x128xf32, #tpu.memory_space<hbm>>
    %dma_wait3A_197 = arith.constant 0 : i32
    %dma_wait3A_198 = arith.constant 0 : i32
    %dma_wait3A_199 = tpu.memref_slice %arg4[%dma_wait3A_187, %dma_wait3A_188, %dma_wait3A_189, %dma_wait3A_197, %dma_wait3A_198] : memref<50x8x128x8x128xf32, #tpu.memory_space<hbm>> -> memref<1x1x1x8x128xf32, #tpu.memory_space<hbm>>
    %dma_wait3A_200 = tpu.memref_squeeze %dma_wait3A_199 : memref<1x1x1x8x128xf32, #tpu.memory_space<hbm>> -> memref<8x128xf32, #tpu.memory_space<hbm>>
    %dma_wait3A_201 = arith.constant 16 : i32
    %dma_wait3A_202 = arith.constant 0 : i32
    %dma_wait3A_203 = tpu.memref_slice %arg10[%dma_wait3A_201, %dma_wait3A_202] : memref<64x129xf32, #tpu.memory_space<vmem>> -> memref<8x128xf32, #tpu.memory_space<vmem>>
    tpu.wait_dma2 semaphore(%arg14 : memref<!tpu.dma_semaphore, #tpu.memory_space<semaphore_mem>>) src(%dma_wait3A_203 : memref<8x128xf32, #tpu.memory_space<vmem>>) dst(%dma_wait3A_200 : memref<8x128xf32, #tpu.memory_space<hbm>>)
    %dma_wait3A_204 = arith.constant 0 : i32
    %dma_wait3A_205 = arith.constant 3 : i32
    %dma_wait3A_206 = arith.constant 0 : i32
    %dma_wait3A_207 = arith.constant 24 : i32
    %dma_wait3A_208 = arith.constant 0 : i32
    %dma_wait3A_209 = tpu.memref_slice %arg10[%dma_wait3A_207, %dma_wait3A_208] : memref<64x129xf32, #tpu.memory_space<vmem>> -> memref<8x128xf32, #tpu.memory_space<vmem>>
    %dma_wait3A_210 = arith.constant 0 : i32
    %dma_wait3A_211 = arith.constant 0 : i32
    %dma_wait3A_212 = tpu.memref_slice %arg4[%dma_wait3A_204, %dma_wait3A_205, %dma_wait3A_206, %dma_wait3A_210, %dma_wait3A_211] : memref<50x8x128x8x128xf32, #tpu.memory_space<hbm>> -> memref<1x1x1x8x128xf32, #tpu.memory_space<hbm>>
    %dma_wait3A_213 = tpu.memref_squeeze %dma_wait3A_212 : memref<1x1x1x8x128xf32, #tpu.memory_space<hbm>> -> memref<8x128xf32, #tpu.memory_space<hbm>>
    %dma_wait3A_214 = arith.constant 0 : i32
    %dma_wait3A_215 = arith.constant 0 : i32
    %dma_wait3A_216 = tpu.memref_slice %arg4[%dma_wait3A_204, %dma_wait3A_205, %dma_wait3A_206, %dma_wait3A_214, %dma_wait3A_215] : memref<50x8x128x8x128xf32, #tpu.memory_space<hbm>> -> memref<1x1x1x8x128xf32, #tpu.memory_space<hbm>>
    %dma_wait3A_217 = tpu.memref_squeeze %dma_wait3A_216 : memref<1x1x1x8x128xf32, #tpu.memory_space<hbm>> -> memref<8x128xf32, #tpu.memory_space<hbm>>
    %dma_wait3A_218 = arith.constant 24 : i32
    %dma_wait3A_219 = arith.constant 0 : i32
    %dma_wait3A_220 = tpu.memref_slice %arg10[%dma_wait3A_218, %dma_wait3A_219] : memref<64x129xf32, #tpu.memory_space<vmem>> -> memref<8x128xf32, #tpu.memory_space<vmem>>
    tpu.wait_dma2 semaphore(%arg14 : memref<!tpu.dma_semaphore, #tpu.memory_space<semaphore_mem>>) src(%dma_wait3A_220 : memref<8x128xf32, #tpu.memory_space<vmem>>) dst(%dma_wait3A_217 : memref<8x128xf32, #tpu.memory_space<hbm>>)
    %dma_wait3A_221 = arith.constant 0 : i32
    %dma_wait3A_222 = arith.constant 4 : i32
    %dma_wait3A_223 = arith.constant 0 : i32
    %dma_wait3A_224 = arith.constant 32 : i32
    %dma_wait3A_225 = arith.constant 0 : i32
    %dma_wait3A_226 = tpu.memref_slice %arg10[%dma_wait3A_224, %dma_wait3A_225] : memref<64x129xf32, #tpu.memory_space<vmem>> -> memref<8x128xf32, #tpu.memory_space<vmem>>
    %dma_wait3A_227 = arith.constant 0 : i32
    %dma_wait3A_228 = arith.constant 0 : i32
    %dma_wait3A_229 = tpu.memref_slice %arg4[%dma_wait3A_221, %dma_wait3A_222, %dma_wait3A_223, %dma_wait3A_227, %dma_wait3A_228] : memref<50x8x128x8x128xf32, #tpu.memory_space<hbm>> -> memref<1x1x1x8x128xf32, #tpu.memory_space<hbm>>
    %dma_wait3A_230 = tpu.memref_squeeze %dma_wait3A_229 : memref<1x1x1x8x128xf32, #tpu.memory_space<hbm>> -> memref<8x128xf32, #tpu.memory_space<hbm>>
    %dma_wait3A_231 = arith.constant 0 : i32
    %dma_wait3A_232 = arith.constant 0 : i32
    %dma_wait3A_233 = tpu.memref_slice %arg4[%dma_wait3A_221, %dma_wait3A_222, %dma_wait3A_223, %dma_wait3A_231, %dma_wait3A_232] : memref<50x8x128x8x128xf32, #tpu.memory_space<hbm>> -> memref<1x1x1x8x128xf32, #tpu.memory_space<hbm>>
    %dma_wait3A_234 = tpu.memref_squeeze %dma_wait3A_233 : memref<1x1x1x8x128xf32, #tpu.memory_space<hbm>> -> memref<8x128xf32, #tpu.memory_space<hbm>>
    %dma_wait3A_235 = arith.constant 32 : i32
    %dma_wait3A_236 = arith.constant 0 : i32
    %dma_wait3A_237 = tpu.memref_slice %arg10[%dma_wait3A_235, %dma_wait3A_236] : memref<64x129xf32, #tpu.memory_space<vmem>> -> memref<8x128xf32, #tpu.memory_space<vmem>>
    tpu.wait_dma2 semaphore(%arg14 : memref<!tpu.dma_semaphore, #tpu.memory_space<semaphore_mem>>) src(%dma_wait3A_237 : memref<8x128xf32, #tpu.memory_space<vmem>>) dst(%dma_wait3A_234 : memref<8x128xf32, #tpu.memory_space<hbm>>)
    %dma_wait3A_238 = arith.constant 0 : i32
    %dma_wait3A_239 = arith.constant 5 : i32
    %dma_wait3A_240 = arith.constant 0 : i32
    %dma_wait3A_241 = arith.constant 40 : i32
    %dma_wait3A_242 = arith.constant 0 : i32
    %dma_wait3A_243 = tpu.memref_slice %arg10[%dma_wait3A_241, %dma_wait3A_242] : memref<64x129xf32, #tpu.memory_space<vmem>> -> memref<8x128xf32, #tpu.memory_space<vmem>>
    %dma_wait3A_244 = arith.constant 0 : i32
    %dma_wait3A_245 = arith.constant 0 : i32
    %dma_wait3A_246 = tpu.memref_slice %arg4[%dma_wait3A_238, %dma_wait3A_239, %dma_wait3A_240, %dma_wait3A_244, %dma_wait3A_245] : memref<50x8x128x8x128xf32, #tpu.memory_space<hbm>> -> memref<1x1x1x8x128xf32, #tpu.memory_space<hbm>>
    %dma_wait3A_247 = tpu.memref_squeeze %dma_wait3A_246 : memref<1x1x1x8x128xf32, #tpu.memory_space<hbm>> -> memref<8x128xf32, #tpu.memory_space<hbm>>
    %dma_wait3A_248 = arith.constant 0 : i32
    %dma_wait3A_249 = arith.constant 0 : i32
    %dma_wait3A_250 = tpu.memref_slice %arg4[%dma_wait3A_238, %dma_wait3A_239, %dma_wait3A_240, %dma_wait3A_248, %dma_wait3A_249] : memref<50x8x128x8x128xf32, #tpu.memory_space<hbm>> -> memref<1x1x1x8x128xf32, #tpu.memory_space<hbm>>
    %dma_wait3A_251 = tpu.memref_squeeze %dma_wait3A_250 : memref<1x1x1x8x128xf32, #tpu.memory_space<hbm>> -> memref<8x128xf32, #tpu.memory_space<hbm>>
    %dma_wait3A_252 = arith.constant 40 : i32
    %dma_wait3A_253 = arith.constant 0 : i32
    %dma_wait3A_254 = tpu.memref_slice %arg10[%dma_wait3A_252, %dma_wait3A_253] : memref<64x129xf32, #tpu.memory_space<vmem>> -> memref<8x128xf32, #tpu.memory_space<vmem>>
    tpu.wait_dma2 semaphore(%arg14 : memref<!tpu.dma_semaphore, #tpu.memory_space<semaphore_mem>>) src(%dma_wait3A_254 : memref<8x128xf32, #tpu.memory_space<vmem>>) dst(%dma_wait3A_251 : memref<8x128xf32, #tpu.memory_space<hbm>>)
    %dma_wait3A_255 = arith.constant 0 : i32
    %dma_wait3A_256 = arith.constant 6 : i32
    %dma_wait3A_257 = arith.constant 0 : i32
    %dma_wait3A_258 = arith.constant 48 : i32
    %dma_wait3A_259 = arith.constant 0 : i32
    %dma_wait3A_260 = tpu.memref_slice %arg10[%dma_wait3A_258, %dma_wait3A_259] : memref<64x129xf32, #tpu.memory_space<vmem>> -> memref<8x128xf32, #tpu.memory_space<vmem>>
    %dma_wait3A_261 = arith.constant 0 : i32
    %dma_wait3A_262 = arith.constant 0 : i32
    %dma_wait3A_263 = tpu.memref_slice %arg4[%dma_wait3A_255, %dma_wait3A_256, %dma_wait3A_257, %dma_wait3A_261, %dma_wait3A_262] : memref<50x8x128x8x128xf32, #tpu.memory_space<hbm>> -> memref<1x1x1x8x128xf32, #tpu.memory_space<hbm>>
    %dma_wait3A_264 = tpu.memref_squeeze %dma_wait3A_263 : memref<1x1x1x8x128xf32, #tpu.memory_space<hbm>> -> memref<8x128xf32, #tpu.memory_space<hbm>>
    %dma_wait3A_265 = arith.constant 0 : i32
    %dma_wait3A_266 = arith.constant 0 : i32
    %dma_wait3A_267 = tpu.memref_slice %arg4[%dma_wait3A_255, %dma_wait3A_256, %dma_wait3A_257, %dma_wait3A_265, %dma_wait3A_266] : memref<50x8x128x8x128xf32, #tpu.memory_space<hbm>> -> memref<1x1x1x8x128xf32, #tpu.memory_space<hbm>>
    %dma_wait3A_268 = tpu.memref_squeeze %dma_wait3A_267 : memref<1x1x1x8x128xf32, #tpu.memory_space<hbm>> -> memref<8x128xf32, #tpu.memory_space<hbm>>
    %dma_wait3A_269 = arith.constant 48 : i32
    %dma_wait3A_270 = arith.constant 0 : i32
    %dma_wait3A_271 = tpu.memref_slice %arg10[%dma_wait3A_269, %dma_wait3A_270] : memref<64x129xf32, #tpu.memory_space<vmem>> -> memref<8x128xf32, #tpu.memory_space<vmem>>
    tpu.wait_dma2 semaphore(%arg14 : memref<!tpu.dma_semaphore, #tpu.memory_space<semaphore_mem>>) src(%dma_wait3A_271 : memref<8x128xf32, #tpu.memory_space<vmem>>) dst(%dma_wait3A_268 : memref<8x128xf32, #tpu.memory_space<hbm>>)
    %dma_wait3A_272 = arith.constant 0 : i32
    %dma_wait3A_273 = arith.constant 7 : i32
    %dma_wait3A_274 = arith.constant 0 : i32
    %dma_wait3A_275 = arith.constant 56 : i32
    %dma_wait3A_276 = arith.constant 0 : i32
    %dma_wait3A_277 = tpu.memref_slice %arg10[%dma_wait3A_275, %dma_wait3A_276] : memref<64x129xf32, #tpu.memory_space<vmem>> -> memref<8x128xf32, #tpu.memory_space<vmem>>
    %dma_wait3A_278 = arith.constant 0 : i32
    %dma_wait3A_279 = arith.constant 0 : i32
    %dma_wait3A_280 = tpu.memref_slice %arg4[%dma_wait3A_272, %dma_wait3A_273, %dma_wait3A_274, %dma_wait3A_278, %dma_wait3A_279] : memref<50x8x128x8x128xf32, #tpu.memory_space<hbm>> -> memref<1x1x1x8x128xf32, #tpu.memory_space<hbm>>
    %dma_wait3A_281 = tpu.memref_squeeze %dma_wait3A_280 : memref<1x1x1x8x128xf32, #tpu.memory_space<hbm>> -> memref<8x128xf32, #tpu.memory_space<hbm>>
    %dma_wait3A_282 = arith.constant 0 : i32
    %dma_wait3A_283 = arith.constant 0 : i32
    %dma_wait3A_284 = tpu.memref_slice %arg4[%dma_wait3A_272, %dma_wait3A_273, %dma_wait3A_274, %dma_wait3A_282, %dma_wait3A_283] : memref<50x8x128x8x128xf32, #tpu.memory_space<hbm>> -> memref<1x1x1x8x128xf32, #tpu.memory_space<hbm>>
    %dma_wait3A_285 = tpu.memref_squeeze %dma_wait3A_284 : memref<1x1x1x8x128xf32, #tpu.memory_space<hbm>> -> memref<8x128xf32, #tpu.memory_space<hbm>>
    %dma_wait3A_286 = arith.constant 56 : i32
    %dma_wait3A_287 = arith.constant 0 : i32
    %dma_wait3A_288 = tpu.memref_slice %arg10[%dma_wait3A_286, %dma_wait3A_287] : memref<64x129xf32, #tpu.memory_space<vmem>> -> memref<8x128xf32, #tpu.memory_space<vmem>>
    tpu.wait_dma2 semaphore(%arg14 : memref<!tpu.dma_semaphore, #tpu.memory_space<semaphore_mem>>) src(%dma_wait3A_288 : memref<8x128xf32, #tpu.memory_space<vmem>>) dst(%dma_wait3A_285 : memref<8x128xf32, #tpu.memory_space<hbm>>)
    return
  }
}

</mosaic_0001>

<sc_bundles>
// kernel: kernel.3.cloned.1.call-start
scs
__scs_entry_jumppad:
0x0: {  	(pc) =	sbr.rel $0x88, $3  }
0x1: {  	(tag) =	ssettag $0x0;
	lr =	simm.s32 $0x1  }
0x2: {  	[smem:$0x3F9F] =	sst lr;
	_ =	strace $0xD0000000  }
0x3: {  	_ = 	snop  }
0x4: {  	_ = 	snop  }
0x5: {  	_ = 	snop  }
0x6: {  	_ = 	snop  }
0x7: {  	_ = 	snop  }
__scs_overlays_trampoline_lowered:
0x8: {  	[smem:$0x3FAE] =	sst s0  }
0x9: {  	[smem:$0x3FAF] =	sst s1  }
0xa: {  	[smem:$0x3FB0] =	sst s2  }
0xb: {  	[smem:$0x3FB1] =	sst s3  }
0xc: {  	[smem:$0x3FB2] =	sst s4  }
0xd: {  	[smem:$0x3FB3] =	sst s5  }
0xe: {  	[smem:$0x3FB4] =	sst s6  }
0xf: {  	[smem:$0x3FB5] =	sst s7  }
0x10: {  	[smem:$0x3FB6] =	sst s8  }
0x11: {  	[smem:$0x3FB7] =	sst s9;
	s0 =	simm.s32 @!p0 $0x0  }
0x12: {  	s1 =	sld [smem:$0x3F9D];
	s0 =	simm.s32 @p0 $0x1  }
0x13: {  	[smem:$0x3FB8] =	sst s0;
	s0 =	simm.s32 @!p1 $0x0  }
0x14: {  	s2 =	sld [smem:$0x3F9C];
	s0 =	simm.s32 @p1 $0x1  }
0x15: {  	[smem:$0x3FB9] =	sst s0;
	s0 =	simm.s32 @!p2 $0x0  }
0x16: {  	s3 =	sld [smem:$0x3FDB];
	s0 =	simm.s32 @p2 $0x1  }
0x17: {  	s4 =	simm.s32 $0x1BF5;
	[smem:$0x3FBB] =	sst s0  }
0x18: {  	s0 =	sld [smem:$0x3F9E];
	_ =	swait.ge [sflag:s4], $0x0  }
0x19: {  	s7 =	sld [smem:$0x3F9F]  }
0x1a: {  	s8 =	sadd.s32 $0xFFFFE003, lr  }
0x1b: {  	s9 =	sadd.s32 $0xFFFFFEF7, lr;
	s5 =	simm.s32 $0xFFFFFFFF;
	p2 =	slt.u32 s8, $0xFFFFF086  }
0x1c: {  	p1 =	slt.u32 s9, $0xF7A;
	s5 =	simm.s32 @!p2 $0x0  }
0x1d: {  	s5 =	simm.s32 @p1 $0x1;
	p0 =	seq.s32 s7, s2  }
0x1e: {  	s7 =	smul.u32 @!p0 $0xF7A, s2;
	p2 =	seq.s32 @!p0 s5, $0x0  }
0x1f: {  	s9 =	smul.u32 $0xF7A, s1;
	s8 =	simm.s32 @!p0 $0x1BF5;
	p2 =	por !p2, p0  }
0x20: {  	[sflag:s8] =	ssyncset.s32 @!p0 $0xFFFFF086;
	s6 =	sadd.s32 @!p0 s3, s7;
	s7 =	simm.s32 @!p0 $0x108  }
0x21: {  	s3 =	sadd.s32 s3, s9;
	s6 =	sadd.s32 @!p0 $0x88, s6;
	s7 =	simm.s32 @p2 $0x1082  }
0x22: {  	[simem:s7], [sflag:s8] =	dma.local @!p0 [hbm:s6], $0xF7A  }
0x23: {  	s9 =	sor.u32 $0xD0000000, s2;
	s6 =	simm.s32 $0x108;
	_ =	swait.ge @!p0 [sflag:s8], $0x0  }
0x24: {  	s3 =	sadd.s32 $0x88, s3;
	s6 =	simm.s32 @!p1 $0x1082;
	[sflag:s4] =	ssyncset.s32 $0xFFFFF086  }
0x25: {  	[simem:s6], [sflag:s4] =	dma.local [hbm:s3], $0xF7A  }
0x26: {  	[smem:$0x3F9F] =	sst s1;
	(tag) =	ssettag s2;
	_ =	strace s9  }
0x27: {  	s1 =	sld [smem:$0x3FAF]  }
0x28: {  	s2 =	sld [smem:$0x3FB0]  }
0x29: {  	s4 =	sld [smem:$0x3FB2]  }
0x2a: {  	p0 =	seq.s32 s5, $0x0;
	s5 =	sld [smem:$0x3FB3]  }
0x2b: {  	s6 =	sld [smem:$0x3FB4]  }
0x2c: {  	s7 =	sld [smem:$0x3FB5]  }
0x2d: {  	s3 =	simm.s32 $0x108;
	s8 =	sld [smem:$0x3FB6]  }
0x2e: {  	s3 =	simm.s32 @!p0 $0x1082;
	s9 =	sld [smem:$0x3FB7]  }
0x2f: {  	lr =	sadd.s32 s0, s3;
	s0 =	sld [smem:$0x3FAE]  }
0x30: {  	s3 =	sld [smem:$0x3FB1]  }
0x31: {  	[smem:$0x3FBA] =	sst s10  }
0x32: {  	s10 =	sld [smem:$0x3FB8];
	_ =	sdelay $0x3  }
0x33: {  	p0 =	seq.s32 s10, $0x1;
	s10 =	sld [smem:$0x3FBA];
	_ =	sdelay $0x3  }
0x34: {  	[smem:$0x3FBA] =	sst s10  }
0x35: {  	s10 =	sld [smem:$0x3FB9];
	_ =	sdelay $0x3  }
0x36: {  	p1 =	seq.s32 s10, $0x1;
	s10 =	sld [smem:$0x3FBA];
	_ =	sdelay $0x3  }
0x37: {  	[smem:$0x3FBA] =	sst s10  }
0x38: {  	s10 =	sld [smem:$0x3FBB]  }
0x39: {  	_ = 	snop;
	(pc) =	sbr.ind lr, $3  }
0x3a: {  	_ = 	snop  }
0x3b: {  	_ = 	snop  }
0x3c: {  	p2 =	seq.s32 s10, $0x1;
	s10 =	sld [smem:$0x3FBA]  }
0x3d: {  	_ =	shalt  }
0x3e: {  	_ =	shalt  }
0x3f: {  	_ =	shalt  }
0x40: {  	_ =	shalt  }
0x41: {  	_ =	shalt  }
0x42: {  	_ =	shalt  }
0x43: {  	_ =	shalt  }
0x44: {  	_ =	shalt  }
0x45: {  	_ =	shalt  }
0x46: {  	_ =	shalt  }
0x47: {  	_ =	shalt  }
0x48: {  	_ =	shalt  }
0x49: {  	_ =	shalt  }
0x4a: {  	_ =	shalt  }
0x4b: {  	_ =	shalt  }
0x4c: {  	_ =	shalt  }
0x4d: {  	_ =	shalt  }
0x4e: {  	_ =	shalt  }
0x4f: {  	_ =	shalt  }
0x50: {  	_ =	shalt  }
0x51: {  	_ =	shalt  }
0x52: {  	_ =	shalt  }
0x53: {  	_ =	shalt  }
0x54: {  	_ =	shalt  }
0x55: {  	_ =	shalt  }
0x56: {  	_ =	shalt  }
0x57: {  	_ =	shalt  }
0x58: {  	_ =	shalt  }
0x59: {  	_ =	shalt  }
0x5a: {  	_ =	shalt  }
0x5b: {  	_ =	shalt  }
0x5c: {  	_ =	shalt  }
0x5d: {  	_ =	shalt  }
0x5e: {  	_ =	shalt  }
0x5f: {  	_ =	shalt  }
0x60: {  	_ =	shalt  }
0x61: {  	_ =	shalt  }
0x62: {  	_ =	shalt  }
0x63: {  	_ =	shalt  }
0x64: {  	_ =	shalt  }
0x65: {  	_ =	shalt  }
0x66: {  	_ =	shalt  }
0x67: {  	_ =	shalt  }
0x68: {  	_ =	shalt  }
0x69: {  	_ =	shalt  }
0x6a: {  	_ =	shalt  }
0x6b: {  	_ =	shalt  }
0x6c: {  	_ =	shalt  }
0x6d: {  	_ =	shalt  }
0x6e: {  	_ =	shalt  }
0x6f: {  	_ =	shalt  }
0x70: {  	_ =	shalt  }
0x71: {  	_ =	shalt  }
0x72: {  	_ =	shalt  }
0x73: {  	_ =	shalt  }
0x74: {  	_ =	shalt  }
0x75: {  	_ =	shalt  }
0x76: {  	_ =	shalt  }
0x77: {  	_ =	shalt  }
0x78: {  	_ =	shalt  }
0x79: {  	_ =	shalt  }
0x7a: {  	_ =	shalt  }
0x7b: {  	_ =	shalt  }
0x7c: {  	_ =	shalt  }
0x7d: {  	_ =	shalt  }
0x7e: {  	_ =	shalt  }
0x7f: {  	_ =	shalt  }
0x80: {  	_ =	shalt  }
0x81: {  	_ =	shalt  }
0x82: {  	_ =	shalt  }
0x83: {  	_ =	shalt  }
0x84: {  	_ =	shalt  }
0x85: {  	_ =	shalt  }
0x86: {  	_ =	shalt  }
0x87: {  	_ =	shalt  }
.Lfunc_end0:
.L_simem_size_0:
called_computation.1_lowered:
.L_overlay_start_0:
0x88: {  	s2 =	sld [smem:$0x3FD9]  }
0x89: {  	s3 =	sld [smem:$0x3FFE];
	_ =	sdelay $0x1  }
0x8a: {  	s1 =	srdreg.scid  }
0x8b: {  	s0 =	sand.u32 $0x1, s1  }
0x8c: {  	s17 =	sshll.u32 s0, $0xA;
	s2 =	sadd.s32 s3, s2  }
0x8d: {  	s2 =	sadd.s32 s2, s17  }
0x8e: {  	[smem:$0x3FC6] =	sst s2  }
0x8f: {  	_ = 	snop  }
0x90: {  	s2 =	sld [smem:$0x3FD0];
	(tm) =	ssettm $0x1  }
0x91: {  	s18 =	sld [smem:$0x3FFB];
	_ =	sdelay $0x3  }
0x92: {  	_ =	strace s18  }
0x93: {  	s3 =	sld [smem:$0x3FFC];
	_ =	sdelay $0x3  }
0x94: {  	_ =	strace s3  }
0x95: {  	s3 =	sld [smem:$0x3FFD];
	_ =	sdelay $0x3  }
0x96: {  	_ =	strace s3  }
0x97: {  	_ =	strace $0x8FFFFFFF  }
0x98: {  	s19 =	sld [smem:$0x3FDB];
	_ =	sdelay $0x1  }
0x99: {  	s4 =	simm.s32 $_scs_section_size  }
0x9a: {  	s5 =	simm.s32 $_size__tile_overlayer_lowered;
	s6 =	simm.s32 $_tile_overlayer_lowered  }
0x9b: {  	s22 =	simm.s32 $0x1BFF;
	s21 =	sshll.u32 s6, $0x1;
	s3 =	sadd.s32 s4, s19  }
0x9c: {  	s7 =	simm.s32 $0x0;
	s20 =	sshll.u32 s5, $0x1;
	s5 =	sadd.s32 s21, s3  }
0x9d: {  	[timem:s7], [sflag:s22] =	dma.local [hbm:s5], s20  }
0x9e: {  	_ =	swait.ge [sflag:s22], s20  }
0x9f: {  	s4 =	ssub.s32 $0x0, s20;
	[sflag:s22] =	ssyncset.done $0x0  }
0xa0: {  	[sflag:s22] =	ssyncadd.s32 s4;
	_ =	sdelay $0x1  }
0xa1: {  	s23 =	simm.s32 $0x1B8B  }
0xa2: {  	_ =	swait.ge [sflag:s23], $0x1  }
0xa3: {  	[sflag:s23] =	ssyncset.done $0x0  }
0xa4: {  	s25 =	simm.s32 $0x1B8E;
	s24 =	sld [smem:$0x3FFE];
	[sflag:s23] =	ssyncadd.s32 $0xFFFFFFFF  }
0xa5: {  	s26 =	simm.s32 $execute0_lowered;
	[smem:$0x3FD2] =	sst s25  }
0xa6: {  	s5 =	sshll.u32 s26, $0x1;
	_ =	strace $0x80000049;
	[dreg:$0x1] =	wrdreg $0xFFFFFFFF  }
0xa7: {  	s28 =	simm.s32 $_size_execute0_lowered;
	s3 =	sadd.s32 s3, s5;
	[dreg:$0x0] =	wrdreg $0x0  }
0xa8: {  	s5 =	sshll.u32 s28, $0x1;
	[dreg:$0x2] =	wrdreg s3  }
0xa9: {  	[dreg:$0x3] =	wrdreg s5  }
0xaa: {  	[dreg:$0x4] =	wrdreg $0xC0  }
0xab: {  	_ =	task [dreg:s7], $0x5FFFF  }
0xac: {  	[dreg:$0x1] =	wrdreg $0xFFFFFFFF  }
0xad: {  	[dreg:$0x0] =	wrdreg $0x60  }
0xae: {  	[dreg:$0x2] =	wrdreg s24  }
0xaf: {  	[dreg:$0x3] =	wrdreg s2  }
0xb0: {  	[dreg:$0x4] =	wrdreg $0x9  }
0xb1: {  	_ =	task.clear_ibuf [dreg:s7], $0x5FFFF;
	_ =	strace $0x90000049  }
0xb2: {  	s29 =	simm.s32 $0x9;
	_ =	strace $0x8000004B  }
0xb3: {  	_ =	swait.ge [sflag:s29], $0x1  }
0xb4: {  	[sflag:s29] =	ssyncadd.s32 $0xFFFFFFFF  }
0xb5: {  	_ =	strace $0x9000004B  }
0xb6: {  	_ =	sfence  }
0xb7: {  	s30 =	sld [smem:$0x0];
	_ =	sdelay $0x2  }
0xb8: {  	s31 =	sshll.u32 s1, $0xD;
	s1 =	sshrl.u32 s1, $0x2  }
0xb9: {  	s3 =	sand.u32 $0x4000, s31;
	s1 =	sadd.s32 s1, s30  }
0xba: {  	s0 =	sor.u32 s3, s0;
	s1 =	sshll.u32 s1, $0x11  }
0xbb: {  	s0 =	sor.u32 s1, s0  }
0xbc: {  	s0 =	sadd.s32 $0x8F2B, s0  }
0xbd: {  	[sflag:s0] =	ssyncadd.remote.s32 $0x1  }
0xbe: {  	_ =	sfence.sel $0xFFFF  }
0xbf: {  	[dreg:$0x0] =	wrdreg $0xFFFFFFFF;
	(pc) =	sbr.abs _section_cstart, $3  }
0xc0: {  	[dreg:$0x1] =	wrdreg $0xFFFFFFFF  }
0xc1: {  	_ =	task.clear_ibuf [dreg:s7], $0x2FFFF;
	_ =	strace $0x9FFFFFFF  }
0xc2: {  	(tm) =	ssettm $0x7FFFFFFF  }
0xc3: {  	_ =	shalt  }
tec
execute0_lowered:
.L_overlay_start_1:
0x0: {  	(tag) =	ssettag $0x1  }
0x1: {  	s0 =	rddreg [dreg:$0x0];
	v1 =	vlaneseq.u32  }
0x2: {  	s1 =	rddreg [dreg:$0x1];
	s2 =	simm.s32 $0x0;
	s3 =	srdreg.scid;
	v0 =	vmul.u32 $0x88, v1  }
0x3: {  	s6 =	stileid.u32;
	s13 =	simm.s32 $0x1;
	s14 =	simm.s32 $0x7200;
	v2 =	vimm.s32 $0x0;
	vm0 =	vcmask $0x300  }
0x4: {  	s29 =	simm.s32 $0x2;
	s30 =	simm.s32 $0x9400;
	s9 =	simm.s32 $0xAE90;
	v1 =	vmul.u32 $0x32, v1;
	v2 =	vsel vm0, $0x3, v2;
	v3 =	vadd.s32 $0x880, v0  }
0x5: {  	s7 =	simm.s32 $0xAFA0;
	s10 =	simm.s32 $0xB028;
	s11 =	simm.s32 $0xB0B0;
	v4 =	vadd.s32 $0x1100, v0;
	v5 =	vadd.s32 $0x1980, v0;
	v6 =	vor.u32 $0x1, v0  }
0x6: {  	s8 =	simm.s32 $0xB248;
	s12 =	simm.s32 $0xB2D0;
	s15 =	simm.s32 $0xB358;
	v7 =	vadd.s32 $0x881, v0;
	v8 =	vadd.s32 $0x1101, v0;
	v9 =	vadd.s32 $0x1981, v0  }
0x7: {  	s16 =	simm.s32 $0xB3E0;
	s17 =	simm.s32 $0xB468;
	s18 =	simm.s32 $0xB4F0;
	v10 =	vor.u32 $0x2, v0;
	v11 =	vadd.s32 $0x882, v0;
	v12 =	vadd.s32 $0x1102, v0  }
0x8: {  	s19 =	simm.s32 $0xB578;
	s22 =	simm.s32 $0x0;
	[smem:$0x7FF] =	sst s2;
	v13 =	vadd.s32 $0x1982, v0;
	v14 =	vor.u32 $0x3, v0;
	v15 =	vadd.s32 $0x883, v0  }
0x9: {  	s3 =	sand.u32 $0x1, s3;
	s5 =	sadd.s32 $0xF42E00, s0;
	s6 =	sshll.u32 s6, $0x3;
	v16 =	vadd.s32 $0x1103, v0;
	v17 =	vadd.s32 $0x1983, v0;
	v18 =	vor.u32 $0x4, v0  }
0xa: {  	_ =	strace $0x8000004A;
	s4 =	ssub.s32 $0x2, s3;
	[dreg:$0x3] =	wrdreg s5;
	v19 =	vadd.s32 $0x884, v0;
	v20 =	vadd.s32 $0x1104, v0;
	v21 =	vadd.s32 $0x1984, v0  }
0xb: {  	s3 =	sshll.u32 s3, $0x2;
	s5 =	sadd.s32 $0xF5BE00, s0;
	s26 =	sshrl.u32 s4, $0x1;
	v22 =	vor.u32 $0x5, v0;
	v23 =	vadd.s32 $0x885, v0;
	v24 =	vadd.s32 $0x1105, v0  }
0xc: {  	s0 =	simm.s32 $0xAE08;
	s28 =	sor.u32 s3, s6;
	v25 =	vadd.s32 $0x1985, v0;
	v26 =	vor.u32 $0x6, v0;
	v27 =	vadd.s32 $0x886, v0;
	s4 =	ssub.s32 s4, s26  }
0xd: {  	s3 =	simm.s32 $0xAF18;
	v28 =	vadd.s32 $0x1106, v0;
	v29 =	vadd.s32 $0x1986, v0;
	v30 =	vor.u32 $0x7, v0;
	[dreg:$0x4] =	wrdreg s28;
	s31 =	smax.u32 s4, $0x1  }
0xe: {  	s6 =	simm.s32 $0xB1C0;
	v31 =	vadd.s32 $0x887, v0;
	v32 =	vadd.s32 $0x1107, v0;
	v33 =	vadd.s32 $0x1987, v0;
	s4 =	simm.s32 $0xB138;
	[dreg:$0x5] =	wrdreg s31  }
.LBB2_1:
0xf: {  	[dreg:$0x6] =	wrdreg s22;
	s31 =	simm.s32 $0x0  }
.LBB2_2:
0x10: {  	s20 =	rddreg [dreg:$0x4]  }
0x11: {  	s21 =	sadd.s32 s20, s31  }
0x12: {  	s22 =	rddreg [dreg:$0x3];
	s20 =	smul.u32 $0x320, s21  }
0x13: {  	s26 =	simm.s32 $0x0;
	s28 =	simm.s32 $0x4;
	s23 =	simm.s32 $0x1  }
0x14: {  	s24 =	simm.s32 $0x5;
	v34 =	vadd.s32 s28, v1;
	v35 =	vadd.s32 s23, v1;
	s23 =	simm.s32 $0x2;
	s20 =	sadd.s32 s22, s20  }
0x15: {  	[tilespmem:s26], [sflag:$0x5] =	stream.linear.gather [hbm4b:s20+s26], $0x1900, $0x38;
	[tilespmem:$0xB600] =	vst v63  }
0x16: {  	s25 =	simm.s32 $0x3;
	v36 =	vadd.s32 s23, v1;
	_ =	swait.ge [sflag:s24], $0x1900  }
0x17: {  	v37 =	vadd.s32 s25, v1;
	[sflag:s24] =	ssyncset.done $0x0  }
0x18: {  	v38 =	vadd.s32 s26, v1;
	[sflag:s24] =	ssyncadd.s32 $0xFFFFE700  }
0x19: {  	v34 =	vld.idx.msk [tilespmem:v34+s2+$0x0], $0xffff  }
0x1a: {  	s26 =	simm.s32 $0x324;
	v35 =	vld.idx.msk [tilespmem:v35+s2+$0x0], $0xffff  }
0x1b: {  	s28 =	simm.s32 $0x321;
	v39 =	vadd.s32 s26, v1;
	v36 =	vld.idx.msk [tilespmem:v36+s2+$0x0], $0xffff  }
0x1c: {  	v40 =	vadd.s32 s28, v1;
	s22 =	simm.s32 $0x322;
	v37 =	vld.idx.msk [tilespmem:v37+s2+$0x0], $0xffff  }
0x1d: {  	s23 =	simm.s32 $0x323;
	v41 =	vadd.s32 s22, v1;
	v38 =	vld.idx.msk [tilespmem:v38+s2+$0x0], $0xffff  }
0x1e: {  	s25 =	simm.s32 $0x320;
	v42 =	vadd.s32 s23, v1;
	s24 =	simm.s32 $0x1A40;
	v34 =	vshll.u32 v34, $0x1  }
0x1f: {  	v47 =	vadd.s32 s25, v1;
	v35 =	vshll.u32 v35, $0x1;
	[tilespmem:s24+$0xC0] =	vst v34  }
0x20: {  	v48 =	vshll.u32 v36, $0x1;
	[tilespmem:s24+$0xFFFFFF40] =	vst v35;
	v39 =	vld.idx.msk [tilespmem:v39+s2+$0x0], $0xffff  }
0x21: {  	s26 =	simm.s32 $0x644;
	v50 =	vshll.u32 v37, $0x1;
	[tilespmem:s24+$0xFFFFFFC0] =	vst v48;
	v49 =	vld.idx.msk [tilespmem:v40+s2+$0x0], $0xffff  }
0x22: {  	s28 =	simm.s32 $0x641;
	v53 =	vadd.s32 s26, v1;
	v51 =	vshll.u32 v38, $0x1;
	[tilespmem:s24+$0x40] =	vst v50;
	v52 =	vld.idx.msk [tilespmem:v41+s2+$0x0], $0xffff  }
0x23: {  	v55 =	vadd.s32 s28, v1;
	s22 =	simm.s32 $0x642;
	[tilespmem:s24+$0xFFFFFEC0] =	vst v51;
	v54 =	vld.idx.msk [tilespmem:v42+s2+$0x0], $0xffff  }
0x24: {  	s23 =	simm.s32 $0x643;
	v56 =	vadd.s32 s22, v1;
	v34 =	vld.idx.msk [tilespmem:v47+s2+$0x0], $0xffff  }
0x25: {  	s25 =	simm.s32 $0x640;
	v57 =	vadd.s32 s23, v1;
	v39 =	vshll.u32 v39, $0x1  }
0x26: {  	v58 =	vadd.s32 s25, v1;
	v36 =	vshll.u32 v49, $0x1;
	[tilespmem:s24+$0xD0] =	vst v39  }
0x27: {  	v59 =	vshll.u32 v52, $0x1;
	[tilespmem:s24+$0xFFFFFF50] =	vst v36;
	v35 =	vld.idx.msk [tilespmem:v53+s2+$0x0], $0xffff  }
0x28: {  	s26 =	simm.s32 $0x964;
	v61 =	vshll.u32 v54, $0x1;
	[tilespmem:s24+$0xFFFFFFD0] =	vst v59;
	v40 =	vld.idx.msk [tilespmem:v55+s2+$0x0], $0xffff  }
0x29: {  	s28 =	simm.s32 $0x961;
	v63 =	vadd.s32 s26, v1;
	v34 =	vshll.u32 v34, $0x1;
	[tilespmem:s24+$0x50] =	vst v61;
	v62 =	vld.idx.msk [tilespmem:v56+s2+$0x0], $0xffff  }
0x2a: {  	s23 =	simm.s32 $0x962;
	v49 =	vadd.s32 s28, v1;
	[tilespmem:s24+$0xFFFFFED0] =	vst v34;
	v48 =	vld.idx.msk [tilespmem:v57+s2+$0x0], $0xffff  }
0x2b: {  	s25 =	simm.s32 $0x963;
	v50 =	vadd.s32 s23, v1;
	v39 =	vld.idx.msk [tilespmem:v58+s2+$0x0], $0xffff  }
0x2c: {  	v43 =	vadd.s32 s25, v1;
	s26 =	simm.s32 $0x960;
	v35 =	vshll.u32 v35, $0x1  }
0x2d: {  	s20 =	simm.s32 $0x5;
	v51 =	vadd.s32 s26, v1;
	v40 =	vshll.u32 v40, $0x1;
	[tilespmem:s24+$0xE0] =	vst v35  }
0x2e: {  	s25 =	simm.s32 $0x7;
	v60 =	vadd.s32 s20, v1;
	s28 =	simm.s32 $0x6;
	v37 =	vshll.u32 v62, $0x1;
	[tilespmem:s24+$0xFFFFFF60] =	vst v40;
	v36 =	vld.idx.msk [tilespmem:v63+s2+$0x0], $0xffff  }
0x2f: {  	v52 =	vadd.s32 s25, v1;
	s25 =	simm.s32 $0xC82;
	v44 =	vadd.s32 s28, v1;
	v34 =	vshll.u32 v48, $0x1;
	[tilespmem:s24+$0xFFFFFFE0] =	vst v37;
	v41 =	vld.idx.msk [tilespmem:v49+s2+$0x0], $0xffff  }
0x30: {  	v58 =	vadd.s32 s25, v1;
	s25 =	simm.s32 $0x9;
	v53 =	vshll.u32 v39, $0x1;
	[tilespmem:s24+$0x60] =	vst v34;
	v54 =	vld.idx.msk [tilespmem:v50+s2+$0x0], $0xffff  }
0x31: {  	s26 =	simm.s32 $0xC84;
	v62 =	vadd.s32 s25, v1;
	[tilespmem:s24+$0xFFFFFEE0] =	vst v53;
	v56 =	vld.idx.msk [tilespmem:v43+s2+$0x0], $0xffff  }
0x32: {  	s28 =	simm.s32 $0xC81;
	v55 =	vadd.s32 s26, v1;
	v35 =	vld.idx.msk [tilespmem:v51+s2+$0x0], $0xffff  }
0x33: {  	v38 =	vld.idx.msk [tilespmem:v60+s2+$0x0], $0xffff;
	v57 =	vadd.s32 s28, v1;
	s28 =	simm.s32 $0xC80  }
0x34: {  	s26 =	simm.s32 $0xC83;
	v46 =	vadd.s32 s28, v1;
	v44 =	vld.idx.msk [tilespmem:v44+s2+$0x0], $0xffff;
	v36 =	vshll.u32 v36, $0x1  }
0x35: {  	s23 =	simm.s32 $0x8;
	v45 =	vadd.s32 s26, v1;
	v40 =	vld.idx.msk [tilespmem:v52+s2+$0x0], $0xffff;
	v41 =	vshll.u32 v41, $0x1;
	[tilespmem:s24+$0xF0] =	vst v36  }
0x36: {  	v60 =	vadd.s32 s23, v1;
	s25 =	simm.s32 $0xFA2;
	v37 =	vld.idx.msk [tilespmem:v62+s2+$0x0], $0xffff;
	v59 =	vshll.u32 v54, $0x1;
	[tilespmem:s24+$0xFFFFFF70] =	vst v41  }
0x37: {  	v61 =	vshll.u32 v56, $0x1;
	v35 =	vshll.u32 v35, $0x1;
	v56 =	vadd.s32 s25, v1;
	s25 =	simm.s32 $0xB;
	[tilespmem:s24+$0xFFFFFFF0] =	vst v59;
	v34 =	vld.idx.msk [tilespmem:v55+s2+$0x0], $0xffff  }
0x38: {  	[tilespmem:s24+$0xFFFFFEF0] =	vst v35;
	v59 =	vadd.s32 s25, v1;
	s25 =	simm.s32 $0x326;
	v41 =	vld.idx.msk [tilespmem:v57+s2+$0x0], $0xffff  }
0x39: {  	s22 =	simm.s32 $0xA;
	s26 =	simm.s32 $0xFA4;
	[tilespmem:s24+$0x70] =	vst v61;
	v55 =	vld.idx.msk [tilespmem:v46+s2+$0x0], $0xffff;
	v49 =	vadd.s32 s25, v1  }
0x3a: {  	v52 =	vadd.s32 s26, v1;
	s26 =	simm.s32 $0xFA3;
	v53 =	vld.idx.msk [tilespmem:v45+s2+$0x0], $0xffff;
	v57 =	vadd.s32 s22, v1  }
0x3b: {  	v47 =	vadd.s32 s26, v1;
	s26 =	simm.s32 $0x329  }
0x3c: {  	s23 =	simm.s32 $0x1CC0;
	v39 =	vld.idx.msk [tilespmem:v60+s2+$0x0], $0xffff;
	v60 =	vadd.s32 s26, v1;
	v44 =	vshll.u32 v44, $0x1  }
0x3d: {  	s28 =	simm.s32 $0xFA1;
	[tilespmem:s23+$0xFFFFFF40] =	vst v44;
	v63 =	vld.idx.msk [tilespmem:v58+s2+$0x0], $0xffff;
	v37 =	vshll.u32 v37, $0x1  }
0x3e: {  	v54 =	vadd.s32 s28, v1;
	[tilespmem:s23+$0xC0] =	vst v37;
	v34 =	vshll.u32 v34, $0x1;
	v45 =	vshll.u32 v55, $0x1;
	v55 =	vld.idx.msk [tilespmem:v49+s2+$0x0], $0xffff  }
0x3f: {  	v35 =	vshll.u32 v53, $0x1;
	[tilespmem:s24+$0x100] =	vst v34;
	v34 =	vld.idx.msk [tilespmem:v57+s2+$0x0], $0xffff  }
0x40: {  	s28 =	simm.s32 $0xFA0;
	v41 =	vshll.u32 v41, $0x1;
	[tilespmem:s24+$0x80] =	vst v35;
	v35 =	vld.idx.msk [tilespmem:v59+s2+$0x0], $0xffff  }
0x41: {  	s26 =	simm.s32 $0x327;
	v48 =	vadd.s32 s28, v1;
	s28 =	simm.s32 $0x12C4;
	[tilespmem:s24+$0xFFFFFF80] =	vst v41;
	v41 =	vld.idx.msk [tilespmem:v60+s2+$0x0], $0xffff  }
0x42: {  	v50 =	vadd.s32 s26, v1;
	v61 =	vadd.s32 s28, v1;
	s28 =	simm.s32 $0x328;
	v58 =	vshll.u32 v63, $0x1;
	v36 =	vld.idx.msk [tilespmem:v52+s2+$0x0], $0xffff  }
0x43: {  	s26 =	simm.s32 $0x325;
	v62 =	vadd.s32 s28, v1;
	[tilespmem:s24+$0x0] =	vst v58;
	v43 =	vld.idx.msk [tilespmem:v54+s2+$0x0], $0xffff  }
0x44: {  	s28 =	simm.s32 $0x12C1;
	v63 =	vadd.s32 s26, v1;
	v46 =	vld.idx.msk [tilespmem:v56+s2+$0x0], $0xffff  }
0x45: {  	v53 =	vadd.s32 s28, v1;
	s28 =	simm.s32 $0x649;
	[tilespmem:s24+$0xFFFFFF00] =	vst v45;
	v45 =	vld.idx.msk [tilespmem:v47+s2+$0x0], $0xffff;
	v52 =	vshll.u32 v40, $0x1  }
0x46: {  	v59 =	vadd.s32 s28, v1;
	v48 =	vld.idx.msk [tilespmem:v48+s2+$0x0], $0xffff;
	v56 =	vshll.u32 v39, $0x1;
	[tilespmem:s23+$0xFFFFFFC0] =	vst v52  }
0x47: {  	v38 =	vshll.u32 v38, $0x1;
	s26 =	simm.s32 $0x12C2;
	[tilespmem:s23+$0x40] =	vst v56;
	v58 =	vld.idx.msk [tilespmem:v50+s2+$0x0], $0xffff  }
0x48: {  	[tilespmem:s23+$0xFFFFFEC0] =	vst v38;
	v57 =	vadd.s32 s26, v1;
	s28 =	simm.s32 $0x646;
	v60 =	vld.idx.msk [tilespmem:v62+s2+$0x0], $0xffff;
	v36 =	vshll.u32 v36, $0x1  }
0x49: {  	v62 =	vadd.s32 s28, v1;
	s28 =	simm.s32 $0x647;
	v37 =	vld.idx.msk [tilespmem:v63+s2+$0x0], $0xffff;
	v41 =	vshll.u32 v41, $0x1;
	[tilespmem:s24+$0x110] =	vst v36  }
0x4a: {  	v63 =	vadd.s32 s28, v1;
	v43 =	vshll.u32 v43, $0x1;
	[tilespmem:s23+$0xD0] =	vst v41;
	v54 =	vld.idx.msk [tilespmem:v61+s2+$0x0], $0xffff  }
0x4b: {  	s26 =	simm.s32 $0x15E4;
	v46 =	vshll.u32 v46, $0x1;
	[tilespmem:s24+$0xFFFFFF90] =	vst v43;
	v36 =	vld.idx.msk [tilespmem:v59+s2+$0x0], $0xffff  }
0x4c: {  	v47 =	vshll.u32 v55, $0x1;
	[tilespmem:s24+$0x10] =	vst v46;
	v61 =	vadd.s32 s26, v1;
	s26 =	simm.s32 $0x648;
	v40 =	vld.idx.msk [tilespmem:v53+s2+$0x0], $0xffff  }
0x4d: {  	[tilespmem:s23+$0xFFFFFF50] =	vst v47;
	v39 =	vld.idx.msk [tilespmem:v57+s2+$0x0], $0xffff;
	v55 =	vshll.u32 v58, $0x1;
	v52 =	vadd.s32 s26, v1;
	s26 =	simm.s32 $0x12C0  }
0x4e: {  	v57 =	vld.idx.msk [tilespmem:v62+s2+$0x0], $0xffff;
	v38 =	vshll.u32 v60, $0x1;
	[tilespmem:s23+$0xFFFFFFD0] =	vst v55;
	v58 =	vadd.s32 s26, v1;
	s26 =	simm.s32 $0x969  }
0x4f: {  	s28 =	simm.s32 $0x645;
	[tilespmem:s23+$0x50] =	vst v38;
	v43 =	vld.idx.msk [tilespmem:v63+s2+$0x0], $0xffff;
	v62 =	vadd.s32 s26, v1;
	v53 =	vshll.u32 v54, $0x1  }
0x50: {  	v60 =	vshll.u32 v45, $0x1;
	v54 =	vadd.s32 s28, v1;
	s28 =	simm.s32 $0x12C3;
	[tilespmem:s24+$0x120] =	vst v53  }
0x51: {  	[tilespmem:s24+$0x90] =	vst v60;
	v63 =	vshll.u32 v48, $0x1;
	v56 =	vadd.s32 s28, v1;
	s28 =	simm.s32 $0xC;
	v42 =	vld.idx.msk [tilespmem:v61+s2+$0x0], $0xffff  }
0x52: {  	[tilespmem:s24+$0xFFFFFF10] =	vst v63;
	v36 =	vshll.u32 v36, $0x1;
	v59 =	vadd.s32 s28, v1;
	s28 =	simm.s32 $0x966;
	v61 =	vld.idx.msk [tilespmem:v52+s2+$0x0], $0xffff  }
0x53: {  	v37 =	vshll.u32 v37, $0x1;
	[tilespmem:s23+$0xE0] =	vst v36;
	v41 =	vld.idx.msk [tilespmem:v58+s2+$0x0], $0xffff;
	v52 =	vadd.s32 s28, v1;
	s28 =	simm.s32 $0x967  }
0x54: {  	[tilespmem:s23+$0xFFFFFED0] =	vst v37;
	s26 =	simm.s32 $0x968;
	v60 =	vshll.u32 v43, $0x1;
	v43 =	vld.idx.msk [tilespmem:v62+s2+$0x0], $0xffff;
	v53 =	vadd.s32 s28, v1;
	s28 =	simm.s32 $0x965  }
0x55: {  	v49 =	vshll.u32 v57, $0x1;
	v44 =	vld.idx.msk [tilespmem:v54+s2+$0x0], $0xffff;
	v54 =	vadd.s32 s26, v1;
	v55 =	vadd.s32 s28, v1;
	s28 =	simm.s32 $0x15E1  }
0x56: {  	[tilespmem:s23+$0xFFFFFF60] =	vst v49;
	v46 =	vld.idx.msk [tilespmem:v56+s2+$0x0], $0xffff;
	v45 =	vadd.s32 s28, v1  }
0x57: {  	[tilespmem:s23+$0xFFFFFFE0] =	vst v60;
	s26 =	simm.s32 $0x15E2;
	v56 =	vshll.u32 v40, $0x1;
	v36 =	vld.idx.msk [tilespmem:v59+s2+$0x0], $0xffff  }
0x58: {  	s28 =	simm.s32 $0x15E3;
	v37 =	vshll.u32 v61, $0x1;
	v61 =	vadd.s32 s26, v1;
	[tilespmem:s24+$0xFFFFFFA0] =	vst v56;
	v48 =	vld.idx.msk [tilespmem:v52+s2+$0x0], $0xffff  }
0x59: {  	v42 =	vshll.u32 v42, $0x1;
	s26 =	simm.s32 $0xC89;
	v63 =	vadd.s32 s28, v1;
	[tilespmem:s23+$0x60] =	vst v37;
	v62 =	vld.idx.msk [tilespmem:v53+s2+$0x0], $0xffff  }
0x5a: {  	s28 =	simm.s32 $0xC86;
	[tilespmem:s24+$0x130] =	vst v42;
	v58 =	vadd.s32 s26, v1;
	v44 =	vshll.u32 v44, $0x1;
	v57 =	vld.idx.msk [tilespmem:v54+s2+$0x0], $0xffff  }
0x5b: {  	v59 =	vshll.u32 v39, $0x1;
	v51 =	vadd.s32 s28, v1;
	s26 =	simm.s32 $0xC87;
	[tilespmem:s23+$0xFFFFFEE0] =	vst v44;
	v39 =	vld.idx.msk [tilespmem:v45+s2+$0x0], $0xffff  }
0x5c: {  	[tilespmem:s24+$0x20] =	vst v59;
	s28 =	simm.s32 $0xC88;
	v52 =	vadd.s32 s26, v1;
	v60 =	vshll.u32 v46, $0x1;
	v50 =	vld.idx.msk [tilespmem:v55+s2+$0x0], $0xffff  }
0x5d: {  	v43 =	vshll.u32 v43, $0x1;
	s26 =	simm.s32 $0xC85;
	v45 =	vadd.s32 s28, v1;
	v40 =	vld.idx.msk [tilespmem:v61+s2+$0x0], $0xffff;
	[tilespmem:s24+$0xA0] =	vst v60  }
0x5e: {  	[tilespmem:s23+$0xF0] =	vst v43;
	s28 =	simm.s32 $0x15E0;
	v46 =	vadd.s32 s26, v1;
	v61 =	vshll.u32 v48, $0x1;
	v37 =	vld.idx.msk [tilespmem:v63+s2+$0x0], $0xffff  }
0x5f: {  	s26 =	simm.s32 $0xD;
	v47 =	vadd.s32 s28, v1;
	v42 =	vld.idx.msk [tilespmem:v58+s2+$0x0], $0xffff;
	[tilespmem:s23+$0xFFFFFF70] =	vst v61;
	v62 =	vshll.u32 v62, $0x1  }
0x60: {  	v38 =	vshll.u32 v41, $0x1;
	s28 =	simm.s32 $0xE;
	v41 =	vadd.s32 s26, v1;
	v43 =	vld.idx.msk [tilespmem:v51+s2+$0x0], $0xffff;
	[tilespmem:s23+$0xFFFFFFF0] =	vst v62;
	v63 =	vshll.u32 v57, $0x1  }
0x61: {  	s25 =	simm.s32 $0xF;
	s26 =	simm.s32 $0xFA9;
	v48 =	vadd.s32 s28, v1;
	v44 =	vld.idx.msk [tilespmem:v52+s2+$0x0], $0xffff;
	[tilespmem:s23+$0x70] =	vst v63;
	v49 =	vshll.u32 v50, $0x1  }
.LBB2_3:
0x62: {  	p0 =	slt.u32 s25, $0x2D;
	[tilespmem:s23+$0xFFFFFEF0] =	vst v49;
	s28 =	sadd.s32 $0xFA1, s20;
	v45 =	vld.idx.msk [tilespmem:v45+s2+$0x0], $0xffff;
	v49 =	vadd.s32 s26, v1;
	v39 =	vshll.u32 v39, $0x1  }
0x63: {  	s26 =	sadd.s32 $0xFA2, s20;
	v46 =	vld.idx.msk [tilespmem:v46+s2+$0x0], $0xffff;
	v50 =	vadd.s32 s28, v1;
	[tilespmem:s24+$0xFFFFFF20] =	vst v38;
	v38 =	vshll.u32 v40, $0x1  }
0x64: {  	v40 =	vadd.s32 s26, v1;
	s26 =	sadd.s32 $0xFA3, s20;
	v37 =	vshll.u32 v37, $0x1;
	v47 =	vld.idx.msk [tilespmem:v47+s2+$0x0], $0xffff;
	[tilespmem:s24+$0xFFFFFFB0] =	vst v39  }
0x65: {  	s28 =	sadd.s32 $0xFA0, s20;
	v42 =	vshll.u32 v42, $0x1;
	v39 =	vld.idx.msk [tilespmem:v41+s2+$0x0], $0xffff;
	v41 =	vadd.s32 s26, v1;
	[tilespmem:s24+$0x30] =	vst v38  }
0x66: {  	v43 =	vshll.u32 v43, $0x1;
	v38 =	vld.idx.msk [tilespmem:v48+s2+$0x0], $0xffff;
	v48 =	vadd.s32 s28, v1;
	[tilespmem:s23+$0x100] =	vst v42  }
0x67: {  	s26 =	sadd.s32 $0x1, s25;
	v42 =	vadd.s32 s25, v1;
	[tilespmem:s23+$0xFFFFFF80] =	vst v43;
	v43 =	vshll.u32 v44, $0x1;
	v44 =	vld.idx.msk [tilespmem:v49+s2+$0x0], $0xffff  }
0x68: {  	v49 =	vadd.s32 s26, v1;
	s26 =	sadd.s32 $0x324, s22;
	v50 =	vld.idx.msk [tilespmem:v50+s2+$0x0], $0xffff;
	[tilespmem:s23+$0x0] =	vst v43;
	v43 =	vshll.u32 v45, $0x1  }
0x69: {  	v45 =	vadd.s32 s26, v1;
	v46 =	vshll.u32 v46, $0x1;
	s26 =	sadd.s32 $0x12C4, s20;
	v40 =	vld.idx.msk [tilespmem:v40+s2+$0x0], $0xffff;
	[tilespmem:s23+$0x80] =	vst v43  }
0x6a: {  	s28 =	sadd.s32 $0x321, s22;
	v43 =	vadd.s32 s26, v1;
	[tilespmem:s23+$0xFFFFFF00] =	vst v46;
	v41 =	vld.idx.msk [tilespmem:v41+s2+$0x0], $0xffff;
	v46 =	vshll.u32 v47, $0x1  }
0x6b: {  	s26 =	sadd.s32 $0x322, s22;
	v47 =	vadd.s32 s28, v1;
	v48 =	vld.idx.msk [tilespmem:v48+s2+$0x0], $0xffff;
	[tilespmem:s24+$0xB0] =	vst v37  }
0x6c: {  	v38 =	vshll.u32 v38, $0x1;
	v37 =	vld.idx.msk [tilespmem:v42+s2+$0x0], $0xffff;
	v42 =	vadd.s32 s26, v1;
	s26 =	sadd.s32 $0x323, s22;
	[tilespmem:s24+$0xFFFFFF30] =	vst v46;
	s24 =	smov.u32 s23;
	s23 =	sadd.s32 $0x280, s23  }
0x6d: {  	s28 =	sadd.s32 $0x320, s22;
	v46 =	vld.idx.msk [tilespmem:v49+s2+$0x0], $0xffff;
	v49 =	vadd.s32 s26, v1;
	[tilespmem:s23+$0xC0] =	vst v38;
	v38 =	vshll.u32 v44, $0x1  }
0x6e: {  	v35 =	vshll.u32 v35, $0x1;
	v44 =	vadd.s32 s28, v1;
	v50 =	vshll.u32 v50, $0x1;
	s26 =	sadd.s32 $0x12C1, s20;
	v45 =	vld.idx.msk [tilespmem:v45+s2+$0x0], $0xffff;
	[tilespmem:s24+$0x110] =	vst v38  }
0x6f: {  	v38 =	vshll.u32 v40, $0x1;
	[tilespmem:s23+$0xFFFFFF40] =	vst v35;
	v35 =	vshll.u32 v36, $0x1;
	v36 =	vadd.s32 s26, v1;
	s26 =	sadd.s32 $0x12C2, s20;
	v40 =	vld.idx.msk [tilespmem:v43+s2+$0x0], $0xffff  }
0x70: {  	s28 =	sadd.s32 $0x644, s22;
	v41 =	vshll.u32 v41, $0x1;
	v43 =	vld.idx.msk [tilespmem:v47+s2+$0x0], $0xffff;
	[tilespmem:s23+$0xFFFFFFC0] =	vst v35;
	v35 =	vshll.u32 v39, $0x1;
	v39 =	vadd.s32 s26, v1  }
0x71: {  	v52 =	vshll.u32 v34, $0x1;
	v47 =	vadd.s32 s28, v1;
	v48 =	vshll.u32 v48, $0x1;
	s26 =	sadd.s32 $0x15E4, s20;
	v42 =	vld.idx.msk [tilespmem:v42+s2+$0x0], $0xffff;
	[tilespmem:s23+$0x40] =	vst v35  }
0x72: {  	s28 =	sadd.s32 $0x641, s22;
	v51 =	vadd.s32 s26, v1;
	v34 =	vmov v37;
	[tilespmem:s23+$0xFFFFFEC0] =	vst v52;
	v49 =	vld.idx.msk [tilespmem:v49+s2+$0x0], $0xffff  }
0x73: {  	s26 =	sadd.s32 $0x642, s22;
	v37 =	vld.idx.msk [tilespmem:v44+s2+$0x0], $0xffff;
	v44 =	vadd.s32 s28, v1;
	[tilespmem:s24+$0xFFFFFF90] =	vst v50;
	v35 =	vmov v46  }
0x74: {  	v46 =	vadd.s32 s26, v1;
	s26 =	sadd.s32 $0x643, s22;
	v45 =	vshll.u32 v45, $0x1;
	v36 =	vld.idx.msk [tilespmem:v36+s2+$0x0], $0xffff;
	[tilespmem:s24+$0x10] =	vst v38  }
0x75: {  	s28 =	sadd.s32 $0x640, s22;
	v38 =	vadd.s32 s26, v1;
	v40 =	vshll.u32 v40, $0x1;
	[tilespmem:s23+$0xD0] =	vst v45;
	v39 =	vld.idx.msk [tilespmem:v39+s2+$0x0], $0xffff  }
0x76: {  	s26 =	sadd.s32 $0x12C3, s20;
	v45 =	vadd.s32 s28, v1;
	v43 =	vshll.u32 v43, $0x1;
	v47 =	vld.idx.msk [tilespmem:v47+s2+$0x0], $0xffff;
	[tilespmem:s24+$0x120] =	vst v40  }
0x77: {  	s28 =	sadd.s32 $0x12C0, s20;
	v40 =	vshll.u32 v42, $0x1;
	v42 =	vadd.s32 s26, v1;
	[tilespmem:s23+$0xFFFFFF50] =	vst v43;
	v43 =	vld.idx.msk [tilespmem:v51+s2+$0x0], $0xffff  }
0x78: {  	s26 =	sadd.s32 $0x2, s25;
	v44 =	vld.idx.msk [tilespmem:v44+s2+$0x0], $0xffff;
	[tilespmem:s23+$0xFFFFFFD0] =	vst v40;
	v40 =	vshll.u32 v49, $0x1;
	v49 =	vadd.s32 s28, v1  }
0x79: {  	v50 =	vadd.s32 s26, v1;
	s26 =	sadd.s32 $0x964, s22;
	v37 =	vshll.u32 v37, $0x1;
	v46 =	vld.idx.msk [tilespmem:v46+s2+$0x0], $0xffff;
	[tilespmem:s23+$0x50] =	vst v40  }
0x7a: {  	s28 =	sadd.s32 $0x961, s22;
	v40 =	vshll.u32 v36, $0x1;
	[tilespmem:s23+$0xFFFFFED0] =	vst v37;
	v37 =	vld.idx.msk [tilespmem:v38+s2+$0x0], $0xffff;
	v38 =	vadd.s32 s26, v1  }
0x7b: {  	v51 =	vadd.s32 s28, v1;
	s26 =	sadd.s32 $0x962, s22;
	v52 =	vshll.u32 v39, $0x1;
	v45 =	vld.idx.msk [tilespmem:v45+s2+$0x0], $0xffff;
	[tilespmem:s24+$0x90] =	vst v41  }
0x7c: {  	v39 =	vadd.s32 s26, v1;
	s26 =	sadd.s32 $0x963, s22;
	v36 =	vshll.u32 v47, $0x1;
	[tilespmem:s24+$0xFFFFFF10] =	vst v48;
	v41 =	vld.idx.msk [tilespmem:v42+s2+$0x0], $0xffff  }
0x7d: {  	s28 =	sadd.s32 $0x960, s22;
	v42 =	vadd.s32 s26, v1;
	v43 =	vshll.u32 v43, $0x1;
	[tilespmem:s23+$0xE0] =	vst v36;
	v47 =	vld.idx.msk [tilespmem:v49+s2+$0x0], $0xffff  }
0x7e: {  	v48 =	vadd.s32 s28, v1;
	s26 =	sadd.s32 $0x15E1, s20;
	v44 =	vshll.u32 v44, $0x1;
	v36 =	vld.idx.msk [tilespmem:v50+s2+$0x0], $0xffff;
	[tilespmem:s24+$0x130] =	vst v43  }
0x7f: {  	v43 =	vshll.u32 v46, $0x1;
	v46 =	vadd.s32 s26, v1;
	s26 =	sadd.s32 $0x15E2, s20;
	[tilespmem:s23+$0xFFFFFF60] =	vst v44;
	v44 =	vld.idx.msk [tilespmem:v38+s2+$0x0], $0xffff  }
0x80: {  	v37 =	vshll.u32 v37, $0x1;
	v49 =	vld.idx.msk [tilespmem:v51+s2+$0x0], $0xffff;
	[tilespmem:s23+$0xFFFFFFE0] =	vst v43;
	v43 =	vadd.s32 s26, v1;
	s26 =	sadd.s32 $0x15E3, s20  }
0x81: {  	s28 =	sadd.s32 $0xC84, s22;
	v38 =	vshll.u32 v45, $0x1;
	v50 =	vld.idx.msk [tilespmem:v39+s2+$0x0], $0xffff;
	[tilespmem:s23+$0x60] =	vst v37;
	v37 =	vadd.s32 s26, v1  }
0x82: {  	s26 =	sadd.s32 $0xC81, s22;
	v41 =	vshll.u32 v41, $0x1;
	[tilespmem:s23+$0xFFFFFEE0] =	vst v38;
	v51 =	vld.idx.msk [tilespmem:v42+s2+$0x0], $0xffff;
	v42 =	vadd.s32 s28, v1  }
0x83: {  	v38 =	vshll.u32 v47, $0x1;
	v53 =	vld.idx.msk [tilespmem:v48+s2+$0x0], $0xffff;
	v48 =	vadd.s32 s26, v1;
	s26 =	sadd.s32 $0xC82, s22;
	[tilespmem:s24+$0xFFFFFFA0] =	vst v40  }
0x84: {  	v54 =	vadd.s32 s26, v1;
	s26 =	sadd.s32 $0xC83, s22;
	v39 =	vld.idx.msk [tilespmem:v46+s2+$0x0], $0xffff;
	[tilespmem:s24+$0x20] =	vst v52  }
.Ltmp0:
0x85: {  	s28 =	sadd.s32 $0xC80, s22;
	v44 =	vshll.u32 v44, $0x1;
	v45 =	vadd.s32 s26, v1;
	v40 =	vld.idx.msk [tilespmem:v43+s2+$0x0], $0xffff;
	[tilespmem:s24+$0xA0] =	vst v41;
	(pc) =	sbr.rel @p0 .LBB2_3-.Ltmp0, $4  }
0x86: {  	v46 =	vadd.s32 s28, v1;
	v41 =	vshll.u32 v49, $0x1;
	s26 =	sadd.s32 $0x15E0, s20;
	s20 =	smov.u32 s22;
	s22 =	smov.u32 s25;
	[tilespmem:s23+$0xF0] =	vst v44;
	v37 =	vld.idx.msk [tilespmem:v37+s2+$0x0], $0xffff  }
0x87: {  	s28 =	sadd.s32 $0x3, s25;
	v44 =	vshll.u32 v50, $0x1;
	v47 =	vadd.s32 s26, v1;
	[tilespmem:s23+$0xFFFFFF70] =	vst v41;
	v42 =	vld.idx.msk [tilespmem:v42+s2+$0x0], $0xffff  }
0x88: {  	s26 =	sadd.s32 $0x4, s25;
	v41 =	vadd.s32 s28, v1;
	v50 =	vshll.u32 v51, $0x1;
	v43 =	vld.idx.msk [tilespmem:v48+s2+$0x0], $0xffff;
	[tilespmem:s23+$0xFFFFFFF0] =	vst v44  }
0x89: {  	s25 =	sadd.s32 $0x5, s25;
	v48 =	vadd.s32 s26, v1;
	v49 =	vshll.u32 v53, $0x1;
	s26 =	sadd.s32 $0xFA4, s20;
	v44 =	vld.idx.msk [tilespmem:v54+s2+$0x0], $0xffff;
	[tilespmem:s23+$0x70] =	vst v50  }
0x8a: {  	[tilespmem:s23+$0xFFFFFEF0] =	vst v49  }
0x8b: {  	v39 =	vshll.u32 v39, $0x1;
	[tilespmem:s24+$0xFFFFFF20] =	vst v38  }
0x8c: {  	v40 =	vshll.u32 v40, $0x1;
	[tilespmem:s24+$0xFFFFFFB0] =	vst v39  }
0x8d: {  	s25 =	sadd.s32 $0xFA1, s20;
	[tilespmem:s24+$0x30] =	vst v40;
	v37 =	vshll.u32 v37, $0x1  }
0x8e: {  	v45 =	vld.idx.msk [tilespmem:v45+s2+$0x0], $0xffff;
	v35 =	vshll.u32 v35, $0x1;
	v57 =	vadd.s32 s25, v1;
	s25 =	sadd.s32 $0x280, s23;
	[tilespmem:s24+$0xB0] =	vst v37  }
0x8f: {  	v63 =	vadd.s32 s26, v1;
	v55 =	vld.idx.msk [tilespmem:v48+s2+$0x0], $0xffff;
	v34 =	vshll.u32 v34, $0x1;
	[tilespmem:s25+$0xFFFFFF40] =	vst v35  }
0x90: {  	s28 =	sadd.s32 $0xFA2, s20;
	v51 =	vld.idx.msk [tilespmem:v46+s2+$0x0], $0xffff;
	v52 =	vshll.u32 v42, $0x1;
	[tilespmem:s25+$0xFFFFFEC0] =	vst v34  }
0x91: {  	s26 =	sadd.s32 $0x324, s22;
	v53 =	vld.idx.msk [tilespmem:v47+s2+$0x0], $0xffff;
	v60 =	vadd.s32 s28, v1;
	v54 =	vshll.u32 v43, $0x1;
	[tilespmem:s23+$0x100] =	vst v52  }
0x92: {  	v62 =	vld.idx.msk [tilespmem:v41+s2+$0x0], $0xffff;
	v61 =	vadd.s32 s26, v1;
	s26 =	sadd.s32 $0x322, s22;
	[tilespmem:s23+$0xFFFFFF80] =	vst v54;
	v56 =	vshll.u32 v44, $0x1  }
0x93: {  	v48 =	vadd.s32 s26, v1;
	s26 =	sadd.s32 $0x323, s22;
	[tilespmem:s23+$0x0] =	vst v56;
	v59 =	vshll.u32 v45, $0x1  }
0x94: {  	s28 =	sadd.s32 $0x321, s22;
	v50 =	vadd.s32 s26, v1;
	v58 =	vld.idx.msk [tilespmem:v63+s2+$0x0], $0xffff;
	v39 =	vshll.u32 v55, $0x1;
	[tilespmem:s23+$0x80] =	vst v59  }
0x95: {  	v63 =	vadd.s32 s28, v1;
	s28 =	sadd.s32 $0x320, s22;
	v55 =	vshll.u32 v36, $0x1;
	v49 =	vld.idx.msk [tilespmem:v57+s2+$0x0], $0xffff;
	[tilespmem:s25+$0xC0] =	vst v39  }
0x96: {  	s26 =	sadd.s32 $0x12C4, s20;
	v38 =	vshll.u32 v51, $0x1;
	v40 =	vshll.u32 v53, $0x1;
	v52 =	vld.idx.msk [tilespmem:v60+s2+$0x0], $0xffff;
	v53 =	vadd.s32 s28, v1;
	[tilespmem:s25+$0xFFFFFFC0] =	vst v55  }
0x97: {  	v54 =	vadd.s32 s26, v1;
	s28 =	sadd.s32 $0xFA3, s20;
	v57 =	vshll.u32 v62, $0x1;
	[tilespmem:s23+$0xFFFFFF00] =	vst v38;
	v42 =	vld.idx.msk [tilespmem:v61+s2+$0x0], $0xffff  }
0x98: {  	s26 =	sadd.s32 $0x644, s22;
	v56 =	vadd.s32 s28, v1;
	v37 =	vld.idx.msk [tilespmem:v48+s2+$0x0], $0xffff;
	[tilespmem:s25+$0x40] =	vst v57  }
0x99: {  	[tilespmem:s24+$0xFFFFFF30] =	vst v40;
	s28 =	sadd.s32 $0x641, s22;
	v60 =	vld.idx.msk [tilespmem:v50+s2+$0x0], $0xffff;
	v51 =	vshll.u32 v58, $0x1;
	v58 =	vadd.s32 s26, v1;
	s26 =	sadd.s32 $0x642, s22  }
0x9a: {  	v61 =	vadd.s32 s28, v1;
	s28 =	sadd.s32 $0x643, s22;
	v41 =	vld.idx.msk [tilespmem:v63+s2+$0x0], $0xffff;
	[tilespmem:s23+$0x110] =	vst v51;
	v59 =	vshll.u32 v49, $0x1;
	v48 =	vadd.s32 s26, v1  }
0x9b: {  	v62 =	vshll.u32 v52, $0x1;
	v63 =	vld.idx.msk [tilespmem:v53+s2+$0x0], $0xffff;
	v49 =	vadd.s32 s28, v1;
	[tilespmem:s23+$0xFFFFFF90] =	vst v59  }
0x9c: {  	s26 =	sadd.s32 $0x640, s22;
	v39 =	vld.idx.msk [tilespmem:v54+s2+$0x0], $0xffff;
	v42 =	vshll.u32 v42, $0x1;
	[tilespmem:s23+$0x10] =	vst v62  }
0x9d: {  	s28 =	sadd.s32 $0xFA0, s20;
	v36 =	vld.idx.msk [tilespmem:v56+s2+$0x0], $0xffff;
	v50 =	vadd.s32 s26, v1;
	v37 =	vshll.u32 v37, $0x1;
	[tilespmem:s25+$0xD0] =	vst v42  }
0x9e: {  	v51 =	vadd.s32 s28, v1;
	s28 =	sadd.s32 $0x15E4, s20;
	[tilespmem:s25+$0xFFFFFFD0] =	vst v37;
	v34 =	vshll.u32 v60, $0x1;
	v35 =	vld.idx.msk [tilespmem:v58+s2+$0x0], $0xffff  }
0x9f: {  	s26 =	sadd.s32 $0x964, s22;
	v52 =	vadd.s32 s28, v1;
	[tilespmem:s25+$0x50] =	vst v34;
	v41 =	vshll.u32 v41, $0x1;
	v38 =	vld.idx.msk [tilespmem:v48+s2+$0x0], $0xffff  }
0xa0: {  	s28 =	sadd.s32 $0x961, s22;
	v54 =	vadd.s32 s26, v1;
	s26 =	sadd.s32 $0x962, s22;
	[tilespmem:s25+$0xFFFFFF50] =	vst v41;
	v53 =	vshll.u32 v63, $0x1;
	v55 =	vld.idx.msk [tilespmem:v49+s2+$0x0], $0xffff  }
0xa1: {  	v56 =	vadd.s32 s28, v1;
	s28 =	sadd.s32 $0x963, s22;
	v58 =	vadd.s32 s26, v1;
	v40 =	vld.idx.msk [tilespmem:v61+s2+$0x0], $0xffff;
	v39 =	vshll.u32 v39, $0x1;
	[tilespmem:s25+$0xFFFFFED0] =	vst v53  }
0xa2: {  	v60 =	vadd.s32 s28, v1;
	v36 =	vshll.u32 v36, $0x1;
	[tilespmem:s23+$0x120] =	vst v39;
	v57 =	vld.idx.msk [tilespmem:v50+s2+$0x0], $0xffff  }
0xa3: {  	s26 =	sadd.s32 $0x960, s22;
	v59 =	vld.idx.msk [tilespmem:v51+s2+$0x0], $0xffff;
	[tilespmem:s23+$0x90] =	vst v36;
	v35 =	vshll.u32 v35, $0x1  }
0xa4: {  	s28 =	sadd.s32 $0x12C1, s20;
	v61 =	vadd.s32 s26, v1;
	v41 =	vld.idx.msk [tilespmem:v52+s2+$0x0], $0xffff;
	[tilespmem:s25+$0xE0] =	vst v35;
	v38 =	vshll.u32 v38, $0x1  }
0xa5: {  	v62 =	vadd.s32 s28, v1;
	s28 =	sadd.s32 $0x12C2, s20;
	v37 =	vshll.u32 v55, $0x1;
	v34 =	vld.idx.msk [tilespmem:v54+s2+$0x0], $0xffff;
	[tilespmem:s25+$0xFFFFFFE0] =	vst v38  }
0xa6: {  	v63 =	vadd.s32 s28, v1;
	s26 =	sadd.s32 $0xC84, s22;
	s28 =	sadd.s32 $0xC81, s22;
	v40 =	vshll.u32 v40, $0x1;
	[tilespmem:s25+$0x60] =	vst v37;
	v49 =	vld.idx.msk [tilespmem:v58+s2+$0x0], $0xffff  }
0xa7: {  	v50 =	vadd.s32 s26, v1;
	v52 =	vadd.s32 s28, v1;
	s28 =	sadd.s32 $0xC82, s22;
	[tilespmem:s25+$0xFFFFFF60] =	vst v40;
	v48 =	vshll.u32 v57, $0x1;
	v36 =	vld.idx.msk [tilespmem:v60+s2+$0x0], $0xffff  }
0xa8: {  	s26 =	sadd.s32 $0xC83, s22;
	v53 =	vadd.s32 s28, v1;
	v51 =	vshll.u32 v59, $0x1;
	v43 =	vld.idx.msk [tilespmem:v56+s2+$0x0], $0xffff;
	[tilespmem:s25+$0xFFFFFEE0] =	vst v48  }
0xa9: {  	v55 =	vadd.s32 s26, v1;
	[tilespmem:s23+$0xFFFFFF10] =	vst v51;
	v41 =	vshll.u32 v41, $0x1;
	v35 =	vld.idx.msk [tilespmem:v61+s2+$0x0], $0xffff  }
0xaa: {  	s28 =	sadd.s32 $0xC80, s22;
	v54 =	vld.idx.msk [tilespmem:v62+s2+$0x0], $0xffff;
	[tilespmem:s23+$0x130] =	vst v41;
	v34 =	vshll.u32 v34, $0x1  }
0xab: {  	s24 =	sadd.s32 $0x12C3, s20;
	v40 =	vld.idx.msk [tilespmem:v63+s2+$0x0], $0xffff;
	v56 =	vadd.s32 s28, v1;
	[tilespmem:s25+$0xF0] =	vst v34;
	v39 =	vshll.u32 v49, $0x1  }
0xac: {  	v57 =	vadd.s32 s24, v1;
	s28 =	sadd.s32 $0x12C0, s20;
	v36 =	vshll.u32 v36, $0x1;
	v37 =	vld.idx.msk [tilespmem:v50+s2+$0x0], $0xffff;
	[tilespmem:s25+$0xFFFFFFF0] =	vst v39  }
0xad: {  	s26 =	sadd.s32 $0xFA4, s22;
	v58 =	vadd.s32 s28, v1;
	v43 =	vshll.u32 v43, $0x1;
	[tilespmem:s25+$0x70] =	vst v36;
	v39 =	vld.idx.msk [tilespmem:v53+s2+$0x0], $0xffff  }
0xae: {  	v59 =	vadd.s32 s26, v1;
	s26 =	sadd.s32 $0xFA2, s22;
	s28 =	sadd.s32 $0xFA1, s22;
	[tilespmem:s25+$0xFFFFFF70] =	vst v43;
	v35 =	vshll.u32 v35, $0x1;
	v61 =	vld.idx.msk [tilespmem:v55+s2+$0x0], $0xffff  }
0xaf: {  	v48 =	vadd.s32 s26, v1;
	v62 =	vadd.s32 s28, v1;
	s28 =	sadd.s32 $0xFA3, s22;
	v60 =	vshll.u32 v54, $0x1;
	v38 =	vld.idx.msk [tilespmem:v52+s2+$0x0], $0xffff;
	[tilespmem:s25+$0xFFFFFEF0] =	vst v35  }
0xb0: {  	v40 =	vshll.u32 v40, $0x1;
	[tilespmem:s23+$0xFFFFFFA0] =	vst v60;
	v49 =	vadd.s32 s28, v1;
	v63 =	vld.idx.msk [tilespmem:v56+s2+$0x0], $0xffff  }
0xb1: {  	s26 =	sadd.s32 $0xFA0, s22;
	v34 =	vld.idx.msk [tilespmem:v57+s2+$0x0], $0xffff;
	[tilespmem:s23+$0x20] =	vst v40;
	v37 =	vshll.u32 v37, $0x1  }
0xb2: {  	s28 =	sadd.s32 $0x15E1, s20;
	v50 =	vadd.s32 s26, v1;
	v43 =	vld.idx.msk [tilespmem:v58+s2+$0x0], $0xffff;
	[tilespmem:s25+$0x100] =	vst v37;
	v52 =	vshll.u32 v39, $0x1  }
0xb3: {  	v51 =	vadd.s32 s28, v1;
	s28 =	sadd.s32 $0x15E2, s20;
	v35 =	vshll.u32 v61, $0x1;
	v36 =	vld.idx.msk [tilespmem:v59+s2+$0x0], $0xffff;
	[tilespmem:s25+$0x0] =	vst v52  }
0xb4: {  	s26 =	sadd.s32 $0x12C4, s22;
	v53 =	vadd.s32 s28, v1;
	v38 =	vshll.u32 v38, $0x1;
	[tilespmem:s25+$0x80] =	vst v35;
	v55 =	vld.idx.msk [tilespmem:v48+s2+$0x0], $0xffff  }
0xb5: {  	s28 =	sadd.s32 $0x12C1, s22;
	v56 =	vadd.s32 s26, v1;
	s26 =	sadd.s32 $0x12C2, s22;
	[tilespmem:s25+$0xFFFFFF80] =	vst v38;
	v54 =	vshll.u32 v63, $0x1;
	v57 =	vld.idx.msk [tilespmem:v49+s2+$0x0], $0xffff  }
0xb6: {  	v58 =	vadd.s32 s28, v1;
	s28 =	sadd.s32 $0x12C3, s22;
	v34 =	vshll.u32 v34, $0x1;
	v60 =	vadd.s32 s26, v1;
	v41 =	vld.idx.msk [tilespmem:v62+s2+$0x0], $0xffff;
	[tilespmem:s25+$0xFFFFFF00] =	vst v54  }
0xb7: {  	[tilespmem:s23+$0xA0] =	vst v34;
	v43 =	vshll.u32 v43, $0x1;
	v61 =	vadd.s32 s28, v1;
	v59 =	vld.idx.msk [tilespmem:v50+s2+$0x0], $0xffff  }
0xb8: {  	s26 =	sadd.s32 $0x12C0, s22;
	v37 =	vld.idx.msk [tilespmem:v51+s2+$0x0], $0xffff;
	[tilespmem:s23+$0xFFFFFF20] =	vst v43;
	v36 =	vshll.u32 v36, $0x1  }
0xb9: {  	s28 =	sadd.s32 $0x15E3, s20;
	v39 =	vld.idx.msk [tilespmem:v53+s2+$0x0], $0xffff;
	v62 =	vadd.s32 s26, v1;
	[tilespmem:s25+$0x110] =	vst v36;
	v42 =	vshll.u32 v55, $0x1  }
0xba: {  	v63 =	vadd.s32 s28, v1;
	s26 =	sadd.s32 $0x15E0, s20;
	v38 =	vshll.u32 v57, $0x1;
	v35 =	vld.idx.msk [tilespmem:v56+s2+$0x0], $0xffff;
	[tilespmem:s25+$0x10] =	vst v42  }
0xbb: {  	s28 =	sadd.s32 $0x15E4, s22;
	v48 =	vadd.s32 s26, v1;
	v41 =	vshll.u32 v41, $0x1;
	[tilespmem:s25+$0x90] =	vst v38;
	v44 =	vld.idx.msk [tilespmem:v60+s2+$0x0], $0xffff  }
0xbc: {  	v49 =	vadd.s32 s28, v1;
	s26 =	sadd.s32 $0x15E2, s22;
	[tilespmem:s25+$0xFFFFFF90] =	vst v41;
	v34 =	vshll.u32 v59, $0x1;
	v50 =	vld.idx.msk [tilespmem:v61+s2+$0x0], $0xffff  }
0xbd: {  	s28 =	sadd.s32 $0x15E3, s22;
	v37 =	vshll.u32 v37, $0x1;
	v52 =	vadd.s32 s26, v1;
	v40 =	vld.idx.msk [tilespmem:v58+s2+$0x0], $0xffff;
	[tilespmem:s25+$0xFFFFFF10] =	vst v34  }
0xbe: {  	s24 =	sadd.s32 $0x15E1, s22;
	v54 =	vadd.s32 s28, v1;
	v39 =	vshll.u32 v39, $0x1;
	[tilespmem:s23+$0xFFFFFFB0] =	vst v37;
	v36 =	vld.idx.msk [tilespmem:v62+s2+$0x0], $0xffff  }
0xbf: {  	v51 =	vadd.s32 s24, v1;
	s24 =	sadd.s32 $0x15E0, s22;
	[tilespmem:s23+$0x30] =	vst v39;
	v53 =	vld.idx.msk [tilespmem:v63+s2+$0x0], $0xffff;
	v35 =	vshll.u32 v35, $0x1  }
0xc0: {  	v56 =	vadd.s32 s24, v1;
	v41 =	vld.idx.msk [tilespmem:v48+s2+$0x0], $0xffff;
	[tilespmem:s25+$0x120] =	vst v35;
	v44 =	vshll.u32 v44, $0x1  }
0xc1: {  	v34 =	vshll.u32 v50, $0x1;
	v42 =	vld.idx.msk [tilespmem:v49+s2+$0x0], $0xffff;
	[tilespmem:s25+$0x20] =	vst v44  }
0xc2: {  	v55 =	vshll.u32 v40, $0x1;
	[tilespmem:s25+$0xA0] =	vst v34;
	v37 =	vld.idx.msk [tilespmem:v52+s2+$0x0], $0xffff  }
0xc3: {  	[tilespmem:s25+$0xFFFFFFA0] =	vst v55;
	v36 =	vshll.u32 v36, $0x1;
	v58 =	vld.idx.msk [tilespmem:v54+s2+$0x0], $0xffff  }
0xc4: {  	v57 =	vshll.u32 v53, $0x1;
	v35 =	vld.idx.msk [tilespmem:v51+s2+$0x0], $0xffff;
	[tilespmem:s25+$0xFFFFFF20] =	vst v36  }
0xc5: {  	[tilespmem:s23+$0xB0] =	vst v57;
	v59 =	vshll.u32 v41, $0x1;
	v60 =	vld.idx.msk [tilespmem:v56+s2+$0x0], $0xffff  }
0xc6: {  	[tilespmem:s23+$0xFFFFFF30] =	vst v59;
	v61 =	vshll.u32 v42, $0x1  }
0xc7: {  	[tilespmem:s25+$0x130] =	vst v61;
	v62 =	vshll.u32 v37, $0x1  }
0xc8: {  	v63 =	vshll.u32 v58, $0x1;
	[tilespmem:s25+$0x30] =	vst v62  }
0xc9: {  	v35 =	vshll.u32 v35, $0x1;
	[tilespmem:s25+$0xB0] =	vst v63  }
0xca: {  	s21 =	sshll.u32 s21, $0xA;
	s20 =	smul.u32 $0x32, s31;
	[tilespmem:s25+$0xFFFFFFB0] =	vst v35;
	v34 =	vshll.u32 v60, $0x1  }
0xcb: {  	s28 =	simm.s32 $0x3200;
	s26 =	simm.s32 $0x1900;
	[tilespmem:s25+$0xFFFFFF30] =	vst v34;
	s25 =	simm.s32 $0x80  }
0xcc: {  	[tilespmem:s28], [sflag:$0x1] =	stream.indirect.gather [hbm4b:s5+s25], $0x40, s26, s25, $0xb8;
	[tilespmem:$0xB600] =	vst v63  }
0xcd: {  	s22 =	simm.s32 $0x0;
	s23 =	simm.s32 $0x0;
	[dreg:$0x7] =	wrdreg s31  }
.LBB2_5:
0xce: {  	s24 =	sshllo.u32 s23, $0x1  }
0xcf: {  	s25 =	sshll.u32 s24, $0x7  }
0xd0: {  	s25 =	sand.u32 $0x3FFFFF80, s25  }
0xd1: {  	s26 =	simm.s32 $0x80;
	s28 =	simm.s32 $0x5200;
	s25 =	sadd.s32 $0x1900, s25  }
0xd2: {  	[tilespmem:s28], [sflag:$0x2] =	stream.indirect.gather [hbm4b:s5+s26], $0x40, s25, s26, $0xb8;
	[tilespmem:$0xB600] =	vst v63  }
0xd3: {  	s26 =	sor.u32 s20, s23;
	_ =	swait.ge [sflag:s13], $0x2000  }
0xd4: {  	p0 =	seq.s32 s26, $0x0;
	[sflag:s13] =	ssyncset.done $0x0  }
0xd5: {  	s25 =	simm.s32 @!p0 $0x3;
	[sflag:s13] =	ssyncadd.s32 $0xFFFFE000  }
0xd6: {  	_ =	swait.ge @!p0 [sflag:s25], $0x400  }
0xd7: {  	[sflag:s25] =	ssyncset.done @!p0 $0x0  }
0xd8: {  	[sflag:s25] =	ssyncadd.s32 @!p0 $0xFFFFFC00  }
0xd9: {  	_ =	swait.ge @!p0 [sflag:s25], $0x400  }
0xda: {  	[sflag:s25] =	ssyncset.done @!p0 $0x0  }
0xdb: {  	[sflag:s25] =	ssyncadd.s32 @!p0 $0xFFFFFC00  }
0xdc: {  	_ =	swait.ge @!p0 [sflag:s25], $0x400  }
0xdd: {  	[sflag:s25] =	ssyncset.done @!p0 $0x0  }
0xde: {  	[sflag:s25] =	ssyncadd.s32 @!p0 $0xFFFFFC00  }
0xdf: {  	_ =	swait.ge @!p0 [sflag:s25], $0x400  }
0xe0: {  	[sflag:s25] =	ssyncset.done @!p0 $0x0  }
0xe1: {  	[sflag:s25] =	ssyncadd.s32 @!p0 $0xFFFFFC00  }
0xe2: {  	_ =	swait.ge @!p0 [sflag:s25], $0x400  }
0xe3: {  	[sflag:s25] =	ssyncset.done @!p0 $0x0  }
0xe4: {  	[sflag:s25] =	ssyncadd.s32 @!p0 $0xFFFFFC00  }
0xe5: {  	_ =	swait.ge @!p0 [sflag:s25], $0x400  }
0xe6: {  	s31 =	simm.s32 $0x1;
	[sflag:s25] =	ssyncset.done @!p0 $0x0  }
0xe7: {  	v35 =	vmov s22;
	v34 =	vmov s31;
	s31 =	simm.s32 $0x2;
	s28 =	simm.s32 $0x3;
	[sflag:s25] =	ssyncadd.s32 @!p0 $0xFFFFFC00  }
0xe8: {  	v35 =	vshrl.u32 v35, $0x3;
	v36 =	vmov s31;
	v37 =	vmov s28;
	s28 =	simm.s32 $0x7;
	_ =	swait.ge @!p0 [sflag:s25], $0x400  }
0xe9: {  	s31 =	simm.s32 $0x4;
	v35 =	vshll.u32 v35, v2;
	v42 =	vshrl.u32 v34, $0x3;
	v39 =	vmov s28;
	[sflag:s25] =	ssyncset.done @!p0 $0x0  }
0xea: {  	v38 =	vmov s31;
	v36 =	vshrl.u32 v36, $0x3;
	v39 =	vshrl.u32 v39, $0x3;
	[sflag:s25] =	ssyncadd.s32 @!p0 $0xFFFFFC00  }
0xeb: {  	s31 =	simm.s32 $0x5;
	v34 =	vbroadcast v35, $0x0;
	v57 =	vshll.u32 v42, v2;
	v56 =	vshll.u32 v39, v2;
	_ =	swait.ge @!p0 [sflag:s25], $0x400  }
0xec: {  	v40 =	vmov s31;
	s31 =	simm.s32 $0x6;
	v38 =	vshrl.u32 v38, $0x3;
	v39 =	vbroadcast v56, $0x0;
	[sflag:s25] =	ssyncset.done @!p0 $0x0  }
0xed: {  	v46 =	vbroadcast v57, $0x0;
	v58 =	vshll.u32 v36, v2;
	v41 =	vmov s31;
	[sflag:s25] =	ssyncadd.s32 @!p0 $0xFFFFFC00;
	s25 =	simm.s32 $0x3300  }
0xee: {  	v45 =	vadd.s32 v0, v34;
	v37 =	vshrl.u32 v37, $0x3;
	v43 =	vadd.s32 v30, v39;
	v59 =	vld [tilespmem:s25+$0xC0]  }
0xef: {  	v53 =	vbroadcast v58, $0x0;
	v61 =	vshll.u32 v38, v2;
	v60 =	vshll.u32 v37, v2;
	v44 =	vld [tilespmem:s25+$0xFFFFFF00]  }
0xf0: {  	v62 =	vshrl.u32 v40, $0x3;
	v48 =	vadd.s32 v6, v46;
	v36 =	vbroadcast v60, $0x0;
	v47 =	vld [tilespmem:s25+$0xFFFFFF40]  }
0xf1: {  	v35 =	vbroadcast v61, $0x0;
	v50 =	vadd.s32 v10, v53;
	v37 =	vshll.u32 v62, v2;
	v49 =	vld [tilespmem:s25+$0xFFFFFF80]  }
0xf2: {  	v41 =	vshrl.u32 v41, $0x3;
	v38 =	vbroadcast v37, $0x0;
	v51 =	vadd.s32 v14, v36;
	v63 =	vld [tilespmem:s25+$0xFFFFFFC0]  }
0xf3: {  	v54 =	vadd.s32 v18, v35;
	v56 =	vshll.u32 v41, v2;
	v52 =	vld [tilespmem:s25+$0x0];
	[tilespmem:v43+s14+$0x0] =	vst.idx.msk $0xffff, v59  }
0xf4: {  	v37 =	vbroadcast v56, $0x0;
	v58 =	vld [tilespmem:s25+$0x40];
	[tilespmem:v45+s14+$0x0] =	vst.idx.msk $0xffff, v44;
	v59 =	vadd.s32 v22, v38  }
0xf5: {  	v57 =	vadd.s32 v31, v39;
	[tilespmem:v48+s14+$0x0] =	vst.idx.msk $0xffff, v47;
	v41 =	vld [tilespmem:s25+$0xD0]  }
0xf6: {  	v60 =	vadd.s32 v26, v37;
	[tilespmem:v50+s14+$0x0] =	vst.idx.msk $0xffff, v49;
	v45 =	vld [tilespmem:s25+$0x80]  }
0xf7: {  	v61 =	vadd.s32 v7, v46;
	[tilespmem:v51+s14+$0x0] =	vst.idx.msk $0xffff, v63;
	v48 =	vld [tilespmem:s25+$0xFFFFFF50]  }
0xf8: {  	v63 =	vadd.s32 v11, v53;
	[tilespmem:v54+s14+$0x0] =	vst.idx.msk $0xffff, v52;
	v62 =	vld [tilespmem:s25+$0xFFFFFF90]  }
0xf9: {  	v56 =	vadd.s32 v15, v36;
	v51 =	vld [tilespmem:s25+$0xFFFFFFD0];
	[tilespmem:v59+s14+$0x0] =	vst.idx.msk $0xffff, v58  }
0xfa: {  	v58 =	vld [tilespmem:s25+$0x10];
	v59 =	vadd.s32 v19, v35;
	[tilespmem:v57+s14+$0x0] =	vst.idx.msk $0xffff, v41  }
0xfb: {  	[tilespmem:v60+s14+$0x0] =	vst.idx.msk $0xffff, v45;
	v57 =	vadd.s32 v32, v39;
	v41 =	vld [tilespmem:s25+$0xE0]  }
0xfc: {  	v47 =	vadd.s32 v23, v38;
	[tilespmem:v61+s14+$0x0] =	vst.idx.msk $0xffff, v48;
	v45 =	vld [tilespmem:s25+$0x50]  }
0xfd: {  	v60 =	vadd.s32 v27, v37;
	[tilespmem:v63+s14+$0x0] =	vst.idx.msk $0xffff, v62;
	v63 =	vld [tilespmem:s25+$0x90]  }
0xfe: {  	v61 =	vld [tilespmem:s25+$0xFFFFFF10];
	v62 =	vadd.s32 v3, v34;
	[tilespmem:v56+s14+$0x0] =	vst.idx.msk $0xffff, v51  }
0xff: {  	v52 =	vadd.s32 v8, v46;
	v51 =	vld [tilespmem:s25+$0xFFFFFF60];
	[tilespmem:v59+s14+$0x0] =	vst.idx.msk $0xffff, v58  }
0x100: {  	v58 =	vld [tilespmem:s25+$0xFFFFFFE0];
	v59 =	vadd.s32 v16, v36;
	[tilespmem:v57+s14+$0x0] =	vst.idx.msk $0xffff, v41  }
0x101: {  	v39 =	vadd.s32 v33, v39;
	[tilespmem:v47+s14+$0x0] =	vst.idx.msk $0xffff, v45;
	v55 =	vld [tilespmem:s25+$0xF0]  }
0x102: {  	v56 =	vld [tilespmem:s25+$0xFFFFFFA0];
	[tilespmem:v60+s14+$0x0] =	vst.idx.msk $0xffff, v63;
	v57 =	vadd.s32 v12, v53  }
0x103: {  	s31 =	simm.s32 $0x8;
	[tilespmem:v62+s14+$0x0] =	vst.idx.msk $0xffff, v61;
	v60 =	vld [tilespmem:s25+$0x20];
	v61 =	vadd.s32 v20, v35  }
0x104: {  	v42 =	vadd.s32 v24, v38;
	v63 =	vmov s31;
	s31 =	simm.s32 $0x9;
	[tilespmem:v52+s14+$0x0] =	vst.idx.msk $0xffff, v51;
	v41 =	vld [tilespmem:s25+$0x60]  }
0x105: {  	s28 =	simm.s32 $0xB;
	v44 =	vadd.s32 v28, v37;
	v49 =	vadd.s32 v4, v34;
	v54 =	vmov s31;
	s31 =	simm.s32 $0xA;
	v43 =	vld [tilespmem:s25+$0xA0];
	[tilespmem:v59+s14+$0x0] =	vst.idx.msk $0xffff, v58  }
0x106: {  	v45 =	vmov s28;
	v40 =	vshrl.u32 v63, $0x3;
	v47 =	vld [tilespmem:s25+$0xFFFFFF20];
	[tilespmem:v39+s14+$0x0] =	vst.idx.msk $0xffff, v55;
	v55 =	vmov s31;
	s31 =	simm.s32 $0xC  }
0x107: {  	s28 =	simm.s32 $0xD;
	v52 =	vadd.s32 v9, v46;
	v53 =	vadd.s32 v13, v53;
	v50 =	vld [tilespmem:s25+$0xFFFFFF70];
	[tilespmem:v57+s14+$0x0] =	vst.idx.msk $0xffff, v56;
	v48 =	vmov s31;
	s31 =	simm.s32 $0xE  }
0x108: {  	s26 =	simm.s32 $0x10;
	v46 =	vshll.u32 v40, v2;
	[tilespmem:v61+s14+$0x0] =	vst.idx.msk $0xffff, v60;
	v39 =	vmov s28;
	s28 =	simm.s32 $0xF;
	v51 =	vld [tilespmem:s25+$0xFFFFFFB0];
	v40 =	vmov s31  }
.LBB2_6:
0x109: {  	p0 =	slt.u32 s26, $0x78;
	v54 =	vshrl.u32 v54, $0x3;
	v56 =	vmov s28;
	v57 =	vld [tilespmem:s25+$0xFFFFFFF0];
	v36 =	vadd.s32 v17, v36;
	[tilespmem:v42+s14+$0x0] =	vst.idx.msk $0xffff, v41  }
0x10a: {  	v41 =	vshrl.u32 v55, $0x3;
	v35 =	vadd.s32 v21, v35;
	v42 =	vshrl.u32 v56, $0x3;
	v55 =	vld [tilespmem:s25+$0x30];
	[tilespmem:v44+s14+$0x0] =	vst.idx.msk $0xffff, v43  }
0x10b: {  	v38 =	vadd.s32 v25, v38;
	v43 =	vshrl.u32 v45, $0x3;
	v42 =	vshll.u32 v42, v2;
	[tilespmem:v49+s14+$0x0] =	vst.idx.msk $0xffff, v47;
	v44 =	vld [tilespmem:s25+$0x70]  }
0x10c: {  	v37 =	vadd.s32 v29, v37;
	v45 =	vshrl.u32 v48, $0x3;
	v42 =	vbroadcast v42, $0x0;
	[tilespmem:v52+s14+$0x0] =	vst.idx.msk $0xffff, v50;
	v47 =	vld [tilespmem:s25+$0xB0]  }
0x10d: {  	v48 =	vshll.u32 v54, v2;
	v50 =	vadd.s32 v5, v34;
	v34 =	vbroadcast v46, $0x0;
	v49 =	vld [tilespmem:s25+$0xFFFFFF30];
	[tilespmem:v53+s14+$0x0] =	vst.idx.msk $0xffff, v51;
	s25 =	sadd.s32 $0x200, s25  }
0x10e: {  	v41 =	vshll.u32 v41, v2;
	v46 =	vbroadcast v48, $0x0;
	v48 =	vld [tilespmem:s25+$0xC0];
	v51 =	vadd.s32 v30, v42;
	[tilespmem:v36+s14+$0x0] =	vst.idx.msk $0xffff, v57  }
0x10f: {  	v56 =	vbroadcast v41, $0x0;
	v53 =	vadd.s32 v0, v34;
	v36 =	vshll.u32 v43, v2;
	v52 =	vld [tilespmem:s25+$0xFFFFFF00];
	[tilespmem:v35+s14+$0x0] =	vst.idx.msk $0xffff, v55  }
0x110: {  	v43 =	vadd.s32 v6, v46;
	v36 =	vbroadcast v36, $0x0;
	v35 =	vshll.u32 v45, v2;
	v41 =	vld [tilespmem:s25+$0xFFFFFF40];
	[tilespmem:v38+s14+$0x0] =	vst.idx.msk $0xffff, v44  }
0x111: {  	v45 =	vadd.s32 v10, v56;
	v35 =	vbroadcast v35, $0x0;
	v38 =	vshrl.u32 v39, $0x3;
	v44 =	vld [tilespmem:s25+$0xFFFFFF80];
	[tilespmem:v37+s14+$0x0] =	vst.idx.msk $0xffff, v47  }
0x112: {  	v40 =	vshrl.u32 v40, $0x3;
	v47 =	vadd.s32 v14, v36;
	v37 =	vshll.u32 v38, v2;
	v39 =	vld [tilespmem:s25+$0xFFFFFFC0];
	[tilespmem:v50+s14+$0x0] =	vst.idx.msk $0xffff, v49  }
0x113: {  	v50 =	vadd.s32 v18, v35;
	v38 =	vbroadcast v37, $0x0;
	v37 =	vshll.u32 v40, v2;
	v49 =	vld [tilespmem:s25+$0x0];
	[tilespmem:v51+s14+$0x0] =	vst.idx.msk $0xffff, v48  }
0x114: {  	v37 =	vbroadcast v37, $0x0;
	v48 =	vadd.s32 v31, v42;
	[tilespmem:v53+s14+$0x0] =	vst.idx.msk $0xffff, v52;
	v40 =	vld [tilespmem:s25+$0xD0]  }
0x115: {  	[tilespmem:v43+s14+$0x0] =	vst.idx.msk $0xffff, v41;
	v41 =	vld [tilespmem:s25+$0x40];
	v43 =	vadd.s32 v22, v38  }
0x116: {  	[tilespmem:v45+s14+$0x0] =	vst.idx.msk $0xffff, v44;
	v44 =	vld [tilespmem:s25+$0x80];
	v45 =	vadd.s32 v26, v37  }
0x117: {  	v52 =	vadd.s32 v7, v46;
	v51 =	vld [tilespmem:s25+$0xFFFFFF50];
	[tilespmem:v47+s14+$0x0] =	vst.idx.msk $0xffff, v39  }
0x118: {  	v47 =	vadd.s32 v11, v56;
	v39 =	vld [tilespmem:s25+$0xFFFFFF90];
	[tilespmem:v50+s14+$0x0] =	vst.idx.msk $0xffff, v49  }
0x119: {  	v50 =	vadd.s32 v15, v36;
	v49 =	vld [tilespmem:s25+$0xFFFFFFD0];
	[tilespmem:v48+s14+$0x0] =	vst.idx.msk $0xffff, v40  }
0x11a: {  	[tilespmem:v43+s14+$0x0] =	vst.idx.msk $0xffff, v41;
	v40 =	vld [tilespmem:s25+$0xE0];
	v41 =	vadd.s32 v32, v42  }
0x11b: {  	v48 =	vadd.s32 v19, v35;
	v43 =	vld [tilespmem:s25+$0x10];
	[tilespmem:v45+s14+$0x0] =	vst.idx.msk $0xffff, v44  }
0x11c: {  	v45 =	vadd.s32 v23, v38;
	[tilespmem:v52+s14+$0x0] =	vst.idx.msk $0xffff, v51;
	v44 =	vld [tilespmem:s25+$0x50]  }
0x11d: {  	[tilespmem:v47+s14+$0x0] =	vst.idx.msk $0xffff, v39;
	v39 =	vld [tilespmem:s25+$0x90];
	v47 =	vadd.s32 v27, v37  }
0x11e: {  	v52 =	vadd.s32 v3, v34;
	v51 =	vld [tilespmem:s25+$0xFFFFFF10];
	[tilespmem:v50+s14+$0x0] =	vst.idx.msk $0xffff, v49  }
0x11f: {  	v50 =	vadd.s32 v8, v46;
	v49 =	vld [tilespmem:s25+$0xFFFFFF60];
	[tilespmem:v41+s14+$0x0] =	vst.idx.msk $0xffff, v40  }
0x120: {  	[tilespmem:v48+s14+$0x0] =	vst.idx.msk $0xffff, v43;
	v40 =	vld [tilespmem:s25+$0xF0];
	v48 =	vadd.s32 v33, v42  }
0x121: {  	v57 =	vadd.s32 v12, v56;
	v53 =	vld [tilespmem:s25+$0xFFFFFFA0];
	[tilespmem:v45+s14+$0x0] =	vst.idx.msk $0xffff, v44  }
0x122: {  	v59 =	vadd.s32 v16, v36;
	v58 =	vld [tilespmem:s25+$0xFFFFFFE0];
	[tilespmem:v47+s14+$0x0] =	vst.idx.msk $0xffff, v39  }
0x123: {  	v61 =	vadd.s32 v20, v35;
	[tilespmem:v52+s14+$0x0] =	vst.idx.msk $0xffff, v51;
	v60 =	vld [tilespmem:s25+$0x20]  }
.Ltmp1:
0x124: {  	s28 =	sadd.s32 $0x1, s26;
	v42 =	vadd.s32 v24, v38;
	v39 =	vmov s26;
	[tilespmem:v50+s14+$0x0] =	vst.idx.msk $0xffff, v49;
	v41 =	vld [tilespmem:s25+$0x60];
	(pc) =	sbr.rel @p0 .LBB2_6-.Ltmp1, $4  }
0x125: {  	s31 =	sadd.s32 $0x3, s26;
	v54 =	vmov s28;
	s28 =	sadd.s32 $0x2, s26;
	v44 =	vadd.s32 v28, v37;
	v51 =	vshrl.u32 v39, $0x3;
	v43 =	vld [tilespmem:s25+$0xA0];
	[tilespmem:v48+s14+$0x0] =	vst.idx.msk $0xffff, v40  }
0x126: {  	v55 =	vmov s28;
	s28 =	sadd.s32 $0x4, s26;
	v45 =	vmov s31;
	s31 =	sadd.s32 $0x5, s26;
	v49 =	vadd.s32 v4, v34;
	v47 =	vld [tilespmem:s25+$0xFFFFFF20];
	[tilespmem:v57+s14+$0x0] =	vst.idx.msk $0xffff, v53  }
0x127: {  	v39 =	vmov s31;
	v52 =	vadd.s32 v9, v46;
	v48 =	vmov s28;
	s28 =	sadd.s32 $0x6, s26;
	v50 =	vld [tilespmem:s25+$0xFFFFFF70];
	[tilespmem:v59+s14+$0x0] =	vst.idx.msk $0xffff, v58  }
0x128: {  	v46 =	vshll.u32 v51, v2;
	v40 =	vmov s28;
	s28 =	sadd.s32 $0x7, s26;
	s26 =	sadd.s32 $0x8, s26;
	v53 =	vadd.s32 v13, v56;
	v51 =	vld [tilespmem:s25+$0xFFFFFFB0];
	[tilespmem:v61+s14+$0x0] =	vst.idx.msk $0xffff, v60  }
0x129: {  	_ =	sdelay $0x1  }
0x12a: {  	v54 =	vshrl.u32 v54, $0x3  }
0x12b: {  	v56 =	vmov s28;
	v36 =	vadd.s32 v17, v36;
	v60 =	vshrl.u32 v55, $0x3  }
0x12c: {  	v57 =	vld [tilespmem:s25+$0xFFFFFFF0];
	[tilespmem:v42+s14+$0x0] =	vst.idx.msk $0xffff, v41;
	v35 =	vadd.s32 v21, v35;
	v63 =	vshrl.u32 v45, $0x3;
	v38 =	vadd.s32 v25, v38  }
0x12d: {  	v62 =	vld [tilespmem:s25+$0x30];
	v37 =	vadd.s32 v29, v37;
	v46 =	vbroadcast v46, $0x0;
	v39 =	vshrl.u32 v39, $0x3;
	[tilespmem:v44+s14+$0x0] =	vst.idx.msk $0xffff, v43  }
0x12e: {  	v40 =	vshrl.u32 v40, $0x3;
	v61 =	vshrl.u32 v56, $0x3;
	v44 =	vld [tilespmem:s25+$0x70];
	v41 =	vshll.u32 v60, v2;
	[tilespmem:v49+s14+$0x0] =	vst.idx.msk $0xffff, v47  }
0x12f: {  	s31 =	sadd.s32 $0x200, s25;
	v56 =	vshrl.u32 v48, $0x3;
	v42 =	vshll.u32 v61, v2;
	v58 =	vld [tilespmem:s25+$0xB0];
	v41 =	vbroadcast v41, $0x0;
	[tilespmem:v52+s14+$0x0] =	vst.idx.msk $0xffff, v50  }
0x130: {  	v59 =	vshll.u32 v54, v2;
	v60 =	vld [tilespmem:s31+$0xFFFFFF00];
	v61 =	vadd.s32 v0, v46;
	v42 =	vbroadcast v42, $0x0;
	[tilespmem:v53+s14+$0x0] =	vst.idx.msk $0xffff, v51  }
0x131: {  	v43 =	vshll.u32 v63, v2;
	v54 =	vld [tilespmem:s31+$0xFFFFFF80];
	v48 =	vbroadcast v59, $0x0;
	v55 =	vadd.s32 v10, v41;
	[tilespmem:v36+s14+$0x0] =	vst.idx.msk $0xffff, v57  }
0x132: {  	v43 =	vbroadcast v43, $0x0;
	v45 =	vshll.u32 v56, v2;
	v50 =	vld [tilespmem:s31+$0xC0];
	v51 =	vadd.s32 v30, v42;
	[tilespmem:v35+s14+$0x0] =	vst.idx.msk $0xffff, v62  }
0x133: {  	v39 =	vshll.u32 v39, v2;
	v45 =	vbroadcast v45, $0x0;
	v63 =	vadd.s32 v6, v48;
	v62 =	vld [tilespmem:s31+$0xFFFFFF40];
	[tilespmem:v38+s14+$0x0] =	vst.idx.msk $0xffff, v44  }
0x134: {  	v40 =	vshll.u32 v40, v2;
	v56 =	vld [tilespmem:s31+$0xFFFFFFC0];
	v39 =	vbroadcast v39, $0x0;
	v57 =	vadd.s32 v14, v43;
	[tilespmem:v37+s14+$0x0] =	vst.idx.msk $0xffff, v58  }
0x135: {  	v59 =	vadd.s32 v18, v45;
	v36 =	vbroadcast v40, $0x0;
	v58 =	vld [tilespmem:s31+$0x0];
	[tilespmem:v61+s14+$0x0] =	vst.idx.msk $0xffff, v60  }
0x136: {  	v60 =	vld [tilespmem:s31+$0x40];
	v61 =	vadd.s32 v22, v39;
	[tilespmem:v55+s14+$0x0] =	vst.idx.msk $0xffff, v54  }
0x137: {  	v38 =	vld [tilespmem:s31+$0x80];
	v44 =	vadd.s32 v26, v36;
	[tilespmem:v51+s14+$0x0] =	vst.idx.msk $0xffff, v50  }
0x138: {  	v50 =	vadd.s32 v31, v42;
	[tilespmem:v63+s14+$0x0] =	vst.idx.msk $0xffff, v62;
	v40 =	vld [tilespmem:s31+$0xD0]  }
0x139: {  	v63 =	vadd.s32 v7, v48;
	[tilespmem:v57+s14+$0x0] =	vst.idx.msk $0xffff, v56;
	v62 =	vld [tilespmem:s31+$0xFFFFFF50]  }
0x13a: {  	v34 =	vadd.s32 v5, v34;
	v49 =	vld [tilespmem:s25+$0xFFFFFF30];
	[tilespmem:v59+s14+$0x0] =	vst.idx.msk $0xffff, v58  }
0x13b: {  	v56 =	vld [tilespmem:s31+$0xFFFFFF90];
	v57 =	vadd.s32 v11, v41;
	[tilespmem:v61+s14+$0x0] =	vst.idx.msk $0xffff, v60  }
0x13c: {  	v58 =	vld [tilespmem:s31+$0xFFFFFFD0];
	v59 =	vadd.s32 v15, v43;
	[tilespmem:v44+s14+$0x0] =	vst.idx.msk $0xffff, v38  }
0x13d: {  	v61 =	vadd.s32 v19, v45;
	v60 =	vld [tilespmem:s31+$0x10];
	[tilespmem:v50+s14+$0x0] =	vst.idx.msk $0xffff, v40  }
0x13e: {  	v38 =	vld [tilespmem:s31+$0x50];
	[tilespmem:v63+s14+$0x0] =	vst.idx.msk $0xffff, v62;
	v62 =	vadd.s32 v23, v39  }
0x13f: {  	[tilespmem:v34+s14+$0x0] =	vst.idx.msk $0xffff, v49;
	v40 =	vadd.s32 v32, v42;
	v35 =	vld [tilespmem:s31+$0xE0]  }
0x140: {  	[tilespmem:v57+s14+$0x0] =	vst.idx.msk $0xffff, v56;
	v56 =	vld [tilespmem:s31+$0xFFFFFF10];
	v57 =	vadd.s32 v3, v46  }
0x141: {  	v37 =	vld [tilespmem:s31+$0x90];
	v63 =	vadd.s32 v27, v36;
	[tilespmem:v59+s14+$0x0] =	vst.idx.msk $0xffff, v58  }
0x142: {  	v58 =	vld [tilespmem:s31+$0xFFFFFF60];
	v59 =	vadd.s32 v8, v48;
	[tilespmem:v61+s14+$0x0] =	vst.idx.msk $0xffff, v60  }
0x143: {  	v60 =	vadd.s32 v33, v42;
	v42 =	vld [tilespmem:s31+$0xFFFFFFA0];
	v61 =	vadd.s32 v12, v41;
	[tilespmem:v62+s14+$0x0] =	vst.idx.msk $0xffff, v38  }
0x144: {  	v38 =	vld [tilespmem:s31+$0xFFFFFFE0];
	v62 =	vadd.s32 v16, v43;
	[tilespmem:v40+s14+$0x0] =	vst.idx.msk $0xffff, v35  }
0x145: {  	[tilespmem:v57+s14+$0x0] =	vst.idx.msk $0xffff, v56;
	v35 =	vld [tilespmem:s31+$0xF0]  }
0x146: {  	[tilespmem:v63+s14+$0x0] =	vst.idx.msk $0xffff, v37;
	v37 =	vld [tilespmem:s31+$0x20];
	v63 =	vadd.s32 v20, v45  }
0x147: {  	v56 =	vadd.s32 v24, v39;
	[tilespmem:v59+s14+$0x0] =	vst.idx.msk $0xffff, v58;
	v34 =	vld [tilespmem:s31+$0x60]  }
0x148: {  	v57 =	vld [tilespmem:s31+$0xA0];
	v58 =	vadd.s32 v28, v36;
	[tilespmem:v61+s14+$0x0] =	vst.idx.msk $0xffff, v42  }
0x149: {  	v48 =	vadd.s32 v9, v48;
	v61 =	vld [tilespmem:s31+$0xFFFFFF70];
	[tilespmem:v62+s14+$0x0] =	vst.idx.msk $0xffff, v38  }
0x14a: {  	v59 =	vld [tilespmem:s31+$0xFFFFFF20];
	[tilespmem:v60+s14+$0x0] =	vst.idx.msk $0xffff, v35;
	v60 =	vadd.s32 v4, v46  }
0x14b: {  	v41 =	vadd.s32 v13, v41;
	v62 =	vld [tilespmem:s31+$0xFFFFFFB0];
	[tilespmem:v63+s14+$0x0] =	vst.idx.msk $0xffff, v37  }
0x14c: {  	v43 =	vadd.s32 v17, v43;
	v63 =	vld [tilespmem:s31+$0xFFFFFFF0];
	[tilespmem:v56+s14+$0x0] =	vst.idx.msk $0xffff, v34  }
0x14d: {  	v50 =	vadd.s32 v21, v45;
	v49 =	vld [tilespmem:s31+$0x30];
	[tilespmem:v58+s14+$0x0] =	vst.idx.msk $0xffff, v57  }
0x14e: {  	v39 =	vadd.s32 v25, v39;
	v53 =	vld [tilespmem:s31+$0x70];
	[tilespmem:v48+s14+$0x0] =	vst.idx.msk $0xffff, v61  }
0x14f: {  	v36 =	vadd.s32 v29, v36;
	v54 =	vld [tilespmem:s31+$0xB0];
	[tilespmem:v60+s14+$0x0] =	vst.idx.msk $0xffff, v59  }
0x150: {  	v56 =	vadd.s32 v5, v46;
	[tilespmem:v41+s14+$0x0] =	vst.idx.msk $0xffff, v62;
	v55 =	vld [tilespmem:s31+$0xFFFFFF30]  }
0x151: {  	[tilespmem:v43+s14+$0x0] =	vst.idx.msk $0xffff, v63  }
0x152: {  	s26 =	sshll.u32 s23, $0x15;
	[tilespmem:v50+s14+$0x0] =	vst.idx.msk $0xffff, v49  }
0x153: {  	s25 =	sadd.s32 s21, s26;
	[tilespmem:v39+s14+$0x0] =	vst.idx.msk $0xffff, v53  }
0x154: {  	s25 =	sshrl.u32 s25, $0x3;
	[tilespmem:v36+s14+$0x0] =	vst.idx.msk $0xffff, v54  }
0x155: {  	s26 =	sadd.s32 s1, s25;
	[tilespmem:v56+s14+$0x0] =	vst.idx.msk $0xffff, v55  }
0x156: {  	[hbm4b:s26+s2] =	stream.linear.scatter [tilespmem:s14], [sflag:$0x3], $0x80, $0x38;
	[tilespmem:$0xB600] =	vst v63  }
0x157: {  	s28 =	sadd.s32 $0x10, s26;
	s31 =	simm.s32 $0x7288  }
0x158: {  	[hbm4b:s28+s2] =	stream.linear.scatter [tilespmem:s31], [sflag:$0x3], $0x80, $0x38;
	[tilespmem:$0xB600] =	vst v63  }
0x159: {  	s28 =	sadd.s32 $0x20, s26;
	s31 =	simm.s32 $0x7310  }
0x15a: {  	[hbm4b:s28+s2] =	stream.linear.scatter [tilespmem:s31], [sflag:$0x3], $0x80, $0x38;
	[tilespmem:$0xB600] =	vst v63  }
0x15b: {  	s28 =	sadd.s32 $0x30, s26;
	s31 =	simm.s32 $0x7398  }
0x15c: {  	[hbm4b:s28+s2] =	stream.linear.scatter [tilespmem:s31], [sflag:$0x3], $0x80, $0x38;
	[tilespmem:$0xB600] =	vst v63  }
0x15d: {  	s28 =	sadd.s32 $0x40, s26;
	s31 =	simm.s32 $0x7420  }
0x15e: {  	[hbm4b:s28+s2] =	stream.linear.scatter [tilespmem:s31], [sflag:$0x3], $0x80, $0x38;
	[tilespmem:$0xB600] =	vst v63  }
0x15f: {  	s28 =	sadd.s32 $0x50, s26;
	s31 =	simm.s32 $0x74A8  }
0x160: {  	[hbm4b:s28+s2] =	stream.linear.scatter [tilespmem:s31], [sflag:$0x3], $0x80, $0x38;
	[tilespmem:$0xB600] =	vst v63  }
0x161: {  	s28 =	sadd.s32 $0x60, s26;
	s31 =	simm.s32 $0x7530  }
0x162: {  	[hbm4b:s28+s2] =	stream.linear.scatter [tilespmem:s31], [sflag:$0x3], $0x80, $0x38;
	[tilespmem:$0xB600] =	vst v63  }
0x163: {  	s26 =	sadd.s32 $0x70, s26;
	s28 =	simm.s32 $0x75B8;
	s31 =	sor.u32 $0x4000, s25  }
0x164: {  	[hbm4b:s26+s2] =	stream.linear.scatter [tilespmem:s28], [sflag:$0x3], $0x80, $0x38;
	[tilespmem:$0xB600] =	vst v63  }
0x165: {  	s26 =	sadd.s32 s1, s31;
	s28 =	simm.s32 $0x7640  }
0x166: {  	[hbm4b:s26+s2] =	stream.linear.scatter [tilespmem:s28], [sflag:$0x3], $0x80, $0x38;
	[tilespmem:$0xB600] =	vst v63  }
0x167: {  	s31 =	simm.s32 $0x76C8;
	s28 =	sadd.s32 $0x10, s26  }
0x168: {  	[hbm4b:s28+s2] =	stream.linear.scatter [tilespmem:s31], [sflag:$0x3], $0x80, $0x38;
	[tilespmem:$0xB600] =	vst v63  }
0x169: {  	s28 =	sadd.s32 $0x20, s26;
	s31 =	simm.s32 $0x7750  }
0x16a: {  	[hbm4b:s28+s2] =	stream.linear.scatter [tilespmem:s31], [sflag:$0x3], $0x80, $0x38;
	[tilespmem:$0xB600] =	vst v63  }
0x16b: {  	s28 =	sadd.s32 $0x30, s26;
	s31 =	simm.s32 $0x77D8  }
0x16c: {  	[hbm4b:s28+s2] =	stream.linear.scatter [tilespmem:s31], [sflag:$0x3], $0x80, $0x38;
	[tilespmem:$0xB600] =	vst v63  }
0x16d: {  	s28 =	sadd.s32 $0x40, s26;
	s31 =	simm.s32 $0x7860  }
0x16e: {  	[hbm4b:s28+s2] =	stream.linear.scatter [tilespmem:s31], [sflag:$0x3], $0x80, $0x38;
	[tilespmem:$0xB600] =	vst v63  }
0x16f: {  	s28 =	sadd.s32 $0x50, s26;
	s31 =	simm.s32 $0x78E8  }
0x170: {  	[hbm4b:s28+s2] =	stream.linear.scatter [tilespmem:s31], [sflag:$0x3], $0x80, $0x38;
	[tilespmem:$0xB600] =	vst v63  }
0x171: {  	s28 =	sadd.s32 $0x60, s26;
	s31 =	simm.s32 $0x7970  }
0x172: {  	[hbm4b:s28+s2] =	stream.linear.scatter [tilespmem:s31], [sflag:$0x3], $0x80, $0x38;
	[tilespmem:$0xB600] =	vst v63  }
0x173: {  	s26 =	sadd.s32 $0x70, s26;
	s28 =	simm.s32 $0x79F8;
	s31 =	sor.u32 $0x8000, s25  }
0x174: {  	[hbm4b:s26+s2] =	stream.linear.scatter [tilespmem:s28], [sflag:$0x3], $0x80, $0x38;
	[tilespmem:$0xB600] =	vst v63  }
0x175: {  	s26 =	sadd.s32 s1, s31;
	s28 =	simm.s32 $0x7A80  }
0x176: {  	[hbm4b:s26+s2] =	stream.linear.scatter [tilespmem:s28], [sflag:$0x3], $0x80, $0x38;
	[tilespmem:$0xB600] =	vst v63  }
0x177: {  	s31 =	simm.s32 $0x7B08;
	s28 =	sadd.s32 $0x10, s26  }
0x178: {  	[hbm4b:s28+s2] =	stream.linear.scatter [tilespmem:s31], [sflag:$0x3], $0x80, $0x38;
	[tilespmem:$0xB600] =	vst v63  }
0x179: {  	s28 =	sadd.s32 $0x20, s26;
	s31 =	simm.s32 $0x7B90  }
0x17a: {  	[hbm4b:s28+s2] =	stream.linear.scatter [tilespmem:s31], [sflag:$0x3], $0x80, $0x38;
	[tilespmem:$0xB600] =	vst v63  }
0x17b: {  	s28 =	sadd.s32 $0x30, s26;
	s31 =	simm.s32 $0x7C18  }
0x17c: {  	[hbm4b:s28+s2] =	stream.linear.scatter [tilespmem:s31], [sflag:$0x3], $0x80, $0x38;
	[tilespmem:$0xB600] =	vst v63  }
0x17d: {  	s28 =	sadd.s32 $0x40, s26;
	s31 =	simm.s32 $0x7CA0  }
0x17e: {  	[hbm4b:s28+s2] =	stream.linear.scatter [tilespmem:s31], [sflag:$0x3], $0x80, $0x38;
	[tilespmem:$0xB600] =	vst v63  }
0x17f: {  	s28 =	sadd.s32 $0x50, s26;
	s31 =	simm.s32 $0x7D28  }
0x180: {  	[hbm4b:s28+s2] =	stream.linear.scatter [tilespmem:s31], [sflag:$0x3], $0x80, $0x38;
	[tilespmem:$0xB600] =	vst v63  }
0x181: {  	s28 =	sadd.s32 $0x60, s26;
	s31 =	simm.s32 $0x7DB0  }
0x182: {  	[hbm4b:s28+s2] =	stream.linear.scatter [tilespmem:s31], [sflag:$0x3], $0x80, $0x38;
	[tilespmem:$0xB600] =	vst v63  }
0x183: {  	s26 =	sadd.s32 $0x70, s26;
	s28 =	simm.s32 $0x7E38;
	s31 =	sor.u32 $0xC000, s25  }
0x184: {  	[hbm4b:s26+s2] =	stream.linear.scatter [tilespmem:s28], [sflag:$0x3], $0x80, $0x38;
	[tilespmem:$0xB600] =	vst v63  }
0x185: {  	s26 =	sadd.s32 s1, s31;
	s28 =	simm.s32 $0x7EC0  }
0x186: {  	[hbm4b:s26+s2] =	stream.linear.scatter [tilespmem:s28], [sflag:$0x3], $0x80, $0x38;
	[tilespmem:$0xB600] =	vst v63  }
0x187: {  	s31 =	simm.s32 $0x7F48;
	s28 =	sadd.s32 $0x10, s26  }
0x188: {  	[hbm4b:s28+s2] =	stream.linear.scatter [tilespmem:s31], [sflag:$0x3], $0x80, $0x38;
	[tilespmem:$0xB600] =	vst v63  }
0x189: {  	s28 =	sadd.s32 $0x20, s26;
	s31 =	simm.s32 $0x7FD0  }
0x18a: {  	[hbm4b:s28+s2] =	stream.linear.scatter [tilespmem:s31], [sflag:$0x3], $0x80, $0x38;
	[tilespmem:$0xB600] =	vst v63  }
0x18b: {  	s28 =	sadd.s32 $0x30, s26;
	s31 =	simm.s32 $0x8058  }
0x18c: {  	[hbm4b:s28+s2] =	stream.linear.scatter [tilespmem:s31], [sflag:$0x3], $0x80, $0x38;
	[tilespmem:$0xB600] =	vst v63  }
0x18d: {  	s28 =	sadd.s32 $0x40, s26;
	s31 =	simm.s32 $0x80E0  }
0x18e: {  	[hbm4b:s28+s2] =	stream.linear.scatter [tilespmem:s31], [sflag:$0x3], $0x80, $0x38;
	[tilespmem:$0xB600] =	vst v63  }
0x18f: {  	s28 =	sadd.s32 $0x50, s26;
	s31 =	simm.s32 $0x8168  }
0x190: {  	[hbm4b:s28+s2] =	stream.linear.scatter [tilespmem:s31], [sflag:$0x3], $0x80, $0x38;
	[tilespmem:$0xB600] =	vst v63  }
0x191: {  	s28 =	sadd.s32 $0x60, s26;
	s31 =	simm.s32 $0x81F0  }
0x192: {  	[hbm4b:s28+s2] =	stream.linear.scatter [tilespmem:s31], [sflag:$0x3], $0x80, $0x38;
	[tilespmem:$0xB600] =	vst v63  }
0x193: {  	s26 =	sadd.s32 $0x70, s26;
	s28 =	simm.s32 $0x8278;
	s31 =	sor.u32 $0x10000, s25  }
0x194: {  	[hbm4b:s26+s2] =	stream.linear.scatter [tilespmem:s28], [sflag:$0x3], $0x80, $0x38;
	[tilespmem:$0xB600] =	vst v63  }
0x195: {  	s26 =	sadd.s32 s1, s31;
	s28 =	simm.s32 $0x8300  }
0x196: {  	[hbm4b:s26+s2] =	stream.linear.scatter [tilespmem:s28], [sflag:$0x3], $0x80, $0x38;
	[tilespmem:$0xB600] =	vst v63  }
0x197: {  	s31 =	simm.s32 $0x8388;
	s28 =	sadd.s32 $0x10, s26  }
0x198: {  	[hbm4b:s28+s2] =	stream.linear.scatter [tilespmem:s31], [sflag:$0x3], $0x80, $0x38;
	[tilespmem:$0xB600] =	vst v63  }
0x199: {  	s28 =	sadd.s32 $0x20, s26;
	s31 =	simm.s32 $0x8410  }
0x19a: {  	[hbm4b:s28+s2] =	stream.linear.scatter [tilespmem:s31], [sflag:$0x3], $0x80, $0x38;
	[tilespmem:$0xB600] =	vst v63  }
0x19b: {  	s28 =	sadd.s32 $0x30, s26;
	s31 =	simm.s32 $0x8498  }
0x19c: {  	[hbm4b:s28+s2] =	stream.linear.scatter [tilespmem:s31], [sflag:$0x3], $0x80, $0x38;
	[tilespmem:$0xB600] =	vst v63  }
0x19d: {  	s28 =	sadd.s32 $0x40, s26;
	s31 =	simm.s32 $0x8520  }
0x19e: {  	[hbm4b:s28+s2] =	stream.linear.scatter [tilespmem:s31], [sflag:$0x3], $0x80, $0x38;
	[tilespmem:$0xB600] =	vst v63  }
0x19f: {  	s28 =	sadd.s32 $0x50, s26;
	s31 =	simm.s32 $0x85A8  }
0x1a0: {  	[hbm4b:s28+s2] =	stream.linear.scatter [tilespmem:s31], [sflag:$0x3], $0x80, $0x38;
	[tilespmem:$0xB600] =	vst v63  }
0x1a1: {  	s28 =	sadd.s32 $0x60, s26;
	s31 =	simm.s32 $0x8630  }
0x1a2: {  	[hbm4b:s28+s2] =	stream.linear.scatter [tilespmem:s31], [sflag:$0x3], $0x80, $0x38;
	[tilespmem:$0xB600] =	vst v63  }
0x1a3: {  	s26 =	sadd.s32 $0x70, s26;
	s28 =	simm.s32 $0x86B8;
	s31 =	sor.u32 $0x14000, s25  }
0x1a4: {  	[hbm4b:s26+s2] =	stream.linear.scatter [tilespmem:s28], [sflag:$0x3], $0x80, $0x38;
	[tilespmem:$0xB600] =	vst v63  }
0x1a5: {  	s26 =	sadd.s32 s1, s31;
	s28 =	simm.s32 $0x8740  }
0x1a6: {  	[hbm4b:s26+s2] =	stream.linear.scatter [tilespmem:s28], [sflag:$0x3], $0x80, $0x38;
	[tilespmem:$0xB600] =	vst v63  }
0x1a7: {  	s31 =	simm.s32 $0x87C8;
	s28 =	sadd.s32 $0x10, s26  }
0x1a8: {  	[hbm4b:s28+s2] =	stream.linear.scatter [tilespmem:s31], [sflag:$0x3], $0x80, $0x38;
	[tilespmem:$0xB600] =	vst v63  }
0x1a9: {  	s28 =	sadd.s32 $0x20, s26;
	s31 =	simm.s32 $0x8850  }
0x1aa: {  	[hbm4b:s28+s2] =	stream.linear.scatter [tilespmem:s31], [sflag:$0x3], $0x80, $0x38;
	[tilespmem:$0xB600] =	vst v63  }
0x1ab: {  	s28 =	sadd.s32 $0x30, s26;
	s31 =	simm.s32 $0x88D8  }
0x1ac: {  	[hbm4b:s28+s2] =	stream.linear.scatter [tilespmem:s31], [sflag:$0x3], $0x80, $0x38;
	[tilespmem:$0xB600] =	vst v63  }
0x1ad: {  	s28 =	sadd.s32 $0x40, s26;
	s31 =	simm.s32 $0x8960  }
0x1ae: {  	[hbm4b:s28+s2] =	stream.linear.scatter [tilespmem:s31], [sflag:$0x3], $0x80, $0x38;
	[tilespmem:$0xB600] =	vst v63  }
0x1af: {  	s28 =	sadd.s32 $0x50, s26;
	s31 =	simm.s32 $0x89E8  }
0x1b0: {  	[hbm4b:s28+s2] =	stream.linear.scatter [tilespmem:s31], [sflag:$0x3], $0x80, $0x38;
	[tilespmem:$0xB600] =	vst v63  }
0x1b1: {  	s28 =	sadd.s32 $0x60, s26;
	s31 =	simm.s32 $0x8A70  }
0x1b2: {  	[hbm4b:s28+s2] =	stream.linear.scatter [tilespmem:s31], [sflag:$0x3], $0x80, $0x38;
	[tilespmem:$0xB600] =	vst v63  }
0x1b3: {  	s26 =	sadd.s32 $0x70, s26;
	s28 =	simm.s32 $0x8AF8;
	s31 =	sor.u32 $0x18000, s25  }
0x1b4: {  	[hbm4b:s26+s2] =	stream.linear.scatter [tilespmem:s28], [sflag:$0x3], $0x80, $0x38;
	[tilespmem:$0xB600] =	vst v63  }
0x1b5: {  	s26 =	sadd.s32 s1, s31;
	s28 =	simm.s32 $0x8B80  }
0x1b6: {  	[hbm4b:s26+s2] =	stream.linear.scatter [tilespmem:s28], [sflag:$0x3], $0x80, $0x38;
	[tilespmem:$0xB600] =	vst v63  }
0x1b7: {  	s31 =	simm.s32 $0x8C08;
	s28 =	sadd.s32 $0x10, s26  }
0x1b8: {  	[hbm4b:s28+s2] =	stream.linear.scatter [tilespmem:s31], [sflag:$0x3], $0x80, $0x38;
	[tilespmem:$0xB600] =	vst v63  }
0x1b9: {  	s28 =	sadd.s32 $0x20, s26;
	s31 =	simm.s32 $0x8C90  }
0x1ba: {  	[hbm4b:s28+s2] =	stream.linear.scatter [tilespmem:s31], [sflag:$0x3], $0x80, $0x38;
	[tilespmem:$0xB600] =	vst v63  }
0x1bb: {  	s28 =	sadd.s32 $0x30, s26;
	s31 =	simm.s32 $0x8D18  }
0x1bc: {  	[hbm4b:s28+s2] =	stream.linear.scatter [tilespmem:s31], [sflag:$0x3], $0x80, $0x38;
	[tilespmem:$0xB600] =	vst v63  }
0x1bd: {  	s28 =	sadd.s32 $0x40, s26;
	s31 =	simm.s32 $0x8DA0  }
0x1be: {  	[hbm4b:s28+s2] =	stream.linear.scatter [tilespmem:s31], [sflag:$0x3], $0x80, $0x38;
	[tilespmem:$0xB600] =	vst v63  }
0x1bf: {  	s28 =	sadd.s32 $0x50, s26;
	s31 =	simm.s32 $0x8E28  }
0x1c0: {  	[hbm4b:s28+s2] =	stream.linear.scatter [tilespmem:s31], [sflag:$0x3], $0x80, $0x38;
	[tilespmem:$0xB600] =	vst v63  }
0x1c1: {  	s28 =	sadd.s32 $0x60, s26;
	s31 =	simm.s32 $0x8EB0  }
0x1c2: {  	[hbm4b:s28+s2] =	stream.linear.scatter [tilespmem:s31], [sflag:$0x3], $0x80, $0x38;
	[tilespmem:$0xB600] =	vst v63  }
0x1c3: {  	s25 =	sor.u32 $0x1C000, s25;
	s26 =	sadd.s32 $0x70, s26;
	s28 =	simm.s32 $0x8F38  }
0x1c4: {  	[hbm4b:s26+s2] =	stream.linear.scatter [tilespmem:s28], [sflag:$0x3], $0x80, $0x38;
	[tilespmem:$0xB600] =	vst v63  }
0x1c5: {  	s25 =	sadd.s32 s1, s25;
	s31 =	simm.s32 $0x8FC0  }
0x1c6: {  	[hbm4b:s25+s2] =	stream.linear.scatter [tilespmem:s31], [sflag:$0x3], $0x80, $0x38;
	[tilespmem:$0xB600] =	vst v63  }
0x1c7: {  	s28 =	simm.s32 $0x9048;
	s31 =	sadd.s32 $0x10, s25  }
0x1c8: {  	[hbm4b:s31+s2] =	stream.linear.scatter [tilespmem:s28], [sflag:$0x3], $0x80, $0x38;
	[tilespmem:$0xB600] =	vst v63  }
0x1c9: {  	s31 =	sadd.s32 $0x20, s25;
	s28 =	simm.s32 $0x90D0  }
0x1ca: {  	[hbm4b:s31+s2] =	stream.linear.scatter [tilespmem:s28], [sflag:$0x3], $0x80, $0x38;
	[tilespmem:$0xB600] =	vst v63  }
0x1cb: {  	s31 =	sadd.s32 $0x30, s25;
	s28 =	simm.s32 $0x9158  }
0x1cc: {  	[hbm4b:s31+s2] =	stream.linear.scatter [tilespmem:s28], [sflag:$0x3], $0x80, $0x38;
	[tilespmem:$0xB600] =	vst v63  }
0x1cd: {  	s31 =	sadd.s32 $0x40, s25;
	s28 =	simm.s32 $0x91E0  }
0x1ce: {  	[hbm4b:s31+s2] =	stream.linear.scatter [tilespmem:s28], [sflag:$0x3], $0x80, $0x38;
	[tilespmem:$0xB600] =	vst v63  }
0x1cf: {  	s31 =	sadd.s32 $0x50, s25;
	s28 =	simm.s32 $0x9268  }
0x1d0: {  	[hbm4b:s31+s2] =	stream.linear.scatter [tilespmem:s28], [sflag:$0x3], $0x80, $0x38;
	[tilespmem:$0xB600] =	vst v63  }
0x1d1: {  	s31 =	sadd.s32 $0x60, s25;
	s28 =	simm.s32 $0x92F0  }
0x1d2: {  	[hbm4b:s31+s2] =	stream.linear.scatter [tilespmem:s28], [sflag:$0x3], $0x80, $0x38;
	[tilespmem:$0xB600] =	vst v63  }
0x1d3: {  	p0 =	seq.s32 s23, $0x18;
	s25 =	sadd.s32 $0x70, s25;
	s31 =	simm.s32 $0x9378  }
0x1d4: {  	[hbm4b:s25+s2] =	stream.linear.scatter [tilespmem:s31], [sflag:$0x3], $0x80, $0x38;
	[tilespmem:$0xB600] =	vst v63  }
0x1d5: {  	s25 =	sshll.u32 @!p0 s23, $0x8  }
0x1d6: {  	s25 =	sand.u32 @!p0 $0x3FFFFF00, s25  }
0x1d7: {  	s26 =	simm.s32 @!p0 $0x80;
	s28 =	simm.s32 @!p0 $0x3200;
	s25 =	sadd.s32 @!p0 $0x1A00, s25  }
0x1d8: {  	[tilespmem:s28], [sflag:$0x1] =	stream.indirect.gather @!p0 [hbm4b:s5+s26], $0x40, s25, s26, $0xb8;
	[tilespmem:$0xB600] =	vst v63  }
0x1d9: {  	s26 =	sadd.s32 s20, s24;
	_ =	swait.ge [sflag:s29], $0x2000  }
0x1da: {  	p0 =	seq.s32 s26, $0x1;
	[sflag:s29] =	ssyncset.done $0x0  }
0x1db: {  	s25 =	simm.s32 @!p0 $0x4;
	[sflag:s29] =	ssyncadd.s32 $0xFFFFE000  }
0x1dc: {  	_ =	swait.ge @!p0 [sflag:s25], $0x400  }
0x1dd: {  	[sflag:s25] =	ssyncset.done @!p0 $0x0  }
0x1de: {  	[sflag:s25] =	ssyncadd.s32 @!p0 $0xFFFFFC00  }
0x1df: {  	_ =	swait.ge @!p0 [sflag:s25], $0x400  }
0x1e0: {  	[sflag:s25] =	ssyncset.done @!p0 $0x0  }
0x1e1: {  	[sflag:s25] =	ssyncadd.s32 @!p0 $0xFFFFFC00  }
0x1e2: {  	_ =	swait.ge @!p0 [sflag:s25], $0x400  }
0x1e3: {  	[sflag:s25] =	ssyncset.done @!p0 $0x0  }
0x1e4: {  	[sflag:s25] =	ssyncadd.s32 @!p0 $0xFFFFFC00  }
0x1e5: {  	_ =	swait.ge @!p0 [sflag:s25], $0x400  }
0x1e6: {  	[sflag:s25] =	ssyncset.done @!p0 $0x0  }
0x1e7: {  	[sflag:s25] =	ssyncadd.s32 @!p0 $0xFFFFFC00  }
0x1e8: {  	_ =	swait.ge @!p0 [sflag:s25], $0x400  }
0x1e9: {  	[sflag:s25] =	ssyncset.done @!p0 $0x0  }
0x1ea: {  	[sflag:s25] =	ssyncadd.s32 @!p0 $0xFFFFFC00  }
0x1eb: {  	s31 =	simm.s32 $0x0;
	_ =	swait.ge @!p0 [sflag:s25], $0x400  }
0x1ec: {  	v57 =	vmov s31;
	s31 =	simm.s32 $0x3;
	[sflag:s25] =	ssyncset.done @!p0 $0x0  }
0x1ed: {  	v60 =	vmov s31;
	s31 =	simm.s32 $0x4;
	s28 =	simm.s32 $0x2;
	[sflag:s25] =	ssyncadd.s32 @!p0 $0xFFFFFC00  }
0x1ee: {  	v34 =	vshrl.u32 v57, $0x3;
	v61 =	vmov s31;
	v59 =	vmov s28;
	s28 =	simm.s32 $0x7;
	_ =	swait.ge @!p0 [sflag:s25], $0x400  }
0x1ef: {  	s31 =	simm.s32 $0x5;
	v34 =	vshll.u32 v34, v2;
	v37 =	vshrl.u32 v60, $0x3;
	s26 =	simm.s32 $0x1;
	v62 =	vmov s28;
	[sflag:s25] =	ssyncset.done @!p0 $0x0  }
0x1f0: {  	v63 =	vmov s31;
	v58 =	vmov s26;
	v39 =	vshrl.u32 v62, $0x3;
	[sflag:s25] =	ssyncadd.s32 @!p0 $0xFFFFFC00  }
0x1f1: {  	v38 =	vshrl.u32 v61, $0x3;
	v35 =	vshrl.u32 v58, $0x3;
	v39 =	vshll.u32 v39, v2;
	_ =	swait.ge @!p0 [sflag:s25], $0x400  }
0x1f2: {  	v34 =	vbroadcast v34, $0x0;
	v35 =	vshll.u32 v35, v2;
	v39 =	vbroadcast v39, $0x0;
	[sflag:s25] =	ssyncset.done @!p0 $0x0  }
0x1f3: {  	s31 =	simm.s32 $0x6;
	v57 =	vshll.u32 v37, v2;
	v36 =	vshrl.u32 v59, $0x3;
	v46 =	vbroadcast v35, $0x0;
	[sflag:s25] =	ssyncadd.s32 @!p0 $0xFFFFFC00;
	s25 =	simm.s32 $0x5300  }
0x1f4: {  	v41 =	vmov s31;
	v56 =	vshll.u32 v36, v2;
	v43 =	vadd.s32 v30, v39;
	v42 =	vld [tilespmem:s25+$0xC0]  }
0x1f5: {  	v59 =	vshll.u32 v38, v2;
	v53 =	vbroadcast v56, $0x0;
	v58 =	vadd.s32 v6, v46;
	v47 =	vld [tilespmem:s25+$0xFFFFFF40]  }
0x1f6: {  	v61 =	vshrl.u32 v63, $0x3;
	v45 =	vadd.s32 v0, v34;
	v36 =	vbroadcast v57, $0x0;
	v44 =	vld [tilespmem:s25+$0xFFFFFF00]  }
0x1f7: {  	v37 =	vshll.u32 v61, v2;
	v35 =	vbroadcast v59, $0x0;
	v60 =	vadd.s32 v10, v53;
	v49 =	vld [tilespmem:s25+$0xFFFFFF80]  }
0x1f8: {  	v41 =	vshrl.u32 v41, $0x3;
	v38 =	vbroadcast v37, $0x0;
	v63 =	vadd.s32 v14, v36;
	v62 =	vld [tilespmem:s25+$0xFFFFFFC0]  }
0x1f9: {  	v56 =	vshll.u32 v41, v2;
	v54 =	vadd.s32 v18, v35;
	v52 =	vld [tilespmem:s25+$0x0];
	[tilespmem:v43+s30+$0x0] =	vst.idx.msk $0xffff, v42  }
0x1fa: {  	v37 =	vbroadcast v56, $0x0;
	v59 =	vadd.s32 v22, v38;
	[tilespmem:v58+s30+$0x0] =	vst.idx.msk $0xffff, v47;
	v58 =	vld [tilespmem:s25+$0x40]  }
0x1fb: {  	v57 =	vadd.s32 v31, v39;
	[tilespmem:v45+s30+$0x0] =	vst.idx.msk $0xffff, v44;
	v41 =	vld [tilespmem:s25+$0xD0]  }
0x1fc: {  	[tilespmem:v60+s30+$0x0] =	vst.idx.msk $0xffff, v49;
	v45 =	vld [tilespmem:s25+$0x80];
	v60 =	vadd.s32 v26, v37  }
0x1fd: {  	v61 =	vadd.s32 v7, v46;
	[tilespmem:v63+s30+$0x0] =	vst.idx.msk $0xffff, v62;
	v48 =	vld [tilespmem:s25+$0xFFFFFF50]  }
0x1fe: {  	v63 =	vadd.s32 v11, v53;
	[tilespmem:v54+s30+$0x0] =	vst.idx.msk $0xffff, v52;
	v62 =	vld [tilespmem:s25+$0xFFFFFF90]  }
0x1ff: {  	v56 =	vadd.s32 v15, v36;
	v51 =	vld [tilespmem:s25+$0xFFFFFFD0];
	[tilespmem:v59+s30+$0x0] =	vst.idx.msk $0xffff, v58  }
0x200: {  	v58 =	vld [tilespmem:s25+$0x10];
	v59 =	vadd.s32 v19, v35;
	[tilespmem:v57+s30+$0x0] =	vst.idx.msk $0xffff, v41  }
0x201: {  	[tilespmem:v60+s30+$0x0] =	vst.idx.msk $0xffff, v45;
	v57 =	vadd.s32 v32, v39;
	v41 =	vld [tilespmem:s25+$0xE0]  }
0x202: {  	v47 =	vadd.s32 v23, v38;
	[tilespmem:v61+s30+$0x0] =	vst.idx.msk $0xffff, v48;
	v45 =	vld [tilespmem:s25+$0x50]  }
0x203: {  	v60 =	vadd.s32 v27, v37;
	[tilespmem:v63+s30+$0x0] =	vst.idx.msk $0xffff, v62;
	v63 =	vld [tilespmem:s25+$0x90]  }
0x204: {  	v61 =	vld [tilespmem:s25+$0xFFFFFF10];
	v62 =	vadd.s32 v3, v34;
	[tilespmem:v56+s30+$0x0] =	vst.idx.msk $0xffff, v51  }
0x205: {  	v52 =	vadd.s32 v8, v46;
	v51 =	vld [tilespmem:s25+$0xFFFFFF60];
	[tilespmem:v59+s30+$0x0] =	vst.idx.msk $0xffff, v58  }
0x206: {  	v58 =	vld [tilespmem:s25+$0xFFFFFFE0];
	v59 =	vadd.s32 v16, v36;
	[tilespmem:v57+s30+$0x0] =	vst.idx.msk $0xffff, v41  }
0x207: {  	v39 =	vadd.s32 v33, v39;
	[tilespmem:v47+s30+$0x0] =	vst.idx.msk $0xffff, v45;
	v55 =	vld [tilespmem:s25+$0xF0]  }
0x208: {  	v56 =	vld [tilespmem:s25+$0xFFFFFFA0];
	[tilespmem:v60+s30+$0x0] =	vst.idx.msk $0xffff, v63;
	v57 =	vadd.s32 v12, v53  }
0x209: {  	s31 =	simm.s32 $0x8;
	[tilespmem:v62+s30+$0x0] =	vst.idx.msk $0xffff, v61;
	v60 =	vld [tilespmem:s25+$0x20];
	v61 =	vadd.s32 v20, v35  }
0x20a: {  	v42 =	vadd.s32 v24, v38;
	v63 =	vmov s31;
	s31 =	simm.s32 $0x9;
	[tilespmem:v52+s30+$0x0] =	vst.idx.msk $0xffff, v51;
	v41 =	vld [tilespmem:s25+$0x60]  }
0x20b: {  	s28 =	simm.s32 $0xB;
	v44 =	vadd.s32 v28, v37;
	v49 =	vadd.s32 v4, v34;
	v54 =	vmov s31;
	s31 =	simm.s32 $0xA;
	v43 =	vld [tilespmem:s25+$0xA0];
	[tilespmem:v59+s30+$0x0] =	vst.idx.msk $0xffff, v58  }
0x20c: {  	v45 =	vmov s28;
	v40 =	vshrl.u32 v63, $0x3;
	v47 =	vld [tilespmem:s25+$0xFFFFFF20];
	[tilespmem:v39+s30+$0x0] =	vst.idx.msk $0xffff, v55;
	v55 =	vmov s31;
	s31 =	simm.s32 $0xC  }
0x20d: {  	s28 =	simm.s32 $0xD;
	v52 =	vadd.s32 v9, v46;
	v53 =	vadd.s32 v13, v53;
	v50 =	vld [tilespmem:s25+$0xFFFFFF70];
	[tilespmem:v57+s30+$0x0] =	vst.idx.msk $0xffff, v56;
	v48 =	vmov s31;
	s31 =	simm.s32 $0xE  }
0x20e: {  	s26 =	simm.s32 $0x10;
	v46 =	vshll.u32 v40, v2;
	[tilespmem:v61+s30+$0x0] =	vst.idx.msk $0xffff, v60;
	v39 =	vmov s28;
	s28 =	simm.s32 $0xF;
	v51 =	vld [tilespmem:s25+$0xFFFFFFB0];
	v40 =	vmov s31  }
.LBB2_8:
0x20f: {  	p0 =	slt.u32 s26, $0x78;
	v54 =	vshrl.u32 v54, $0x3;
	v56 =	vmov s28;
	v57 =	vld [tilespmem:s25+$0xFFFFFFF0];
	v36 =	vadd.s32 v17, v36;
	[tilespmem:v42+s30+$0x0] =	vst.idx.msk $0xffff, v41  }
0x210: {  	v41 =	vshrl.u32 v55, $0x3;
	v35 =	vadd.s32 v21, v35;
	v42 =	vshrl.u32 v56, $0x3;
	v55 =	vld [tilespmem:s25+$0x30];
	[tilespmem:v44+s30+$0x0] =	vst.idx.msk $0xffff, v43  }
0x211: {  	v38 =	vadd.s32 v25, v38;
	v43 =	vshrl.u32 v45, $0x3;
	v42 =	vshll.u32 v42, v2;
	[tilespmem:v49+s30+$0x0] =	vst.idx.msk $0xffff, v47;
	v44 =	vld [tilespmem:s25+$0x70]  }
0x212: {  	v37 =	vadd.s32 v29, v37;
	v45 =	vshrl.u32 v48, $0x3;
	v42 =	vbroadcast v42, $0x0;
	[tilespmem:v52+s30+$0x0] =	vst.idx.msk $0xffff, v50;
	v47 =	vld [tilespmem:s25+$0xB0]  }
0x213: {  	v48 =	vshll.u32 v54, v2;
	v50 =	vadd.s32 v5, v34;
	v34 =	vbroadcast v46, $0x0;
	v49 =	vld [tilespmem:s25+$0xFFFFFF30];
	[tilespmem:v53+s30+$0x0] =	vst.idx.msk $0xffff, v51;
	s25 =	sadd.s32 $0x200, s25  }
0x214: {  	v41 =	vshll.u32 v41, v2;
	v46 =	vbroadcast v48, $0x0;
	v48 =	vld [tilespmem:s25+$0xC0];
	v51 =	vadd.s32 v30, v42;
	[tilespmem:v36+s30+$0x0] =	vst.idx.msk $0xffff, v57  }
0x215: {  	v56 =	vbroadcast v41, $0x0;
	v53 =	vadd.s32 v0, v34;
	v36 =	vshll.u32 v43, v2;
	v52 =	vld [tilespmem:s25+$0xFFFFFF00];
	[tilespmem:v35+s30+$0x0] =	vst.idx.msk $0xffff, v55  }
0x216: {  	v43 =	vadd.s32 v6, v46;
	v36 =	vbroadcast v36, $0x0;
	v35 =	vshll.u32 v45, v2;
	v41 =	vld [tilespmem:s25+$0xFFFFFF40];
	[tilespmem:v38+s30+$0x0] =	vst.idx.msk $0xffff, v44  }
0x217: {  	v45 =	vadd.s32 v10, v56;
	v35 =	vbroadcast v35, $0x0;
	v38 =	vshrl.u32 v39, $0x3;
	v44 =	vld [tilespmem:s25+$0xFFFFFF80];
	[tilespmem:v37+s30+$0x0] =	vst.idx.msk $0xffff, v47  }
0x218: {  	v40 =	vshrl.u32 v40, $0x3;
	v47 =	vadd.s32 v14, v36;
	v37 =	vshll.u32 v38, v2;
	v39 =	vld [tilespmem:s25+$0xFFFFFFC0];
	[tilespmem:v50+s30+$0x0] =	vst.idx.msk $0xffff, v49  }
0x219: {  	v50 =	vadd.s32 v18, v35;
	v38 =	vbroadcast v37, $0x0;
	v37 =	vshll.u32 v40, v2;
	v49 =	vld [tilespmem:s25+$0x0];
	[tilespmem:v51+s30+$0x0] =	vst.idx.msk $0xffff, v48  }
0x21a: {  	v37 =	vbroadcast v37, $0x0;
	v48 =	vadd.s32 v31, v42;
	[tilespmem:v53+s30+$0x0] =	vst.idx.msk $0xffff, v52;
	v40 =	vld [tilespmem:s25+$0xD0]  }
0x21b: {  	[tilespmem:v43+s30+$0x0] =	vst.idx.msk $0xffff, v41;
	v41 =	vld [tilespmem:s25+$0x40];
	v43 =	vadd.s32 v22, v38  }
0x21c: {  	[tilespmem:v45+s30+$0x0] =	vst.idx.msk $0xffff, v44;
	v44 =	vld [tilespmem:s25+$0x80];
	v45 =	vadd.s32 v26, v37  }
0x21d: {  	v52 =	vadd.s32 v7, v46;
	v51 =	vld [tilespmem:s25+$0xFFFFFF50];
	[tilespmem:v47+s30+$0x0] =	vst.idx.msk $0xffff, v39  }
0x21e: {  	v47 =	vadd.s32 v11, v56;
	v39 =	vld [tilespmem:s25+$0xFFFFFF90];
	[tilespmem:v50+s30+$0x0] =	vst.idx.msk $0xffff, v49  }
0x21f: {  	v50 =	vadd.s32 v15, v36;
	v49 =	vld [tilespmem:s25+$0xFFFFFFD0];
	[tilespmem:v48+s30+$0x0] =	vst.idx.msk $0xffff, v40  }
0x220: {  	[tilespmem:v43+s30+$0x0] =	vst.idx.msk $0xffff, v41;
	v40 =	vld [tilespmem:s25+$0xE0];
	v41 =	vadd.s32 v32, v42  }
0x221: {  	v48 =	vadd.s32 v19, v35;
	v43 =	vld [tilespmem:s25+$0x10];
	[tilespmem:v45+s30+$0x0] =	vst.idx.msk $0xffff, v44  }
0x222: {  	v45 =	vadd.s32 v23, v38;
	[tilespmem:v52+s30+$0x0] =	vst.idx.msk $0xffff, v51;
	v44 =	vld [tilespmem:s25+$0x50]  }
0x223: {  	[tilespmem:v47+s30+$0x0] =	vst.idx.msk $0xffff, v39;
	v39 =	vld [tilespmem:s25+$0x90];
	v47 =	vadd.s32 v27, v37  }
0x224: {  	v52 =	vadd.s32 v3, v34;
	v51 =	vld [tilespmem:s25+$0xFFFFFF10];
	[tilespmem:v50+s30+$0x0] =	vst.idx.msk $0xffff, v49  }
0x225: {  	v50 =	vadd.s32 v8, v46;
	v49 =	vld [tilespmem:s25+$0xFFFFFF60];
	[tilespmem:v41+s30+$0x0] =	vst.idx.msk $0xffff, v40  }
0x226: {  	[tilespmem:v48+s30+$0x0] =	vst.idx.msk $0xffff, v43;
	v40 =	vld [tilespmem:s25+$0xF0];
	v48 =	vadd.s32 v33, v42  }
0x227: {  	v57 =	vadd.s32 v12, v56;
	v53 =	vld [tilespmem:s25+$0xFFFFFFA0];
	[tilespmem:v45+s30+$0x0] =	vst.idx.msk $0xffff, v44  }
0x228: {  	v59 =	vadd.s32 v16, v36;
	v58 =	vld [tilespmem:s25+$0xFFFFFFE0];
	[tilespmem:v47+s30+$0x0] =	vst.idx.msk $0xffff, v39  }
0x229: {  	v61 =	vadd.s32 v20, v35;
	[tilespmem:v52+s30+$0x0] =	vst.idx.msk $0xffff, v51;
	v60 =	vld [tilespmem:s25+$0x20]  }
.Ltmp2:
0x22a: {  	s28 =	sadd.s32 $0x1, s26;
	v42 =	vadd.s32 v24, v38;
	v39 =	vmov s26;
	[tilespmem:v50+s30+$0x0] =	vst.idx.msk $0xffff, v49;
	v41 =	vld [tilespmem:s25+$0x60];
	(pc) =	sbr.rel @p0 .LBB2_8-.Ltmp2, $4  }
0x22b: {  	s31 =	sadd.s32 $0x3, s26;
	v54 =	vmov s28;
	s28 =	sadd.s32 $0x2, s26;
	v44 =	vadd.s32 v28, v37;
	v51 =	vshrl.u32 v39, $0x3;
	v43 =	vld [tilespmem:s25+$0xA0];
	[tilespmem:v48+s30+$0x0] =	vst.idx.msk $0xffff, v40  }
0x22c: {  	v55 =	vmov s28;
	s28 =	sadd.s32 $0x4, s26;
	v45 =	vmov s31;
	s31 =	sadd.s32 $0x5, s26;
	v49 =	vadd.s32 v4, v34;
	v47 =	vld [tilespmem:s25+$0xFFFFFF20];
	[tilespmem:v57+s30+$0x0] =	vst.idx.msk $0xffff, v53  }
0x22d: {  	v39 =	vmov s31;
	v52 =	vadd.s32 v9, v46;
	v48 =	vmov s28;
	s28 =	sadd.s32 $0x6, s26;
	v50 =	vld [tilespmem:s25+$0xFFFFFF70];
	[tilespmem:v59+s30+$0x0] =	vst.idx.msk $0xffff, v58  }
0x22e: {  	v46 =	vshll.u32 v51, v2;
	v40 =	vmov s28;
	s28 =	sadd.s32 $0x7, s26;
	s26 =	sadd.s32 $0x8, s26;
	v53 =	vadd.s32 v13, v56;
	v51 =	vld [tilespmem:s25+$0xFFFFFFB0];
	[tilespmem:v61+s30+$0x0] =	vst.idx.msk $0xffff, v60  }
0x22f: {  	_ =	sdelay $0x2  }
0x230: {  	v54 =	vshrl.u32 v54, $0x3;
	v56 =	vmov s28  }
0x231: {  	v57 =	vld [tilespmem:s25+$0xFFFFFFF0];
	v36 =	vadd.s32 v17, v36;
	[tilespmem:v42+s30+$0x0] =	vst.idx.msk $0xffff, v41;
	v60 =	vshrl.u32 v55, $0x3;
	v35 =	vadd.s32 v21, v35  }
0x232: {  	v62 =	vld [tilespmem:s25+$0x30];
	v63 =	vshrl.u32 v45, $0x3;
	v38 =	vadd.s32 v25, v38;
	v45 =	vshrl.u32 v48, $0x3;
	[tilespmem:v44+s30+$0x0] =	vst.idx.msk $0xffff, v43  }
0x233: {  	v37 =	vadd.s32 v29, v37;
	v46 =	vbroadcast v46, $0x0;
	v34 =	vadd.s32 v5, v34;
	v44 =	vld [tilespmem:s25+$0x70];
	[tilespmem:v49+s30+$0x0] =	vst.idx.msk $0xffff, v47  }
0x234: {  	s28 =	sadd.s32 $0x200, s25;
	v39 =	vshrl.u32 v39, $0x3;
	v61 =	vshrl.u32 v56, $0x3;
	v41 =	vshll.u32 v60, v2;
	v47 =	vld [tilespmem:s25+$0xB0];
	[tilespmem:v52+s30+$0x0] =	vst.idx.msk $0xffff, v50  }
0x235: {  	v60 =	vld [tilespmem:s28+$0xFFFFFF00];
	v42 =	vshll.u32 v61, v2;
	v61 =	vadd.s32 v0, v46;
	v41 =	vbroadcast v41, $0x0;
	[tilespmem:v53+s30+$0x0] =	vst.idx.msk $0xffff, v51  }
0x236: {  	v40 =	vshrl.u32 v40, $0x3;
	v56 =	vshll.u32 v54, v2;
	v42 =	vbroadcast v42, $0x0;
	v49 =	vld [tilespmem:s25+$0xFFFFFF30];
	[tilespmem:v36+s30+$0x0] =	vst.idx.msk $0xffff, v57  }
0x237: {  	v43 =	vshll.u32 v63, v2;
	v54 =	vld [tilespmem:s28+$0xFFFFFF80];
	v48 =	vbroadcast v56, $0x0;
	v55 =	vadd.s32 v10, v41;
	[tilespmem:v35+s30+$0x0] =	vst.idx.msk $0xffff, v62  }
0x238: {  	v58 =	vld [tilespmem:s28+$0xC0];
	v40 =	vshll.u32 v40, v2;
	v43 =	vbroadcast v43, $0x0;
	v59 =	vadd.s32 v30, v42;
	[tilespmem:v38+s30+$0x0] =	vst.idx.msk $0xffff, v44  }
0x239: {  	v45 =	vshll.u32 v45, v2;
	v63 =	vadd.s32 v6, v48;
	v62 =	vld [tilespmem:s28+$0xFFFFFF40];
	v36 =	vbroadcast v40, $0x0;
	[tilespmem:v37+s30+$0x0] =	vst.idx.msk $0xffff, v47  }
0x23a: {  	v39 =	vshll.u32 v39, v2;
	v45 =	vbroadcast v45, $0x0;
	v37 =	vld [tilespmem:s28+$0xFFFFFFC0];
	v47 =	vadd.s32 v14, v43;
	[tilespmem:v61+s30+$0x0] =	vst.idx.msk $0xffff, v60  }
0x23b: {  	v39 =	vbroadcast v39, $0x0;
	v60 =	vld [tilespmem:s28+$0x80];
	v61 =	vadd.s32 v26, v36;
	[tilespmem:v34+s30+$0x0] =	vst.idx.msk $0xffff, v49  }
0x23c: {  	v34 =	vld [tilespmem:s28+$0x0];
	v49 =	vadd.s32 v18, v45;
	[tilespmem:v55+s30+$0x0] =	vst.idx.msk $0xffff, v54  }
0x23d: {  	[tilespmem:v59+s30+$0x0] =	vst.idx.msk $0xffff, v58;
	v58 =	vld [tilespmem:s28+$0x40];
	v59 =	vadd.s32 v22, v39  }
0x23e: {  	v57 =	vadd.s32 v31, v42;
	[tilespmem:v63+s30+$0x0] =	vst.idx.msk $0xffff, v62;
	v56 =	vld [tilespmem:s28+$0xD0]  }
0x23f: {  	v63 =	vadd.s32 v7, v48;
	v62 =	vld [tilespmem:s28+$0xFFFFFF50];
	[tilespmem:v47+s30+$0x0] =	vst.idx.msk $0xffff, v37  }
0x240: {  	v55 =	vadd.s32 v11, v41;
	v54 =	vld [tilespmem:s28+$0xFFFFFF90];
	[tilespmem:v61+s30+$0x0] =	vst.idx.msk $0xffff, v60  }
0x241: {  	[tilespmem:v49+s30+$0x0] =	vst.idx.msk $0xffff, v34;
	v34 =	vld [tilespmem:s28+$0xFFFFFFD0];
	v49 =	vadd.s32 v15, v43  }
0x242: {  	v61 =	vadd.s32 v27, v36;
	v60 =	vld [tilespmem:s28+$0x90];
	[tilespmem:v59+s30+$0x0] =	vst.idx.msk $0xffff, v58  }
0x243: {  	[tilespmem:v57+s30+$0x0] =	vst.idx.msk $0xffff, v56;
	v56 =	vld [tilespmem:s28+$0x10];
	v57 =	vadd.s32 v19, v45  }
0x244: {  	[tilespmem:v63+s30+$0x0] =	vst.idx.msk $0xffff, v62;
	v62 =	vld [tilespmem:s28+$0xFFFFFF10];
	v63 =	vadd.s32 v3, v46  }
0x245: {  	v40 =	vadd.s32 v32, v42;
	[tilespmem:v55+s30+$0x0] =	vst.idx.msk $0xffff, v54;
	v35 =	vld [tilespmem:s28+$0xE0]  }
0x246: {  	v59 =	vadd.s32 v23, v39;
	v58 =	vld [tilespmem:s28+$0x50];
	[tilespmem:v49+s30+$0x0] =	vst.idx.msk $0xffff, v34  }
0x247: {  	v55 =	vadd.s32 v8, v48;
	v54 =	vld [tilespmem:s28+$0xFFFFFF60];
	[tilespmem:v61+s30+$0x0] =	vst.idx.msk $0xffff, v60  }
0x248: {  	[tilespmem:v57+s30+$0x0] =	vst.idx.msk $0xffff, v56;
	v56 =	vld [tilespmem:s28+$0xFFFFFFE0];
	v57 =	vadd.s32 v16, v43  }
0x249: {  	[tilespmem:v63+s30+$0x0] =	vst.idx.msk $0xffff, v62;
	v62 =	vld [tilespmem:s28+$0xA0];
	v63 =	vadd.s32 v28, v36  }
0x24a: {  	v50 =	vadd.s32 v12, v41;
	[tilespmem:v40+s30+$0x0] =	vst.idx.msk $0xffff, v35;
	v40 =	vadd.s32 v33, v42;
	v42 =	vld [tilespmem:s28+$0xFFFFFFA0]  }
0x24b: {  	[tilespmem:v59+s30+$0x0] =	vst.idx.msk $0xffff, v58;
	v59 =	vadd.s32 v20, v45;
	v58 =	vld [tilespmem:s28+$0x20]  }
0x24c: {  	v61 =	vadd.s32 v24, v39;
	[tilespmem:v55+s30+$0x0] =	vst.idx.msk $0xffff, v54;
	v60 =	vld [tilespmem:s28+$0x60]  }
0x24d: {  	v53 =	vld [tilespmem:s28+$0xFFFFFF20];
	v54 =	vadd.s32 v4, v46;
	[tilespmem:v57+s30+$0x0] =	vst.idx.msk $0xffff, v56  }
0x24e: {  	v35 =	vld [tilespmem:s28+$0xF0];
	[tilespmem:v63+s30+$0x0] =	vst.idx.msk $0xffff, v62  }
0x24f: {  	v48 =	vadd.s32 v9, v48;
	v55 =	vld [tilespmem:s28+$0xFFFFFF70];
	[tilespmem:v50+s30+$0x0] =	vst.idx.msk $0xffff, v42  }
0x250: {  	v43 =	vadd.s32 v17, v43;
	[tilespmem:v59+s30+$0x0] =	vst.idx.msk $0xffff, v58;
	v57 =	vld [tilespmem:s28+$0xFFFFFFF0]  }
0x251: {  	v36 =	vadd.s32 v29, v36;
	[tilespmem:v61+s30+$0x0] =	vst.idx.msk $0xffff, v60;
	v61 =	vld [tilespmem:s28+$0xB0]  }
0x252: {  	v41 =	vadd.s32 v13, v41;
	[tilespmem:v54+s30+$0x0] =	vst.idx.msk $0xffff, v53;
	v56 =	vld [tilespmem:s28+$0xFFFFFFB0]  }
0x253: {  	v59 =	vadd.s32 v21, v45;
	[tilespmem:v40+s30+$0x0] =	vst.idx.msk $0xffff, v35;
	v58 =	vld [tilespmem:s28+$0x30]  }
0x254: {  	v39 =	vadd.s32 v25, v39;
	v60 =	vld [tilespmem:s28+$0x70];
	[tilespmem:v48+s30+$0x0] =	vst.idx.msk $0xffff, v55  }
0x255: {  	v63 =	vadd.s32 v5, v46;
	v62 =	vld [tilespmem:s28+$0xFFFFFF30];
	[tilespmem:v43+s30+$0x0] =	vst.idx.msk $0xffff, v57  }
0x256: {  	[tilespmem:v36+s30+$0x0] =	vst.idx.msk $0xffff, v61  }
0x257: {  	s24 =	sshll.u32 s24, $0x14;
	[tilespmem:v41+s30+$0x0] =	vst.idx.msk $0xffff, v56  }
0x258: {  	s24 =	sadd.s32 s21, s24;
	[tilespmem:v59+s30+$0x0] =	vst.idx.msk $0xffff, v58  }
0x259: {  	s24 =	sshrl.u32 s24, $0x3;
	[tilespmem:v39+s30+$0x0] =	vst.idx.msk $0xffff, v60  }
0x25a: {  	s25 =	sadd.s32 s1, s24;
	[tilespmem:v63+s30+$0x0] =	vst.idx.msk $0xffff, v62  }
0x25b: {  	[hbm4b:s25+s2] =	stream.linear.scatter [tilespmem:s30], [sflag:$0x4], $0x80, $0x38;
	[tilespmem:$0xB600] =	vst v63  }
0x25c: {  	s31 =	simm.s32 $0x9488;
	s26 =	sadd.s32 $0x10, s25  }
0x25d: {  	[hbm4b:s26+s2] =	stream.linear.scatter [tilespmem:s31], [sflag:$0x4], $0x80, $0x38;
	[tilespmem:$0xB600] =	vst v63  }
0x25e: {  	s26 =	sadd.s32 $0x20, s25;
	s31 =	simm.s32 $0x9510  }
0x25f: {  	[hbm4b:s26+s2] =	stream.linear.scatter [tilespmem:s31], [sflag:$0x4], $0x80, $0x38;
	[tilespmem:$0xB600] =	vst v63  }
0x260: {  	s26 =	sadd.s32 $0x30, s25;
	s31 =	simm.s32 $0x9598  }
0x261: {  	[hbm4b:s26+s2] =	stream.linear.scatter [tilespmem:s31], [sflag:$0x4], $0x80, $0x38;
	[tilespmem:$0xB600] =	vst v63  }
0x262: {  	s26 =	sadd.s32 $0x40, s25;
	s31 =	simm.s32 $0x9620  }
0x263: {  	[hbm4b:s26+s2] =	stream.linear.scatter [tilespmem:s31], [sflag:$0x4], $0x80, $0x38;
	[tilespmem:$0xB600] =	vst v63  }
0x264: {  	s26 =	sadd.s32 $0x50, s25;
	s31 =	simm.s32 $0x96A8  }
0x265: {  	[hbm4b:s26+s2] =	stream.linear.scatter [tilespmem:s31], [sflag:$0x4], $0x80, $0x38;
	[tilespmem:$0xB600] =	vst v63  }
0x266: {  	s26 =	sadd.s32 $0x60, s25;
	s31 =	simm.s32 $0x9730  }
0x267: {  	[hbm4b:s26+s2] =	stream.linear.scatter [tilespmem:s31], [sflag:$0x4], $0x80, $0x38;
	[tilespmem:$0xB600] =	vst v63  }
0x268: {  	s25 =	sadd.s32 $0x70, s25;
	s31 =	simm.s32 $0x97B8;
	s26 =	sor.u32 $0x4000, s24  }
0x269: {  	[hbm4b:s25+s2] =	stream.linear.scatter [tilespmem:s31], [sflag:$0x4], $0x80, $0x38;
	[tilespmem:$0xB600] =	vst v63  }
0x26a: {  	s28 =	simm.s32 $0x9840;
	s25 =	sadd.s32 s1, s26  }
0x26b: {  	[hbm4b:s25+s2] =	stream.linear.scatter [tilespmem:s28], [sflag:$0x4], $0x80, $0x38;
	[tilespmem:$0xB600] =	vst v63  }
0x26c: {  	s31 =	simm.s32 $0x98C8;
	s26 =	sadd.s32 $0x10, s25  }
0x26d: {  	[hbm4b:s26+s2] =	stream.linear.scatter [tilespmem:s31], [sflag:$0x4], $0x80, $0x38;
	[tilespmem:$0xB600] =	vst v63  }
0x26e: {  	s26 =	sadd.s32 $0x20, s25;
	s31 =	simm.s32 $0x9950  }
0x26f: {  	[hbm4b:s26+s2] =	stream.linear.scatter [tilespmem:s31], [sflag:$0x4], $0x80, $0x38;
	[tilespmem:$0xB600] =	vst v63  }
0x270: {  	s26 =	sadd.s32 $0x30, s25;
	s31 =	simm.s32 $0x99D8  }
0x271: {  	[hbm4b:s26+s2] =	stream.linear.scatter [tilespmem:s31], [sflag:$0x4], $0x80, $0x38;
	[tilespmem:$0xB600] =	vst v63  }
0x272: {  	s26 =	sadd.s32 $0x40, s25;
	s31 =	simm.s32 $0x9A60  }
0x273: {  	[hbm4b:s26+s2] =	stream.linear.scatter [tilespmem:s31], [sflag:$0x4], $0x80, $0x38;
	[tilespmem:$0xB600] =	vst v63  }
0x274: {  	s26 =	sadd.s32 $0x50, s25;
	s31 =	simm.s32 $0x9AE8  }
0x275: {  	[hbm4b:s26+s2] =	stream.linear.scatter [tilespmem:s31], [sflag:$0x4], $0x80, $0x38;
	[tilespmem:$0xB600] =	vst v63  }
0x276: {  	s26 =	sadd.s32 $0x60, s25;
	s31 =	simm.s32 $0x9B70  }
0x277: {  	[hbm4b:s26+s2] =	stream.linear.scatter [tilespmem:s31], [sflag:$0x4], $0x80, $0x38;
	[tilespmem:$0xB600] =	vst v63  }
0x278: {  	s25 =	sadd.s32 $0x70, s25;
	s31 =	simm.s32 $0x9BF8;
	s26 =	sor.u32 $0x8000, s24  }
0x279: {  	[hbm4b:s25+s2] =	stream.linear.scatter [tilespmem:s31], [sflag:$0x4], $0x80, $0x38;
	[tilespmem:$0xB600] =	vst v63  }
0x27a: {  	s28 =	simm.s32 $0x9C80;
	s25 =	sadd.s32 s1, s26  }
0x27b: {  	[hbm4b:s25+s2] =	stream.linear.scatter [tilespmem:s28], [sflag:$0x4], $0x80, $0x38;
	[tilespmem:$0xB600] =	vst v63  }
0x27c: {  	s31 =	simm.s32 $0x9D08;
	s26 =	sadd.s32 $0x10, s25  }
0x27d: {  	[hbm4b:s26+s2] =	stream.linear.scatter [tilespmem:s31], [sflag:$0x4], $0x80, $0x38;
	[tilespmem:$0xB600] =	vst v63  }
0x27e: {  	s26 =	sadd.s32 $0x20, s25;
	s31 =	simm.s32 $0x9D90  }
0x27f: {  	[hbm4b:s26+s2] =	stream.linear.scatter [tilespmem:s31], [sflag:$0x4], $0x80, $0x38;
	[tilespmem:$0xB600] =	vst v63  }
0x280: {  	s26 =	sadd.s32 $0x30, s25;
	s31 =	simm.s32 $0x9E18  }
0x281: {  	[hbm4b:s26+s2] =	stream.linear.scatter [tilespmem:s31], [sflag:$0x4], $0x80, $0x38;
	[tilespmem:$0xB600] =	vst v63  }
0x282: {  	s26 =	sadd.s32 $0x40, s25;
	s31 =	simm.s32 $0x9EA0  }
0x283: {  	[hbm4b:s26+s2] =	stream.linear.scatter [tilespmem:s31], [sflag:$0x4], $0x80, $0x38;
	[tilespmem:$0xB600] =	vst v63  }
0x284: {  	s26 =	sadd.s32 $0x50, s25;
	s31 =	simm.s32 $0x9F28  }
0x285: {  	[hbm4b:s26+s2] =	stream.linear.scatter [tilespmem:s31], [sflag:$0x4], $0x80, $0x38;
	[tilespmem:$0xB600] =	vst v63  }
0x286: {  	s26 =	sadd.s32 $0x60, s25;
	s31 =	simm.s32 $0x9FB0  }
0x287: {  	[hbm4b:s26+s2] =	stream.linear.scatter [tilespmem:s31], [sflag:$0x4], $0x80, $0x38;
	[tilespmem:$0xB600] =	vst v63  }
0x288: {  	s25 =	sadd.s32 $0x70, s25;
	s31 =	simm.s32 $0xA038;
	s26 =	sor.u32 $0xC000, s24  }
0x289: {  	[hbm4b:s25+s2] =	stream.linear.scatter [tilespmem:s31], [sflag:$0x4], $0x80, $0x38;
	[tilespmem:$0xB600] =	vst v63  }
0x28a: {  	s28 =	simm.s32 $0xA0C0;
	s25 =	sadd.s32 s1, s26  }
0x28b: {  	[hbm4b:s25+s2] =	stream.linear.scatter [tilespmem:s28], [sflag:$0x4], $0x80, $0x38;
	[tilespmem:$0xB600] =	vst v63  }
0x28c: {  	s31 =	simm.s32 $0xA148;
	s26 =	sadd.s32 $0x10, s25  }
0x28d: {  	[hbm4b:s26+s2] =	stream.linear.scatter [tilespmem:s31], [sflag:$0x4], $0x80, $0x38;
	[tilespmem:$0xB600] =	vst v63  }
0x28e: {  	s26 =	sadd.s32 $0x20, s25;
	s31 =	simm.s32 $0xA1D0  }
0x28f: {  	[hbm4b:s26+s2] =	stream.linear.scatter [tilespmem:s31], [sflag:$0x4], $0x80, $0x38;
	[tilespmem:$0xB600] =	vst v63  }
0x290: {  	s26 =	sadd.s32 $0x30, s25;
	s31 =	simm.s32 $0xA258  }
0x291: {  	[hbm4b:s26+s2] =	stream.linear.scatter [tilespmem:s31], [sflag:$0x4], $0x80, $0x38;
	[tilespmem:$0xB600] =	vst v63  }
0x292: {  	s26 =	sadd.s32 $0x40, s25;
	s31 =	simm.s32 $0xA2E0  }
0x293: {  	[hbm4b:s26+s2] =	stream.linear.scatter [tilespmem:s31], [sflag:$0x4], $0x80, $0x38;
	[tilespmem:$0xB600] =	vst v63  }
0x294: {  	s26 =	sadd.s32 $0x50, s25;
	s31 =	simm.s32 $0xA368  }
0x295: {  	[hbm4b:s26+s2] =	stream.linear.scatter [tilespmem:s31], [sflag:$0x4], $0x80, $0x38;
	[tilespmem:$0xB600] =	vst v63  }
0x296: {  	s26 =	sadd.s32 $0x60, s25;
	s31 =	simm.s32 $0xA3F0  }
0x297: {  	[hbm4b:s26+s2] =	stream.linear.scatter [tilespmem:s31], [sflag:$0x4], $0x80, $0x38;
	[tilespmem:$0xB600] =	vst v63  }
0x298: {  	s25 =	sadd.s32 $0x70, s25;
	s31 =	simm.s32 $0xA478;
	s26 =	sor.u32 $0x10000, s24  }
0x299: {  	[hbm4b:s25+s2] =	stream.linear.scatter [tilespmem:s31], [sflag:$0x4], $0x80, $0x38;
	[tilespmem:$0xB600] =	vst v63  }
0x29a: {  	s28 =	simm.s32 $0xA500;
	s25 =	sadd.s32 s1, s26  }
0x29b: {  	[hbm4b:s25+s2] =	stream.linear.scatter [tilespmem:s28], [sflag:$0x4], $0x80, $0x38;
	[tilespmem:$0xB600] =	vst v63  }
0x29c: {  	s31 =	simm.s32 $0xA588;
	s26 =	sadd.s32 $0x10, s25  }
0x29d: {  	[hbm4b:s26+s2] =	stream.linear.scatter [tilespmem:s31], [sflag:$0x4], $0x80, $0x38;
	[tilespmem:$0xB600] =	vst v63  }
0x29e: {  	s26 =	sadd.s32 $0x20, s25;
	s31 =	simm.s32 $0xA610  }
0x29f: {  	[hbm4b:s26+s2] =	stream.linear.scatter [tilespmem:s31], [sflag:$0x4], $0x80, $0x38;
	[tilespmem:$0xB600] =	vst v63  }
0x2a0: {  	s26 =	sadd.s32 $0x30, s25;
	s31 =	simm.s32 $0xA698  }
0x2a1: {  	[hbm4b:s26+s2] =	stream.linear.scatter [tilespmem:s31], [sflag:$0x4], $0x80, $0x38;
	[tilespmem:$0xB600] =	vst v63  }
0x2a2: {  	s26 =	sadd.s32 $0x40, s25;
	s31 =	simm.s32 $0xA720  }
0x2a3: {  	[hbm4b:s26+s2] =	stream.linear.scatter [tilespmem:s31], [sflag:$0x4], $0x80, $0x38;
	[tilespmem:$0xB600] =	vst v63  }
0x2a4: {  	s26 =	sadd.s32 $0x50, s25;
	s31 =	simm.s32 $0xA7A8  }
0x2a5: {  	[hbm4b:s26+s2] =	stream.linear.scatter [tilespmem:s31], [sflag:$0x4], $0x80, $0x38;
	[tilespmem:$0xB600] =	vst v63  }
0x2a6: {  	s26 =	sadd.s32 $0x60, s25;
	s31 =	simm.s32 $0xA830  }
0x2a7: {  	[hbm4b:s26+s2] =	stream.linear.scatter [tilespmem:s31], [sflag:$0x4], $0x80, $0x38;
	[tilespmem:$0xB600] =	vst v63  }
0x2a8: {  	s25 =	sadd.s32 $0x70, s25;
	s31 =	simm.s32 $0xA8B8;
	s26 =	sor.u32 $0x14000, s24  }
0x2a9: {  	[hbm4b:s25+s2] =	stream.linear.scatter [tilespmem:s31], [sflag:$0x4], $0x80, $0x38;
	[tilespmem:$0xB600] =	vst v63  }
0x2aa: {  	s28 =	simm.s32 $0xA940;
	s25 =	sadd.s32 s1, s26  }
0x2ab: {  	[hbm4b:s25+s2] =	stream.linear.scatter [tilespmem:s28], [sflag:$0x4], $0x80, $0x38;
	[tilespmem:$0xB600] =	vst v63  }
0x2ac: {  	s31 =	simm.s32 $0xA9C8;
	s26 =	sadd.s32 $0x10, s25  }
0x2ad: {  	[hbm4b:s26+s2] =	stream.linear.scatter [tilespmem:s31], [sflag:$0x4], $0x80, $0x38;
	[tilespmem:$0xB600] =	vst v63  }
0x2ae: {  	s26 =	sadd.s32 $0x20, s25;
	s31 =	simm.s32 $0xAA50  }
0x2af: {  	[hbm4b:s26+s2] =	stream.linear.scatter [tilespmem:s31], [sflag:$0x4], $0x80, $0x38;
	[tilespmem:$0xB600] =	vst v63  }
0x2b0: {  	s26 =	sadd.s32 $0x30, s25;
	s31 =	simm.s32 $0xAAD8  }
0x2b1: {  	[hbm4b:s26+s2] =	stream.linear.scatter [tilespmem:s31], [sflag:$0x4], $0x80, $0x38;
	[tilespmem:$0xB600] =	vst v63  }
0x2b2: {  	s26 =	sadd.s32 $0x40, s25;
	s31 =	simm.s32 $0xAB60  }
0x2b3: {  	[hbm4b:s26+s2] =	stream.linear.scatter [tilespmem:s31], [sflag:$0x4], $0x80, $0x38;
	[tilespmem:$0xB600] =	vst v63  }
0x2b4: {  	s26 =	sadd.s32 $0x50, s25;
	s31 =	simm.s32 $0xABE8  }
0x2b5: {  	[hbm4b:s26+s2] =	stream.linear.scatter [tilespmem:s31], [sflag:$0x4], $0x80, $0x38;
	[tilespmem:$0xB600] =	vst v63  }
0x2b6: {  	s26 =	sadd.s32 $0x60, s25;
	s31 =	simm.s32 $0xAC70  }
0x2b7: {  	[hbm4b:s26+s2] =	stream.linear.scatter [tilespmem:s31], [sflag:$0x4], $0x80, $0x38;
	[tilespmem:$0xB600] =	vst v63  }
0x2b8: {  	s28 =	sor.u32 $0x18000, s24;
	s25 =	sadd.s32 $0x70, s25;
	s31 =	simm.s32 $0xACF8  }
0x2b9: {  	[hbm4b:s25+s2] =	stream.linear.scatter [tilespmem:s31], [sflag:$0x4], $0x80, $0x38;
	[tilespmem:$0xB600] =	vst v63  }
0x2ba: {  	s25 =	sadd.s32 s1, s28;
	s31 =	simm.s32 $0xAD80  }
0x2bb: {  	[hbm4b:s25+s2] =	stream.linear.scatter [tilespmem:s31], [sflag:$0x4], $0x80, $0x38;
	[tilespmem:$0xB600] =	vst v63  }
0x2bc: {  	s28 =	sadd.s32 $0x10, s25  }
0x2bd: {  	[hbm4b:s28+s2] =	stream.linear.scatter [tilespmem:s0], [sflag:$0x4], $0x80, $0x38;
	[tilespmem:$0xB600] =	vst v63  }
0x2be: {  	s31 =	sadd.s32 $0x20, s25  }
0x2bf: {  	[hbm4b:s31+s2] =	stream.linear.scatter [tilespmem:s9], [sflag:$0x4], $0x80, $0x38;
	[tilespmem:$0xB600] =	vst v63  }
0x2c0: {  	s28 =	sadd.s32 $0x30, s25  }
0x2c1: {  	[hbm4b:s28+s2] =	stream.linear.scatter [tilespmem:s3], [sflag:$0x4], $0x80, $0x38;
	[tilespmem:$0xB600] =	vst v63  }
0x2c2: {  	s31 =	sadd.s32 $0x40, s25  }
0x2c3: {  	[hbm4b:s31+s2] =	stream.linear.scatter [tilespmem:s7], [sflag:$0x4], $0x80, $0x38;
	[tilespmem:$0xB600] =	vst v63  }
0x2c4: {  	s28 =	sadd.s32 $0x50, s25  }
0x2c5: {  	[hbm4b:s28+s2] =	stream.linear.scatter [tilespmem:s10], [sflag:$0x4], $0x80, $0x38;
	[tilespmem:$0xB600] =	vst v63  }
0x2c6: {  	s31 =	sadd.s32 $0x60, s25  }
0x2c7: {  	[hbm4b:s31+s2] =	stream.linear.scatter [tilespmem:s11], [sflag:$0x4], $0x80, $0x38;
	[tilespmem:$0xB600] =	vst v63  }
0x2c8: {  	s24 =	sor.u32 $0x1C000, s24;
	s25 =	sadd.s32 $0x70, s25  }
0x2c9: {  	[hbm4b:s25+s2] =	stream.linear.scatter [tilespmem:s4], [sflag:$0x4], $0x80, $0x38;
	[tilespmem:$0xB600] =	vst v63  }
0x2ca: {  	s24 =	sadd.s32 s1, s24  }
0x2cb: {  	[hbm4b:s24+s2] =	stream.linear.scatter [tilespmem:s6], [sflag:$0x4], $0x80, $0x38;
	[tilespmem:$0xB600] =	vst v63  }
0x2cc: {  	s26 =	sadd.s32 $0x10, s24  }
0x2cd: {  	[hbm4b:s26+s2] =	stream.linear.scatter [tilespmem:s8], [sflag:$0x4], $0x80, $0x38;
	[tilespmem:$0xB600] =	vst v63  }
0x2ce: {  	s28 =	sadd.s32 $0x20, s24  }
0x2cf: {  	[hbm4b:s28+s2] =	stream.linear.scatter [tilespmem:s12], [sflag:$0x4], $0x80, $0x38;
	[tilespmem:$0xB600] =	vst v63  }
0x2d0: {  	s31 =	sadd.s32 $0x30, s24  }
0x2d1: {  	[hbm4b:s31+s2] =	stream.linear.scatter [tilespmem:s15], [sflag:$0x4], $0x80, $0x38;
	[tilespmem:$0xB600] =	vst v63  }
0x2d2: {  	s23 =	sadd.s32 $0x1, s23;
	s26 =	sadd.s32 $0x40, s24  }
0x2d3: {  	[hbm4b:s26+s2] =	stream.linear.scatter [tilespmem:s16], [sflag:$0x4], $0x80, $0x38;
	[tilespmem:$0xB600] =	vst v63  }
0x2d4: {  	p0 =	sne.s32 s23, $0x19;
	s28 =	sadd.s32 $0x50, s24  }
0x2d5: {  	[hbm4b:s28+s2] =	stream.linear.scatter [tilespmem:s17], [sflag:$0x4], $0x80, $0x38;
	[tilespmem:$0xB600] =	vst v63  }
.Ltmp3:
0x2d6: {  	_ = 	snop;
	(pc) =	sbr.rel @p0 .LBB2_5-.Ltmp3, $4  }
0x2d7: {  	s31 =	sadd.s32 $0x60, s24  }
0x2d8: {  	[hbm4b:s31+s2] =	stream.linear.scatter [tilespmem:s18], [sflag:$0x4], $0x80, $0x38;
	[tilespmem:$0xB600] =	vst v63  }
0x2d9: {  	s24 =	sadd.s32 $0x70, s24  }
0x2da: {  	[hbm4b:s24+s2] =	stream.linear.scatter [tilespmem:s19], [sflag:$0x4], $0x80, $0x38;
	[tilespmem:$0xB600] =	vst v63  }
0x2db: {  	s31 =	rddreg [dreg:$0x7]  }
0x2dc: {  	s31 =	sadd.s32 $0x1, s31  }
0x2dd: {  	p0 =	sne.s32 s31, $0x4  }
.Ltmp4:
0x2de: {  	_ = 	snop;
	(pc) =	sbr.rel @p0 .LBB2_2-.Ltmp4, $1  }
0x2df: {  	_ =	sdelay $0x3  }
0x2e0: {  	s20 =	simm.s32 $0x3  }
0x2e1: {  	_ =	swait.ge [sflag:s20], $0x400  }
0x2e2: {  	[sflag:s20] =	ssyncset.done $0x0  }
0x2e3: {  	[sflag:s20] =	ssyncadd.s32 $0xFFFFFC00  }
0x2e4: {  	_ =	swait.ge [sflag:s20], $0x400  }
0x2e5: {  	[sflag:s20] =	ssyncset.done $0x0  }
0x2e6: {  	[sflag:s20] =	ssyncadd.s32 $0xFFFFFC00  }
0x2e7: {  	_ =	swait.ge [sflag:s20], $0x400  }
0x2e8: {  	[sflag:s20] =	ssyncset.done $0x0  }
0x2e9: {  	[sflag:s20] =	ssyncadd.s32 $0xFFFFFC00  }
0x2ea: {  	_ =	swait.ge [sflag:s20], $0x400  }
0x2eb: {  	[sflag:s20] =	ssyncset.done $0x0  }
0x2ec: {  	[sflag:s20] =	ssyncadd.s32 $0xFFFFFC00  }
0x2ed: {  	_ =	swait.ge [sflag:s20], $0x400  }
0x2ee: {  	[sflag:s20] =	ssyncset.done $0x0  }
0x2ef: {  	[sflag:s20] =	ssyncadd.s32 $0xFFFFFC00  }
0x2f0: {  	_ =	swait.ge [sflag:s20], $0x400  }
0x2f1: {  	[sflag:s20] =	ssyncset.done $0x0  }
0x2f2: {  	[sflag:s20] =	ssyncadd.s32 $0xFFFFFC00  }
0x2f3: {  	_ =	swait.ge [sflag:s20], $0x400  }
0x2f4: {  	[sflag:s20] =	ssyncset.done $0x0  }
0x2f5: {  	[sflag:s20] =	ssyncadd.s32 $0xFFFFFC00  }
0x2f6: {  	_ =	swait.ge [sflag:s20], $0x400  }
0x2f7: {  	[sflag:s20] =	ssyncset.done $0x0  }
0x2f8: {  	s21 =	simm.s32 $0x4;
	[sflag:s20] =	ssyncadd.s32 $0xFFFFFC00  }
0x2f9: {  	_ =	swait.ge [sflag:s21], $0x400  }
0x2fa: {  	[sflag:s21] =	ssyncset.done $0x0  }
0x2fb: {  	[sflag:s21] =	ssyncadd.s32 $0xFFFFFC00  }
0x2fc: {  	_ =	swait.ge [sflag:s21], $0x400  }
0x2fd: {  	[sflag:s21] =	ssyncset.done $0x0  }
0x2fe: {  	[sflag:s21] =	ssyncadd.s32 $0xFFFFFC00  }
0x2ff: {  	_ =	swait.ge [sflag:s21], $0x400  }
0x300: {  	[sflag:s21] =	ssyncset.done $0x0  }
0x301: {  	[sflag:s21] =	ssyncadd.s32 $0xFFFFFC00  }
0x302: {  	_ =	swait.ge [sflag:s21], $0x400  }
0x303: {  	[sflag:s21] =	ssyncset.done $0x0  }
0x304: {  	[sflag:s21] =	ssyncadd.s32 $0xFFFFFC00  }
0x305: {  	_ =	swait.ge [sflag:s21], $0x400  }
0x306: {  	[sflag:s21] =	ssyncset.done $0x0  }
0x307: {  	[sflag:s21] =	ssyncadd.s32 $0xFFFFFC00  }
0x308: {  	_ =	swait.ge [sflag:s21], $0x400  }
0x309: {  	[sflag:s21] =	ssyncset.done $0x0  }
0x30a: {  	[sflag:s21] =	ssyncadd.s32 $0xFFFFFC00  }
0x30b: {  	_ =	swait.ge [sflag:s21], $0x400  }
0x30c: {  	[sflag:s21] =	ssyncset.done $0x0  }
0x30d: {  	[sflag:s21] =	ssyncadd.s32 $0xFFFFFC00  }
0x30e: {  	_ =	swait.ge [sflag:s21], $0x400  }
0x30f: {  	s22 =	rddreg [dreg:$0x6]  }
0x310: {  	s31 =	rddreg [dreg:$0x5];
	s22 =	sadd.s32 $0x1, s22  }
0x311: {  	p0 =	sne.s32 s22, s31  }
.Ltmp5:
0x312: {  	_ = 	snop;
	(pc) =	sbr.rel @p0 .LBB2_1-.Ltmp5, $3  }
0x313: {  	_ =	sdelay $0x1  }
0x314: {  	[sflag:s21] =	ssyncset.done $0x0  }
0x315: {  	[sflag:s21] =	ssyncadd.s32 $0xFFFFFC00  }
0x316: {  	_ =	sfence.sel $0x180000  }
0x317: {  	[bflag:$0x0] =	sbarrier.arrive $0xFFFF  }
0x318: {  	_ =	strace $0x9000004A  }
0x319: {  	s0 =	stileid.u32;
	[bflag:$0x2] =	sbarrier.arrive $0xFFFF  }
0x31a: {  	p0 =	sne.s32 s0, $0x0;
	s0 =	rddreg [dreg:$0x2]  }
0x31b: {  	s0 =	sadd.s32 @!p0 $0x100000, s0  }
0x31c: {  	[sflag:s0] =	ssyncadd.tile.s32 @!p0 $0x1;
	_ =	shalt  }
.Lfunc_end2:
_tile_overlayer_lowered:
.L_overlay_start_2:
0x31d: {  	(tag) =	ssettag $0x2  }
0x31e: {  	s0 =	rddreg [dreg:$0x0];
	s2 =	stileid.u32  }
0x31f: {  	s1 =	rddreg [dreg:$0x1];
	p0 =	sne.s32 s2, $0x0  }
0x320: {  	s3 =	rddreg [dreg:$0x2];
	[bflag:$0x3] =	sbarrier.arrive $0xFFFF;
	s2 =	simm.s32 @!p0 $0x1C05  }
0x321: {  	[timem:s3], [sflag:s2] =	dma.local @!p0 [hbm:s0], s1  }
0x322: {  	s0 =	simm.s32 @!p0 $0x5  }
0x323: {  	_ =	swait.ge @!p0 [sflag:s0], s1  }
0x324: {  	s1 =	ssub.s32 @!p0 $0x0, s1;
	[sflag:s0] =	ssyncset.done @!p0 $0x0  }
0x325: {  	[sflag:s0] =	ssyncadd.s32 @!p0 s1  }
0x326: {  	[bflag:$0x3] =	sbarrier.arrive $0xFFFF  }
0x327: {  	_ =	shalt  }

// kernel: sparse-core-data-format-call.cloned.1.call-start
scs
called_computation_lowered:
.L_overlay_start_0:
0x0: {  	s2 =	sld [smem:$0x3FD9]  }
0x1: {  	s3 =	sld [smem:$0x3FFE];
	_ =	sdelay $0x1  }
0x2: {  	s1 =	srdreg.scid  }
0x3: {  	s0 =	sand.u32 $0x1, s1  }
0x4: {  	s18 =	sshll.u32 s0, $0xA;
	s2 =	sadd.s32 s3, s2  }
0x5: {  	s2 =	sadd.s32 s2, s18  }
0x6: {  	[smem:$0x3FC6] =	sst s2  }
0x7: {  	_ = 	snop  }
0x8: {  	s2 =	sld [smem:$0x3FC8];
	(tm) =	ssettm $0x1  }
0x9: {  	s19 =	sld [smem:$0x3FFB];
	_ =	sdelay $0x3  }
0xa: {  	_ =	strace s19  }
0xb: {  	s3 =	sld [smem:$0x3FFC];
	_ =	sdelay $0x3  }
0xc: {  	_ =	strace s3  }
0xd: {  	s3 =	sld [smem:$0x3FFD];
	_ =	sdelay $0x3  }
0xe: {  	_ =	strace s3  }
0xf: {  	_ =	strace $0x8FFFFFFF  }
0x10: {  	s20 =	sld [smem:$0x3FDB];
	_ =	sdelay $0x1  }
0x11: {  	s4 =	simm.s32 $_scs_section_size  }
0x12: {  	s5 =	simm.s32 $_size__tile_overlayer_lowered;
	s6 =	simm.s32 $_tile_overlayer_lowered  }
0x13: {  	s23 =	simm.s32 $0x1BFF;
	s22 =	sshll.u32 s6, $0x1;
	s3 =	sadd.s32 s4, s20  }
0x14: {  	s7 =	simm.s32 $0x0;
	s21 =	sshll.u32 s5, $0x1;
	s5 =	sadd.s32 s22, s3  }
0x15: {  	[timem:s7], [sflag:s23] =	dma.local [hbm:s5], s21  }
0x16: {  	_ =	swait.ge [sflag:s23], s21  }
0x17: {  	s4 =	ssub.s32 $0x0, s21;
	[sflag:s23] =	ssyncset.done $0x0  }
0x18: {  	[sflag:s23] =	ssyncadd.s32 s4;
	_ =	sdelay $0x1  }
0x19: {  	s24 =	simm.s32 $0x1B8B  }
0x1a: {  	_ =	swait.ge [sflag:s24], $0x1  }
0x1b: {  	[sflag:s24] =	ssyncset.done $0x0  }
0x1c: {  	s26 =	simm.s32 $0x1B8E;
	s25 =	sld [smem:$0x3FFE];
	[sflag:s24] =	ssyncadd.s32 $0xFFFFFFFF  }
0x1d: {  	s27 =	simm.s32 $execute0_lowered;
	[smem:$0x3FD2] =	sst s26  }
0x1e: {  	s5 =	sshll.u32 s27, $0x1;
	_ =	strace $0x80000046;
	[dreg:$0x1] =	wrdreg $0xFFFFFFFF  }
0x1f: {  	s28 =	simm.s32 $_size_execute0_lowered;
	s3 =	sadd.s32 s3, s5;
	[dreg:$0x0] =	wrdreg $0x0  }
0x20: {  	s5 =	sshll.u32 s28, $0x1;
	[dreg:$0x2] =	wrdreg s3  }
0x21: {  	[dreg:$0x3] =	wrdreg s5  }
0x22: {  	[dreg:$0x4] =	wrdreg $0xC0  }
0x23: {  	_ =	task [dreg:s7], $0x5FFFF  }
0x24: {  	[dreg:$0x1] =	wrdreg $0xFFFFFFFF  }
0x25: {  	[dreg:$0x0] =	wrdreg $0x60  }
0x26: {  	[dreg:$0x2] =	wrdreg s2  }
0x27: {  	[dreg:$0x3] =	wrdreg s25  }
0x28: {  	[dreg:$0x4] =	wrdreg $0x9  }
0x29: {  	_ =	task.clear_ibuf [dreg:s7], $0x5FFFF;
	_ =	strace $0x90000046  }
0x2a: {  	s29 =	simm.s32 $0x9;
	_ =	strace $0x80000048  }
0x2b: {  	_ =	swait.ge [sflag:s29], $0x1  }
0x2c: {  	[sflag:s29] =	ssyncadd.s32 $0xFFFFFFFF  }
0x2d: {  	_ =	strace $0x90000048  }
0x2e: {  	_ =	sfence  }
0x2f: {  	s30 =	sld [smem:$0x0];
	_ =	sdelay $0x2  }
0x30: {  	s31 =	sshll.u32 s1, $0xD;
	s1 =	sshrl.u32 s1, $0x2  }
0x31: {  	s3 =	sand.u32 $0x4000, s31;
	s1 =	sadd.s32 s1, s30  }
0x32: {  	s0 =	sor.u32 s3, s0;
	s1 =	sshll.u32 s1, $0x11  }
0x33: {  	s0 =	sor.u32 s1, s0  }
0x34: {  	s0 =	sadd.s32 $0x8F2B, s0  }
0x35: {  	[sflag:s0] =	ssyncadd.remote.s32 $0x1  }
0x36: {  	_ =	sfence.sel $0xFFFF  }
0x37: {  	[dreg:$0x0] =	wrdreg $0xFFFFFFFF;
	(pc) =	sbr.abs _section_cstart, $3  }
0x38: {  	[dreg:$0x1] =	wrdreg $0xFFFFFFFF  }
0x39: {  	_ =	task.clear_ibuf [dreg:s7], $0x2FFFF;
	_ =	strace $0x9FFFFFFF  }
0x3a: {  	(tm) =	ssettm $0x7FFFFFFF  }
0x3b: {  	_ =	shalt  }
tec
execute0_lowered:
.L_overlay_start_1:
0x0: {  	(tag) =	ssettag $0x1  }
0x1: {  	s0 =	srdreg.scid;
	s2 =	rddreg [dreg:$0x0]  }
0x2: {  	s5 =	rddreg [dreg:$0x1];
	s1 =	stileid.u32  }
0x3: {  	s4 =	simm.s32 $0x1;
	s6 =	simm.s32 $0x2;
	s15 =	simm.s32 $0x0  }
0x4: {  	p0 =	por $0x0, $0x0;
	s8 =	simm.s32 $0x80;
	s0 =	sshll.u32 s0, $0x4  }
0x5: {  	s14 =	simm.s32 $0x0;
	s9 =	simm.s32 $0x0;
	s3 =	sand.u32 $0x10, s0  }
.Ltmp0:
0x6: {  	s10 =	simm.s32 $0x0;
	s3 =	sor.u32 s1, s3;
	(pc) =	sbr.rel .LBB1_1-.Ltmp0, $4  }
0x7: {  	s0 =	rddreg [dreg:$0x2];
	_ =	strace $0x80000047;
	s3 =	sshll.u32 s3, $0x7  }
0x8: {  	s12 =	simm.s32 $0x0;
	[sflag:s4] =	ssyncpa.u1 $0x0;
	s7 =	ssub.s32 $0xF4200, s3  }
0x9: {  	s13 =	simm.s32 $0x0;
	[sflag:s6] =	ssyncpa.u1 $0x0;
	s6 =	sshrl.u32 s7, $0xC  }
0xa: {  	s5 =	sadd.s32 $0xA00, s5;
	s11 =	smov.u32 s3;
	s7 =	sadd.s32 $0x2, s6  }
.LBB1_5:
0xb: {  	p1 =	slt.u32 s13, $0x2  }
0xc: {  	s17 =	smov.u32 s15;
	p2 =	sgt.s32 @!p1 s15, $0xF41C0;
	s16 =	sshra.s32 @!p1 s15, $0x1F  }
0xd: {  	p3 =	sgt.s32 @!p1 s14, $0x40;
	s18 =	sshra.s32 @!p1 s14, $0x1F;
	p2 =	por !p2, p1  }
0xe: {  	s15 =	sand.u32 @!p1 s16, s15;
	p3 =	por !p3, p1;
	s16 =	smov.u32 s14  }
0xf: {  	s14 =	sand.u32 @!p1 s18, s14;
	s17 =	simm.s32 @p2 $0xF41C0;
	s16 =	simm.s32 @p3 $0x40  }
0x10: {  	s15 =	ssub.s32 @!p1 s17, s15;
	s14 =	ssub.s32 @!p1 s16, s14  }
0x11: {  	s18 =	smov.u32 s12;
	s16 =	sadd.s32 @!p1 $0xFFF0BE40, s15;
	s17 =	sadd.s32 @!p1 $0xFFFFFFC0, s14  }
0x12: {  	s15 =	ssub.s32 @!p1 $0xF4240, s15;
	p2 =	sgt.s32 @!p1 s16, $0x7F;
	p3 =	sgt.s32 @!p1 s17, $0x3F  }
0x13: {  	s14 =	ssub.s32 @!p1 $0x80, s14;
	p2 =	por !p2, p1;
	p3 =	por !p3, p1  }
0x14: {  	s16 =	sadd.s32 $0x1000, s11;
	s15 =	simm.s32 @!p2 $0x0;
	s14 =	simm.s32 @!p3 $0x0  }
0x15: {  	p2 =	sgt.s32 s16, $0xF423F;
	s14 =	smul.u32 @!p1 s14, s15;
	s15 =	sadd.s32 $0x40, s12  }
0x16: {  	s18 =	smov.u32 @p2 s15  }
0x17: {  	s16 =	smov.u32 @p2 s3;
	p2 =	sgt.s32 s18, $0x3F  }
0x18: {  	s18 =	simm.s32 @p2 $0x0;
	p2 =	sne.s32 s13, s7  }
.Ltmp1:
0x19: {  	p0 =	por !p0, !p0;
	s17 =	simm.s32 @!p1 $0x2;
	(pc) =	sbr.rel @!p2 .LBB1_6-.Ltmp1, $4  }
0x1a: {  	s15 =	smov.u32 s9;
	s9 =	smov.u32 s11;
	s14 =	sand.u32 @!p1 $0x3FFFFFFF, s14  }
0x1b: {  	s11 =	smov.u32 s16;
	_ =	swait.ge @!p1 [sflag:s17], s14;
	s19 =	ssub.s32 @!p1 $0x0, s14  }
0x1c: {  	s14 =	smov.u32 s10;
	s13 =	sadd.s32 $0x1, s13;
	[sflag:s17] =	ssyncset.done @!p1 $0x0  }
0x1d: {  	s10 =	smov.u32 s12;
	s12 =	smov.u32 s18;
	[sflag:s17] =	ssyncadd.s32 @!p1 s19  }
.LBB1_1:
0x1e: {  	p1 =	sgt.u32 s13, s6  }
0x1f: {  	s16 =	sshrl.u32 @!p1 s12, $0x3  }
0x20: {  	s17 =	sshll.u32 @!p1 s11, $0x3;
	s16 =	smul.u32 @!p1 $0x7A1400, s16  }
0x21: {  	s18 =	sshll.u32 @!p1 s12, $0x7;
	s17 =	sand.u32 @!p1 $0xFFFFFC00, s17  }
0x22: {  	s16 =	sadd.s32 @!p1 s16, s17;
	s17 =	sand.u32 @!p1 $0x380, s18  }
0x23: {  	s18 =	sand.u32 @!p1 $0x7F, s11;
	s16 =	sor.u32 @!p1 s17, s16  }
0x24: {  	s17 =	sor.u32 @!p1 s18, s16  }
0x25: {  	s18 =	smulhi.u32 @!p1 $0x218D6287, s17;
	_ =	sdelay $0x1  }
0x26: {  	s16 =	smulhi.u32 @!p1 $0x218D6287, s16;
	s18 =	sshrl.u32 @!p1 s18, $0x11  }
0x27: {  	s18 =	smul.u32 @!p1 $0xF4280, s18  }
0x28: {  	s19 =	sxor.u32 @!p1 $0xFFFFFFFF, s13;
	s16 =	sshrl.u32 @!p1 s16, $0x11  }
0x29: {  	s19 =	sshll.u32 @!p1 s19, $0xD;
	s16 =	sand.u32 @!p1 $0x3F, s16;
	s17 =	ssub.s32 @!p1 s17, s18  }
0x2a: {  	s16 =	smul.u32 @!p1 $0x1E850, s16;
	s18 =	sshrl.u32 @!p1 s17, $0x3;
	s17 =	sand.u32 @!p1 $0x7, s17  }
0x2b: {  	s19 =	sand.u32 @!p1 $0x2000, s19;
	s18 =	sadd.s32 @!p1 s2, s18;
	s17 =	sshll.u32 @!p1 s17, $0x12  }
0x2c: {  	s16 =	sadd.s32 @!p1 s16, s18;
	s17 =	sor.u32 @!p1 $0x400, s17;
	s18 =	simm.s32 @!p1 $0x7A1400  }
0x2d: {  	[tilespmem:s19], [sflag:$0x1] =	stream.strided.gather @!p1 [hbm4b:s16+s17], $0x2000, s18, s17, $0x38;
	[tilespmem:$0x8100] =	vst v63  }
0x2e: {  	p1 =	seq.s32 s13, $0x0  }
0x2f: {  	p2 =	sge.u32 @!p1 s13, s7  }
0x30: {  	p1 =	por p1, p2  }
.Ltmp2:
0x31: {  	_ = 	snop;
	(pc) =	sbr.rel @p1 .LBB1_5-.Ltmp2, $1  }
0x32: {  	_ =	sdelay $0x3  }
0x33: {  	s16 =	simm.s32 $0x1  }
0x34: {  	_ =	swait.ge [sflag:s4], $0x2000;
	s16 =	simm.s32 @!p0 $0x0  }
0x35: {  	[sflag:s4] =	ssyncset.done $0x0;
	s17 =	sshll.u32 s16, $0xD  }
0x36: {  	[sflag:s4] =	ssyncadd.s32 $0xFFFFE000;
	s17 =	sor.u32 $0x40, s17  }
0x37: {  	s16 =	smul.u32 $0x8200, s16;
	v0 =	vld [tilespmem:s17+$0x30]  }
0x38: {  	v1 =	vld [tilespmem:s17+$0xFFFFFFD0]  }
0x39: {  	s16 =	sshrl.u32 s16, $0x2;
	v5 =	vld [tilespmem:s17+$0xFFFFFFE0]  }
0x3a: {  	v6 =	vld [tilespmem:s17+$0xFFFFFFF0];
	s19 =	sor.u32 $0x4000, s16  }
0x3b: {  	s31 =	sand.u32 $0x1, s13;
	v4 =	vld [tilespmem:s17+$0x0];
	s18 =	sadd.s32 $0x0, s19  }
0x3c: {  	v3 =	vld [tilespmem:s17+$0x10];
	s16 =	smul.u32 $0x8200, s31;
	[tilespmem:s18+$0x1C70 ss:$0x41] =	vst.msk $0xffff, v0  }
0x3d: {  	v2 =	vld [tilespmem:s17+$0x20];
	[tilespmem:s18+$0x410 ss:$0x41] =	vst.msk $0xffff, v1  }
0x3e: {  	s16 =	sshrl.u32 s16, $0x2;
	v1 =	vld [tilespmem:s17+$0xFFFFFFC0];
	[tilespmem:s18+$0x820 ss:$0x41] =	vst.msk $0xffff, v5;
	s17 =	sadd.s32 $0x80, s17  }
0x3f: {  	s20 =	simm.s32 $0x4;
	s21 =	simm.s32 $0x8;
	s16 =	sor.u32 $0x4000, s16;
	[tilespmem:s18+$0xC30 ss:$0x41] =	vst.msk $0xffff, v6;
	v0 =	vld [tilespmem:s17+$0x30]  }
.LBB1_3:
0x40: {  	p1 =	sne.s32 s21, $0xFC;
	v5 =	vld [tilespmem:s17+$0xFFFFFFD0];
	[tilespmem:s18+$0x1040 ss:$0x41] =	vst.msk $0xffff, v4  }
0x41: {  	v6 =	vld [tilespmem:s17+$0xFFFFFFE0];
	[tilespmem:s18+$0x1450 ss:$0x41] =	vst.msk $0xffff, v3  }
0x42: {  	s22 =	sshra.s32 s20, $0x2;
	s20 =	smov.u32 s21;
	v7 =	vld [tilespmem:s17+$0xFFFFFFF0];
	[tilespmem:s18+$0x1860 ss:$0x41] =	vst.msk $0xffff, v2  }
.Ltmp3:
0x43: {  	v4 =	vld [tilespmem:s17+$0x0];
	[tilespmem:s18+$0x0 ss:$0x41] =	vst.msk $0xffff, v1;
	s18 =	sadd.s32 s22, s19;
	(pc) =	sbr.rel @p1 .LBB1_3-.Ltmp3, $4  }
0x44: {  	v3 =	vld [tilespmem:s17+$0x10];
	[tilespmem:s18+$0x1C70 ss:$0x41] =	vst.msk $0xffff, v0  }
0x45: {  	[tilespmem:s18+$0x410 ss:$0x41] =	vst.msk $0xffff, v5;
	v2 =	vld [tilespmem:s17+$0x20]  }
0x46: {  	v1 =	vld [tilespmem:s17+$0xFFFFFFC0];
	[tilespmem:s18+$0x820 ss:$0x41] =	vst.msk $0xffff, v6;
	s17 =	sadd.s32 $0x80, s17  }
0x47: {  	s21 =	sadd.s32 $0x4, s21;
	v0 =	vld [tilespmem:s17+$0x30];
	[tilespmem:s18+$0xC30 ss:$0x41] =	vst.msk $0xffff, v7  }
0x48: {  	s21 =	sshll.u32 s9, $0x7;
	s22 =	sshll.u32 s10, $0x3;
	s20 =	sshra.s32 s20, $0x2  }
0x49: {  	p1 =	sgt.s32 s9, $0xF41C0;
	s30 =	sshra.s32 s9, $0x1F;
	s25 =	sshra.s32 s10, $0x1F  }
0x4a: {  	v5 =	vld [tilespmem:s17+$0xFFFFFFD0];
	s28 =	sshrl.u32 s10, $0x3;
	s23 =	sand.u32 $0xFFFFFC00, s21;
	s22 =	sand.u32 $0xFFFFFC00, s22  }
0x4b: {  	[tilespmem:s18+$0x1040 ss:$0x41] =	vst.msk $0xffff, v4;
	v58 =	vld [tilespmem:s17+$0xFFFFFFE0];
	s21 =	sand.u32 $0x380, s21;
	s19 =	sadd.s32 s20, s19;
	s22 =	sadd.s32 s22, s23  }
0x4c: {  	v59 =	vld [tilespmem:s17+$0xFFFFFFF0];
	[tilespmem:s18+$0x1450 ss:$0x41] =	vst.msk $0xffff, v3;
	s29 =	sor.u32 s21, s22;
	s21 =	smov.u32 s9;
	s22 =	sand.u32 s30, s9  }
0x4d: {  	v60 =	vld [tilespmem:s17+$0x0];
	[tilespmem:s18+$0x1860 ss:$0x41] =	vst.msk $0xffff, v2;
	s30 =	sand.u32 $0x7, s10;
	s20 =	sshrl.u32 s29, $0x7;
	s21 =	simm.s32 @!p1 $0xF41C0  }
0x4e: {  	v61 =	vld [tilespmem:s17+$0x10];
	[tilespmem:s18+$0x0 ss:$0x41] =	vst.msk $0xffff, v1;
	p1 =	sgt.s32 s10, $0x40;
	s24 =	ssub.s32 s21, s22;
	s21 =	smov.u32 s10  }
0x4f: {  	v62 =	vld [tilespmem:s17+$0x20];
	[tilespmem:s19+$0x1C70 ss:$0x41] =	vst.msk $0xffff, v0;
	s31 =	smulhi.u32 $0x218DEF5, s20;
	s22 =	sand.u32 s25, s10;
	s21 =	simm.s32 @!p1 $0x40  }
0x50: {  	v63 =	vld [tilespmem:s17+$0xFFFFFFC0];
	[tilespmem:s19+$0x410 ss:$0x41] =	vst.msk $0xffff, v5;
	s26 =	sadd.s32 $0xFFF0BE40, s24;
	s17 =	ssub.s32 $0xF4240, s24;
	s21 =	ssub.s32 s21, s22  }
0x51: {  	[tilespmem:s19+$0x820 ss:$0x41] =	vst.msk $0xffff, v58;
	s23 =	sshrl.u32 s31, $0xD;
	p1 =	sgt.s32 s26, $0x7F;
	s27 =	sadd.s32 $0xFFFFFFC0, s21  }
0x52: {  	[tilespmem:s19+$0xC30 ss:$0x41] =	vst.msk $0xffff, v59;
	s23 =	smul.u32 $0xF4240, s23;
	s18 =	ssub.s32 $0x80, s21;
	p2 =	sgt.s32 s27, $0x3F  }
.Ltmp4:
0x53: {  	[tilespmem:s19+$0x1040 ss:$0x41] =	vst.msk $0xffff, v60;
	s17 =	simm.s32 @p1 $0x0;
	s18 =	simm.s32 @p2 $0x0;
	(pc) =	sbr.rel .LBB1_5-.Ltmp4, $4  }
0x54: {  	s29 =	sand.u32 $0xF, s28;
	[tilespmem:s19+$0x1450 ss:$0x41] =	vst.msk $0xffff, v61;
	s20 =	ssub.s32 s20, s23;
	s17 =	smul.u32 s18, s17  }
0x55: {  	[tilespmem:s19+$0x1860 ss:$0x41] =	vst.msk $0xffff, v62;
	s21 =	sshll.u32 s30, $0x12;
	s20 =	sshll.u32 s20, $0x4;
	s18 =	sadd.s32 s5, s29  }
0x56: {  	[tilespmem:s19+$0x0 ss:$0x41] =	vst.msk $0xffff, v63;
	s31 =	sor.u32 $0x40, s21;
	s18 =	sadd.s32 s20, s18;
	s17 =	sand.u32 $0x3FFFFFFF, s17  }
0x57: {  	[hbm4b:s18+s31] =	stream.strided.scatter [tilespmem:s16], [sflag:$0x2], s17, s8, s31, $0x18;
	[tilespmem:$0x8100] =	vst v63  }
.LBB1_6:
0x58: {  	_ =	sfence.sel $0x180000  }
0x59: {  	s2 =	simm.s32 $0x1;
	[bflag:$0x0] =	sbarrier.arrive $0xFFFF  }
0x5a: {  	s31 =	simm.s32 $0x2;
	[sflag:s2] =	ssyncpa.u1 $0x1  }
0x5b: {  	[sflag:s31] =	ssyncpa.u1 $0x1  }
0x5c: {  	p0 =	sne.s32 s1, $0x0;
	_ =	strace $0x90000047  }
0x5d: {  	s0 =	sadd.s32 @!p0 $0x100000, s0;
	[bflag:$0x2] =	sbarrier.arrive $0xFFFF  }
0x5e: {  	[sflag:s0] =	ssyncadd.tile.s32 @!p0 $0x1;
	_ =	shalt  }
.Lfunc_end1:
_tile_overlayer_lowered:
.L_overlay_start_2:
0x5f: {  	(tag) =	ssettag $0x2  }
0x60: {  	s0 =	rddreg [dreg:$0x0];
	s2 =	stileid.u32  }
0x61: {  	s1 =	rddreg [dreg:$0x1];
	p0 =	sne.s32 s2, $0x0  }
0x62: {  	s3 =	rddreg [dreg:$0x2];
	[bflag:$0x3] =	sbarrier.arrive $0xFFFF;
	s2 =	simm.s32 @!p0 $0x1C01  }
0x63: {  	[timem:s3], [sflag:s2] =	dma.local @!p0 [hbm:s0], s1  }
0x64: {  	s0 =	simm.s32 @!p0 $0x1  }
0x65: {  	_ =	swait.ge @!p0 [sflag:s0], s1  }
0x66: {  	s1 =	ssub.s32 @!p0 $0x0, s1;
	[sflag:s0] =	ssyncset.done @!p0 $0x0  }
0x67: {  	[sflag:s0] =	ssyncadd.s32 @!p0 s1  }
0x68: {  	[bflag:$0x3] =	sbarrier.arrive $0xFFFF  }
0x69: {  	_ =	shalt  }

</sc_bundles>
